<compile_context>
chip_gen: v7x
topology: tpu7x:2x2x1
jax: 0.10.2.dev20260603
libtpu: 0.0.44.dev20260713+nightly
codegen_flags: <defaults>
</compile_context>

<pallas_src>
import functools

import jax
import jax.numpy as jnp
from jax import lax
from jax.experimental import pallas as pl
from jax.experimental.pallas import tpu as pltpu
from jax.experimental.pallas import tpu_sc as plsc

NC = 2
NS = 16
NW = NC * NS
LANES = 16


def _make_emb_kernel(B, S, D, N, SW, C, SCH):
    mesh = plsc.VectorSubcoreMesh(
        core_axis_name="c", subcore_axis_name="s",
        num_cores=NC, num_subcores=NS,
    )
    NR = SCH * B

    @functools.partial(
        pl.kernel,
        mesh=mesh,
        out_type=jax.ShapeDtypeStruct((N, D), jnp.float32),
        scratch_types=[
            pltpu.VMEM((B, SW), jnp.int32),
            pltpu.VMEM((2, C, D), jnp.float32),
            pltpu.VMEM((2, C, D), jnp.float32),
            [pltpu.SemaphoreType.DMA] * 2,
            [pltpu.SemaphoreType.DMA] * 2,
            [pltpu.SemaphoreType.DMA] * 2,
        ],
    )
    def emb_kernel(idx_hbm, pe_hbm, table_hbm, out_hbm, idx_v, pe_v, rows_v,
                   g_sems, s_sems, p_sems):
        wid = lax.axis_index("s") * NC + lax.axis_index("c")
        s_base = wid * SW
        pltpu.sync_copy(idx_hbm.at[wid], idx_v)

        def gather(r):
            sc, b = divmod(r, B)
            buf = r % 2
            return pltpu.async_copy(
                table_hbm.at[idx_v.at[b, pl.ds(sc * C, C)]],
                rows_v.at[buf], g_sems[buf],
            )

        def pe_load(sc):
            p0 = pl.multiple_of(s_base + sc * C, 8)
            return pltpu.async_copy(
                pe_hbm.at[pl.ds(p0, C)], pe_v.at[sc % 2], p_sems[sc % 2],
            )

        def store(r):
            sc, b = divmod(r, B)
            buf = r % 2
            r0 = pl.multiple_of(b * S + s_base + sc * C, 8)
            return pltpu.async_copy(
                rows_v.at[buf], out_hbm.at[pl.ds(r0, C)], s_sems[buf],
            )

        pe_d = [None] * SCH
        g_d = [None] * NR
        st_d = [None] * NR

        pe_d[0] = pe_load(0)
        g_d[0] = gather(0)
        g_d[1] = gather(1)

        for r in range(NR):
            sc, b = divmod(r, B)
            buf = r % 2
            if b == 0:
                pe_d[sc].wait()
                if sc + 1 < SCH:
                    pe_d[sc + 1] = pe_load(sc + 1)
            if 1 <= r and r + 1 < NR:
                st_d[r - 1].wait()
                g_d[r + 1] = gather(r + 1)
            g_d[r].wait()

            def row_body(i, carry):
                @plsc.parallel_loop(0, D, step=LANES, unroll=4)
                def lane_body(k):
                    sl = pl.ds(k, LANES)
                    plsc.addupdate(rows_v.at[buf, i, sl], pe_v[sc % 2, i, sl])

                return carry

            lax.fori_loop(0, C, row_body, 0)

            st_d[r] = store(r)

        st_d[NR - 2].wait()
        st_d[NR - 1].wait()

    return emb_kernel


def kernel(x, table, pos_encoding):
    B, S = x.shape
    D = table.shape[1]
    N = B * S
    SW = S // NW
    C = 32
    SCH = SW // C

    idx = x.astype(jnp.int32).reshape(B, NW, SW).transpose(1, 0, 2)
    pe = pos_encoding.reshape(S, D).astype(jnp.float32)

    emb = _make_emb_kernel(B, S, D, N, SW, C, SCH)
    out = emb(idx, pe, table)
    return out.reshape(B, S, D)

# --- scband reference (transcript-rebuilt; emitter-appended) ---
"""Pipeline reference for scband-embedder-3461743640621 (READ-ONLY COPY).

The authoritative reference and input builder live on the scoring server;
editing this copy changes nothing except your own understanding.
"""

import jax, jax.numpy as jnp
import numpy as np

DICT_SIZE = 100000
DIM_MODEL = 768
MAX_SEQ_LEN = 4096
BATCH = 4
SEQ_LEN = 4096


def make_pos_encoding(max_seq_len, dim_model):
    # Faithful to the original loop: pe[pos, i] = sin(pos / 10000**(i/d)) for even i,
    # pe[pos, i] = cos(pos / 10000**(i/d)) for odd i (exponent uses the index itself).
    pos = jnp.arange(max_seq_len, dtype=jnp.float32)[:, None]
    idx = jnp.arange(dim_model, dtype=jnp.float32)[None, :]
    angle = pos / jnp.power(10000.0, idx / dim_model)
    even_mask = (jnp.arange(dim_model) % 2 == 0)[None, :]
    pe = jnp.where(even_mask, jnp.sin(angle), jnp.cos(angle))
    return pe[None, :, :]  # [1, max_seq_len, dim_model]


def setup_inputs(seed: int = 0) -> dict:
    key = jax.random.key(seed)
    k_idx, k_tab = jax.random.split(key)
    x = jax.random.randint(k_idx, (BATCH, SEQ_LEN), 0, DICT_SIZE, dtype=jnp.int64 if jax.config.jax_enable_x64 else jnp.int32)
    table = jax.random.normal(k_tab, (DICT_SIZE, DIM_MODEL), dtype=jnp.float32)
    pos_encoding = make_pos_encoding(MAX_SEQ_LEN, DIM_MODEL)
    return {"x": x, "table": table, "pos_encoding": pos_encoding}


def reference(x, table, pos_encoding):
    seq_len = x.shape[1]
    token_embeddings = jnp.take(table, x, axis=0)  # [B, S, D] gather
    pe = pos_encoding[:, :seq_len, :]
    return token_embeddings + pe

if __name__ == "__main__":
    import jax
    _d = setup_inputs()
    print(jax.jit(kernel)(*tuple(_d.values())))

</pallas_src>

<mosaic_0001>
#map = affine_map<(d0, d1) -> (0, 0, 0)>
#map1 = affine_map<(d0, d1) -> (0, 0)>
module attributes {stable_mosaic.version = 14 : i64} {
  func.func @emb_kernel(%arg0: i32, %arg1: i32, %arg2: memref<32x4x128xi32, #tpu.memory_space<hbm>>, %arg3: memref<4096x768xf32, #tpu.memory_space<hbm>>, %arg4: memref<100000x768xf32, #tpu.memory_space<hbm>>, %arg5: memref<16384x768xf32, #tpu.memory_space<hbm>>, %arg6: memref<4x128xi32, #tpu.memory_space<vmem>>, %arg7: memref<2x32x768xf32, #tpu.memory_space<vmem>>, %arg8: memref<2x32x768xf32, #tpu.memory_space<vmem>>, %arg9: memref<!tpu.dma_semaphore, #tpu.memory_space<semaphore_mem>>, %arg10: memref<!tpu.dma_semaphore, #tpu.memory_space<semaphore_mem>>, %arg11: memref<!tpu.dma_semaphore, #tpu.memory_space<semaphore_mem>>, %arg12: memref<!tpu.dma_semaphore, #tpu.memory_space<semaphore_mem>>, %arg13: memref<!tpu.dma_semaphore, #tpu.memory_space<semaphore_mem>>, %arg14: memref<!tpu.dma_semaphore, #tpu.memory_space<semaphore_mem>>) attributes {dimension_semantics = [#tpu.dimension_semantics<core_parallel>, #tpu.dimension_semantics<subcore_parallel>], iteration_bounds = array<i64: 2, 16>, scalar_prefetch = 0 : i64, scratch_operands = 9 : i64, tpu.core_type = #tpu.core_type<sc_vector_subcore>, window_params = [{transform_indices = #map}, {transform_indices = #map1}, {transform_indices = #map1}, {transform_indices = #map1}]} {
    %mul3A = arith.constant 2 : i32
    %mul3A_0 = arith.muli %arg1, %mul3A : i32
    %add3A = arith.addi %mul3A_0, %arg0 : i32
    %mul3A_1 = arith.constant 128 : i32
    %mul3A_2 = arith.muli %add3A, %mul3A_1 : i32
    "tpu.region"() ({
      %run_scoped3A = tpu.sem_alloc : memref<!tpu.dma_semaphore, #tpu.memory_space<semaphore_mem>>
      %dma_start3A_1091 = arith.constant 0 : i32
      %dma_start3A_1092 = arith.constant 0 : i32
      %dma_start3A_1093 = tpu.memref_slice %arg2[%add3A, %dma_start3A_1091, %dma_start3A_1092] : memref<32x4x128xi32, #tpu.memory_space<hbm>> -> memref<1x4x128xi32, #tpu.memory_space<hbm>>
      %dma_start3A_1094 = tpu.memref_squeeze %dma_start3A_1093 : memref<1x4x128xi32, #tpu.memory_space<hbm>> -> memref<4x128xi32, #tpu.memory_space<hbm>>
      %dma_start3A_1095 = arith.constant 0 : i32
      %dma_start3A_1096 = arith.constant 0 : i32
      %dma_start3A_1097 = tpu.memref_slice %arg2[%add3A, %dma_start3A_1095, %dma_start3A_1096] : memref<32x4x128xi32, #tpu.memory_space<hbm>> -> memref<1x4x128xi32, #tpu.memory_space<hbm>>
      %dma_start3A_1098 = tpu.memref_squeeze %dma_start3A_1097 : memref<1x4x128xi32, #tpu.memory_space<hbm>> -> memref<4x128xi32, #tpu.memory_space<hbm>>
      tpu.enqueue_dma source(%dma_start3A_1098 : memref<4x128xi32, #tpu.memory_space<hbm>>) target(%arg6 : memref<4x128xi32, #tpu.memory_space<vmem>>) target_semaphore(%run_scoped3A : memref<!tpu.dma_semaphore, #tpu.memory_space<semaphore_mem>>)
      %dma_wait3A_1099 = arith.constant 0 : i32
      %dma_wait3A_1100 = arith.constant 0 : i32
      %dma_wait3A_1101 = tpu.memref_slice %arg2[%add3A, %dma_wait3A_1099, %dma_wait3A_1100] : memref<32x4x128xi32, #tpu.memory_space<hbm>> -> memref<1x4x128xi32, #tpu.memory_space<hbm>>
      %dma_wait3A_1102 = tpu.memref_squeeze %dma_wait3A_1101 : memref<1x4x128xi32, #tpu.memory_space<hbm>> -> memref<4x128xi32, #tpu.memory_space<hbm>>
      %dma_wait3A_1103 = arith.constant 0 : i32
      %dma_wait3A_1104 = arith.constant 0 : i32
      %dma_wait3A_1105 = tpu.memref_slice %arg2[%add3A, %dma_wait3A_1103, %dma_wait3A_1104] : memref<32x4x128xi32, #tpu.memory_space<hbm>> -> memref<1x4x128xi32, #tpu.memory_space<hbm>>
      %dma_wait3A_1106 = tpu.memref_squeeze %dma_wait3A_1105 : memref<1x4x128xi32, #tpu.memory_space<hbm>> -> memref<4x128xi32, #tpu.memory_space<hbm>>
      tpu.wait_dma2 semaphore(%run_scoped3A : memref<!tpu.dma_semaphore, #tpu.memory_space<semaphore_mem>>) src(%dma_wait3A_1106 : memref<4x128xi32, #tpu.memory_space<hbm>>) dst(%arg6 : memref<4x128xi32, #tpu.memory_space<vmem>>)
      tpu.yield
    }) : () -> ()
    %add3A_3 = arith.constant 0 : i32
    %add3A_4 = arith.addi %mul3A_2, %add3A_3 : i32
    %multiple_of3A = tpu.assume_multiple %add3A_4, 8 : i32
    %dma_start3A = arith.constant 0 : i32
    %dma_start3A_5 = arith.constant 0 : i32
    %dma_start3A_6 = arith.constant 0 : i32
    %dma_start3A_7 = tpu.memref_slice %arg7[%dma_start3A, %dma_start3A_5, %dma_start3A_6] : memref<2x32x768xf32, #tpu.memory_space<vmem>> -> memref<1x32x768xf32, #tpu.memory_space<vmem>>
    %dma_start3A_8 = tpu.memref_squeeze %dma_start3A_7 : memref<1x32x768xf32, #tpu.memory_space<vmem>> -> memref<32x768xf32, #tpu.memory_space<vmem>>
    %dma_start3A_9 = arith.constant 0 : i32
    %dma_start3A_10 = tpu.memref_slice %arg3[%multiple_of3A, %dma_start3A_9] : memref<4096x768xf32, #tpu.memory_space<hbm>> -> memref<32x768xf32, #tpu.memory_space<hbm>>
    %dma_start3A_11 = arith.constant 0 : i32
    %dma_start3A_12 = arith.constant 0 : i32
    %dma_start3A_13 = tpu.memref_slice %arg7[%dma_start3A, %dma_start3A_11, %dma_start3A_12] : memref<2x32x768xf32, #tpu.memory_space<vmem>> -> memref<1x32x768xf32, #tpu.memory_space<vmem>>
    %dma_start3A_14 = tpu.memref_squeeze %dma_start3A_13 : memref<1x32x768xf32, #tpu.memory_space<vmem>> -> memref<32x768xf32, #tpu.memory_space<vmem>>
    %dma_start3A_15 = arith.constant 0 : i32
    %dma_start3A_16 = tpu.memref_slice %arg3[%multiple_of3A, %dma_start3A_15] : memref<4096x768xf32, #tpu.memory_space<hbm>> -> memref<32x768xf32, #tpu.memory_space<hbm>>
    tpu.enqueue_dma source(%dma_start3A_16 : memref<32x768xf32, #tpu.memory_space<hbm>>) target(%dma_start3A_14 : memref<32x768xf32, #tpu.memory_space<vmem>>) target_semaphore(%arg13 : memref<!tpu.dma_semaphore, #tpu.memory_space<semaphore_mem>>)
    %dma_start3A_17 = arith.constant 0 : i32
    %dma_start3A_18 = arith.constant 0 : i32
    %dma_start3A_19 = arith.constant 0 : i32
    %dma_start3A_20 = arith.constant 0 : i32
    %dma_start3A_21 = tpu.memref_slice %arg8[%dma_start3A_18, %dma_start3A_19, %dma_start3A_20] : memref<2x32x768xf32, #tpu.memory_space<vmem>> -> memref<1x32x768xf32, #tpu.memory_space<vmem>>
    %dma_start3A_22 = tpu.memref_squeeze %dma_start3A_21 : memref<1x32x768xf32, #tpu.memory_space<vmem>> -> memref<32x768xf32, #tpu.memory_space<vmem>>
    %dma_start3A_23 = arith.constant 0 : i32
    %dma_start3A_24 = tpu.memref_slice %arg6[%dma_start3A_17, %dma_start3A_23] : memref<4x128xi32, #tpu.memory_space<vmem>> -> memref<1x32xi32, #tpu.memory_space<vmem>>
    %dma_start3A_25 = tpu.memref_squeeze %dma_start3A_24 : memref<1x32xi32, #tpu.memory_space<vmem>> -> memref<32xi32, #tpu.memory_space<vmem>>
    %dma_start3A_26 = arith.constant 0 : i32
    %dma_start3A_27 = arith.constant 0 : i32
    %dma_start3A_28 = tpu.memref_slice %arg4[%dma_start3A_26, %dma_start3A_27] : memref<100000x768xf32, #tpu.memory_space<hbm>> -> memref<100000x768xf32, #tpu.memory_space<hbm>>
    tpu.enqueue_indirect_dma source(%dma_start3A_28 : memref<100000x768xf32, #tpu.memory_space<hbm>>) target(%dma_start3A_22 : memref<32x768xf32, #tpu.memory_space<vmem>>) offsets(%dma_start3A_25 : memref<32xi32, #tpu.memory_space<vmem>>) semaphore(%arg9 : memref<!tpu.dma_semaphore, #tpu.memory_space<semaphore_mem>>)
    %dma_start3A_29 = arith.constant 1 : i32
    %dma_start3A_30 = arith.constant 1 : i32
    %dma_start3A_31 = arith.constant 0 : i32
    %dma_start3A_32 = arith.constant 0 : i32
    %dma_start3A_33 = tpu.memref_slice %arg8[%dma_start3A_30, %dma_start3A_31, %dma_start3A_32] : memref<2x32x768xf32, #tpu.memory_space<vmem>> -> memref<1x32x768xf32, #tpu.memory_space<vmem>>
    %dma_start3A_34 = tpu.memref_squeeze %dma_start3A_33 : memref<1x32x768xf32, #tpu.memory_space<vmem>> -> memref<32x768xf32, #tpu.memory_space<vmem>>
    %dma_start3A_35 = arith.constant 0 : i32
    %dma_start3A_36 = tpu.memref_slice %arg6[%dma_start3A_29, %dma_start3A_35] : memref<4x128xi32, #tpu.memory_space<vmem>> -> memref<1x32xi32, #tpu.memory_space<vmem>>
    %dma_start3A_37 = tpu.memref_squeeze %dma_start3A_36 : memref<1x32xi32, #tpu.memory_space<vmem>> -> memref<32xi32, #tpu.memory_space<vmem>>
    %dma_start3A_38 = arith.constant 0 : i32
    %dma_start3A_39 = arith.constant 0 : i32
    %dma_start3A_40 = tpu.memref_slice %arg4[%dma_start3A_38, %dma_start3A_39] : memref<100000x768xf32, #tpu.memory_space<hbm>> -> memref<100000x768xf32, #tpu.memory_space<hbm>>
    tpu.enqueue_indirect_dma source(%dma_start3A_40 : memref<100000x768xf32, #tpu.memory_space<hbm>>) target(%dma_start3A_34 : memref<32x768xf32, #tpu.memory_space<vmem>>) offsets(%dma_start3A_37 : memref<32xi32, #tpu.memory_space<vmem>>) semaphore(%arg10 : memref<!tpu.dma_semaphore, #tpu.memory_space<semaphore_mem>>)
    %dma_wait3A = arith.constant 0 : i32
    %dma_wait3A_41 = arith.constant 0 : i32
    %dma_wait3A_42 = arith.constant 0 : i32
    %dma_wait3A_43 = tpu.memref_slice %arg7[%dma_wait3A, %dma_wait3A_41, %dma_wait3A_42] : memref<2x32x768xf32, #tpu.memory_space<vmem>> -> memref<1x32x768xf32, #tpu.memory_space<vmem>>
    %dma_wait3A_44 = tpu.memref_squeeze %dma_wait3A_43 : memref<1x32x768xf32, #tpu.memory_space<vmem>> -> memref<32x768xf32, #tpu.memory_space<vmem>>
    %dma_wait3A_45 = arith.constant 0 : i32
    %dma_wait3A_46 = tpu.memref_slice %arg3[%multiple_of3A, %dma_wait3A_45] : memref<4096x768xf32, #tpu.memory_space<hbm>> -> memref<32x768xf32, #tpu.memory_space<hbm>>
    %dma_wait3A_47 = arith.constant 0 : i32
    %dma_wait3A_48 = arith.constant 0 : i32
    %dma_wait3A_49 = tpu.memref_slice %arg7[%dma_wait3A, %dma_wait3A_47, %dma_wait3A_48] : memref<2x32x768xf32, #tpu.memory_space<vmem>> -> memref<1x32x768xf32, #tpu.memory_space<vmem>>
    %dma_wait3A_50 = tpu.memref_squeeze %dma_wait3A_49 : memref<1x32x768xf32, #tpu.memory_space<vmem>> -> memref<32x768xf32, #tpu.memory_space<vmem>>
    %dma_wait3A_51 = arith.constant 0 : i32
    %dma_wait3A_52 = tpu.memref_slice %arg3[%multiple_of3A, %dma_wait3A_51] : memref<4096x768xf32, #tpu.memory_space<hbm>> -> memref<32x768xf32, #tpu.memory_space<hbm>>
    tpu.wait_dma2 semaphore(%arg13 : memref<!tpu.dma_semaphore, #tpu.memory_space<semaphore_mem>>) src(%dma_wait3A_52 : memref<32x768xf32, #tpu.memory_space<hbm>>) dst(%dma_wait3A_50 : memref<32x768xf32, #tpu.memory_space<vmem>>)
    %add3A_53 = arith.constant 32 : i32
    %add3A_54 = arith.addi %mul3A_2, %add3A_53 : i32
    %multiple_of3A_55 = tpu.assume_multiple %add3A_54, 8 : i32
    %dma_start3A_56 = arith.constant 1 : i32
    %dma_start3A_57 = arith.constant 0 : i32
    %dma_start3A_58 = arith.constant 0 : i32
    %dma_start3A_59 = tpu.memref_slice %arg7[%dma_start3A_56, %dma_start3A_57, %dma_start3A_58] : memref<2x32x768xf32, #tpu.memory_space<vmem>> -> memref<1x32x768xf32, #tpu.memory_space<vmem>>
    %dma_start3A_60 = tpu.memref_squeeze %dma_start3A_59 : memref<1x32x768xf32, #tpu.memory_space<vmem>> -> memref<32x768xf32, #tpu.memory_space<vmem>>
    %dma_start3A_61 = arith.constant 0 : i32
    %dma_start3A_62 = tpu.memref_slice %arg3[%multiple_of3A_55, %dma_start3A_61] : memref<4096x768xf32, #tpu.memory_space<hbm>> -> memref<32x768xf32, #tpu.memory_space<hbm>>
    %dma_start3A_63 = arith.constant 0 : i32
    %dma_start3A_64 = arith.constant 0 : i32
    %dma_start3A_65 = tpu.memref_slice %arg7[%dma_start3A_56, %dma_start3A_63, %dma_start3A_64] : memref<2x32x768xf32, #tpu.memory_space<vmem>> -> memref<1x32x768xf32, #tpu.memory_space<vmem>>
    %dma_start3A_66 = tpu.memref_squeeze %dma_start3A_65 : memref<1x32x768xf32, #tpu.memory_space<vmem>> -> memref<32x768xf32, #tpu.memory_space<vmem>>
    %dma_start3A_67 = arith.constant 0 : i32
    %dma_start3A_68 = tpu.memref_slice %arg3[%multiple_of3A_55, %dma_start3A_67] : memref<4096x768xf32, #tpu.memory_space<hbm>> -> memref<32x768xf32, #tpu.memory_space<hbm>>
    tpu.enqueue_dma source(%dma_start3A_68 : memref<32x768xf32, #tpu.memory_space<hbm>>) target(%dma_start3A_66 : memref<32x768xf32, #tpu.memory_space<vmem>>) target_semaphore(%arg14 : memref<!tpu.dma_semaphore, #tpu.memory_space<semaphore_mem>>)
    %dma_wait3A_69 = arith.constant 0 : i32
    %dma_wait3A_70 = arith.constant 0 : i32
    %dma_wait3A_71 = arith.constant 0 : i32
    %dma_wait3A_72 = arith.constant 0 : i32
    %dma_wait3A_73 = tpu.memref_slice %arg8[%dma_wait3A_70, %dma_wait3A_71, %dma_wait3A_72] : memref<2x32x768xf32, #tpu.memory_space<vmem>> -> memref<1x32x768xf32, #tpu.memory_space<vmem>>
    %dma_wait3A_74 = tpu.memref_squeeze %dma_wait3A_73 : memref<1x32x768xf32, #tpu.memory_space<vmem>> -> memref<32x768xf32, #tpu.memory_space<vmem>>
    %dma_wait3A_75 = arith.constant 0 : i32
    %dma_wait3A_76 = tpu.memref_slice %arg6[%dma_wait3A_69, %dma_wait3A_75] : memref<4x128xi32, #tpu.memory_space<vmem>> -> memref<1x32xi32, #tpu.memory_space<vmem>>
    %dma_wait3A_77 = tpu.memref_squeeze %dma_wait3A_76 : memref<1x32xi32, #tpu.memory_space<vmem>> -> memref<32xi32, #tpu.memory_space<vmem>>
    %dma_wait3A_78 = arith.constant 0 : i32
    %dma_wait3A_79 = arith.constant 0 : i32
    %dma_wait3A_80 = tpu.memref_slice %arg4[%dma_wait3A_78, %dma_wait3A_79] : memref<100000x768xf32, #tpu.memory_space<hbm>> -> memref<100000x768xf32, #tpu.memory_space<hbm>>
    tpu.wait_indirect_dma semaphore(%arg9 : memref<!tpu.dma_semaphore, #tpu.memory_space<semaphore_mem>>) src(%dma_wait3A_80 : memref<100000x768xf32, #tpu.memory_space<hbm>>) dst(%dma_wait3A_74 : memref<32x768xf32, #tpu.memory_space<vmem>>)
    %scan3A = arith.constant 0 : i32
    %scan3A_81 = arith.constant 0 : i32
    %scan3A_82 = arith.constant 32 : i32
    %scan3A_83 = arith.addi %scan3A_81, %scan3A_82 : i32
    %scan3A_84 = arith.constant 1 : i32
    scf.for %scan3A_1091 = %scan3A_81 to %scan3A_83 step %scan3A_84  : i32 {
      %parallel_loop3A = arith.constant 0 : i32
      %parallel_loop3A_1092 = arith.constant 768 : i32
      %parallel_loop3A_1093 = arith.constant 16 : i32
      scf.for %parallel_loop3A_1094 = %parallel_loop3A to %parallel_loop3A_1092 step %parallel_loop3A_1093  : i32 {
        %parallel_loop3A_1095 = arith.constant 0 : i32
        %parallel_loop3A_1096 = arith.index_cast %parallel_loop3A_1095 : i32 to index
        %parallel_loop3A_1097 = arith.index_cast %scan3A_1091 : i32 to index
        %parallel_loop3A_1098 = arith.index_cast %parallel_loop3A_1094 : i32 to index
        %parallel_loop3A_1099 = tpu.vector_load %arg7[%parallel_loop3A_1096, %parallel_loop3A_1097, %parallel_loop3A_1098] {strides = array<i32>} : memref<2x32x768xf32, #tpu.memory_space<vmem>>, vector<1x1x16xf32>,
        %parallel_loop3A_1100 = vector.shape_cast %parallel_loop3A_1099 : vector<1x1x16xf32> to vector<16xf32>
        %parallel_loop3A_1101 = arith.constant 0 : i32
        %parallel_loop3A_1102 = arith.index_cast %parallel_loop3A_1101 : i32 to index
        %parallel_loop3A_1103 = arith.index_cast %scan3A_1091 : i32 to index
        %parallel_loop3A_1104 = arith.index_cast %parallel_loop3A_1094 : i32 to index
        %parallel_loop3A_1105 = tpu.vector_load %arg8[%parallel_loop3A_1102, %parallel_loop3A_1103, %parallel_loop3A_1104] {strides = array<i32>} : memref<2x32x768xf32, #tpu.memory_space<vmem>>, vector<1x1x16xf32>,
        %parallel_loop3A_1106 = vector.shape_cast %parallel_loop3A_1105 : vector<1x1x16xf32> to vector<16xf32>
        %parallel_loop3A_1107 = vector.shape_cast %parallel_loop3A_1100 : vector<16xf32> to vector<1x1x16xf32>
        tpu.vector_store %arg8[%parallel_loop3A_1102, %parallel_loop3A_1103, %parallel_loop3A_1104], %parallel_loop3A_1107 {add = true, strides = array<i32>} : memref<2x32x768xf32, #tpu.memory_space<vmem>>, vector<1x1x16xf32>,
      } {sc.loop_unroll_factor = 4 : i64, sc.parallel_access}
    }
    %scan3A_85 = arith.constant 32 : i32
    %add3A_86 = arith.constant 0 : i32
    %add3A_87 = arith.addi %add3A_86, %mul3A_2 : i32
    %add3A_88 = arith.constant 0 : i32
    %add3A_89 = arith.addi %add3A_87, %add3A_88 : i32
    %multiple_of3A_90 = tpu.assume_multiple %add3A_89, 8 : i32
    %dma_start3A_91 = arith.constant 0 : i32
    %dma_start3A_92 = arith.constant 0 : i32
    %dma_start3A_93 = arith.constant 0 : i32
    %dma_start3A_94 = tpu.memref_slice %arg8[%dma_start3A_91, %dma_start3A_92, %dma_start3A_93] : memref<2x32x768xf32, #tpu.memory_space<vmem>> -> memref<1x32x768xf32, #tpu.memory_space<vmem>>
    %dma_start3A_95 = tpu.memref_squeeze %dma_start3A_94 : memref<1x32x768xf32, #tpu.memory_space<vmem>> -> memref<32x768xf32, #tpu.memory_space<vmem>>
    %dma_start3A_96 = arith.constant 0 : i32
    %dma_start3A_97 = tpu.memref_slice %arg5[%multiple_of3A_90, %dma_start3A_96] : memref<16384x768xf32, #tpu.memory_space<hbm>> -> memref<32x768xf32, #tpu.memory_space<hbm>>
    %dma_start3A_98 = arith.constant 0 : i32
    %dma_start3A_99 = tpu.memref_slice %arg5[%multiple_of3A_90, %dma_start3A_98] : memref<16384x768xf32, #tpu.memory_space<hbm>> -> memref<32x768xf32, #tpu.memory_space<hbm>>
    %dma_start3A_100 = arith.constant 0 : i32
    %dma_start3A_101 = arith.constant 0 : i32
    %dma_start3A_102 = tpu.memref_slice %arg8[%dma_start3A_91, %dma_start3A_100, %dma_start3A_101] : memref<2x32x768xf32, #tpu.memory_space<vmem>> -> memref<1x32x768xf32, #tpu.memory_space<vmem>>
    %dma_start3A_103 = tpu.memref_squeeze %dma_start3A_102 : memref<1x32x768xf32, #tpu.memory_space<vmem>> -> memref<32x768xf32, #tpu.memory_space<vmem>>
    tpu.enqueue_dma source(%dma_start3A_103 : memref<32x768xf32, #tpu.memory_space<vmem>>) target(%dma_start3A_99 : memref<32x768xf32, #tpu.memory_space<hbm>>) target_semaphore(%arg11 : memref<!tpu.dma_semaphore, #tpu.memory_space<semaphore_mem>>)
    %dma_wait3A_104 = arith.constant 0 : i32
    %dma_wait3A_105 = arith.constant 0 : i32
    %dma_wait3A_106 = arith.constant 0 : i32
    %dma_wait3A_107 = tpu.memref_slice %arg8[%dma_wait3A_104, %dma_wait3A_105, %dma_wait3A_106] : memref<2x32x768xf32, #tpu.memory_space<vmem>> -> memref<1x32x768xf32, #tpu.memory_space<vmem>>
    %dma_wait3A_108 = tpu.memref_squeeze %dma_wait3A_107 : memref<1x32x768xf32, #tpu.memory_space<vmem>> -> memref<32x768xf32, #tpu.memory_space<vmem>>
    %dma_wait3A_109 = arith.constant 0 : i32
    %dma_wait3A_110 = tpu.memref_slice %arg5[%multiple_of3A_90, %dma_wait3A_109] : memref<16384x768xf32, #tpu.memory_space<hbm>> -> memref<32x768xf32, #tpu.memory_space<hbm>>
    %dma_wait3A_111 = arith.constant 0 : i32
    %dma_wait3A_112 = tpu.memref_slice %arg5[%multiple_of3A_90, %dma_wait3A_111] : memref<16384x768xf32, #tpu.memory_space<hbm>> -> memref<32x768xf32, #tpu.memory_space<hbm>>
    %dma_wait3A_113 = arith.constant 0 : i32
    %dma_wait3A_114 = arith.constant 0 : i32
    %dma_wait3A_115 = tpu.memref_slice %arg8[%dma_wait3A_104, %dma_wait3A_113, %dma_wait3A_114] : memref<2x32x768xf32, #tpu.memory_space<vmem>> -> memref<1x32x768xf32, #tpu.memory_space<vmem>>
    %dma_wait3A_116 = tpu.memref_squeeze %dma_wait3A_115 : memref<1x32x768xf32, #tpu.memory_space<vmem>> -> memref<32x768xf32, #tpu.memory_space<vmem>>
    tpu.wait_dma2 semaphore(%arg11 : memref<!tpu.dma_semaphore, #tpu.memory_space<semaphore_mem>>) src(%dma_wait3A_116 : memref<32x768xf32, #tpu.memory_space<vmem>>) dst(%dma_wait3A_112 : memref<32x768xf32, #tpu.memory_space<hbm>>)
    %dma_start3A_117 = arith.constant 2 : i32
    %dma_start3A_118 = arith.constant 0 : i32
    %dma_start3A_119 = arith.constant 0 : i32
    %dma_start3A_120 = arith.constant 0 : i32
    %dma_start3A_121 = tpu.memref_slice %arg8[%dma_start3A_118, %dma_start3A_119, %dma_start3A_120] : memref<2x32x768xf32, #tpu.memory_space<vmem>> -> memref<1x32x768xf32, #tpu.memory_space<vmem>>
    %dma_start3A_122 = tpu.memref_squeeze %dma_start3A_121 : memref<1x32x768xf32, #tpu.memory_space<vmem>> -> memref<32x768xf32, #tpu.memory_space<vmem>>
    %dma_start3A_123 = arith.constant 0 : i32
    %dma_start3A_124 = tpu.memref_slice %arg6[%dma_start3A_117, %dma_start3A_123] : memref<4x128xi32, #tpu.memory_space<vmem>> -> memref<1x32xi32, #tpu.memory_space<vmem>>
    %dma_start3A_125 = tpu.memref_squeeze %dma_start3A_124 : memref<1x32xi32, #tpu.memory_space<vmem>> -> memref<32xi32, #tpu.memory_space<vmem>>
    %dma_start3A_126 = arith.constant 0 : i32
    %dma_start3A_127 = arith.constant 0 : i32
    %dma_start3A_128 = tpu.memref_slice %arg4[%dma_start3A_126, %dma_start3A_127] : memref<100000x768xf32, #tpu.memory_space<hbm>> -> memref<100000x768xf32, #tpu.memory_space<hbm>>
    tpu.enqueue_indirect_dma source(%dma_start3A_128 : memref<100000x768xf32, #tpu.memory_space<hbm>>) target(%dma_start3A_122 : memref<32x768xf32, #tpu.memory_space<vmem>>) offsets(%dma_start3A_125 : memref<32xi32, #tpu.memory_space<vmem>>) semaphore(%arg9 : memref<!tpu.dma_semaphore, #tpu.memory_space<semaphore_mem>>)
    %dma_wait3A_129 = arith.constant 1 : i32
    %dma_wait3A_130 = arith.constant 1 : i32
    %dma_wait3A_131 = arith.constant 0 : i32
    %dma_wait3A_132 = arith.constant 0 : i32
    %dma_wait3A_133 = tpu.memref_slice %arg8[%dma_wait3A_130, %dma_wait3A_131, %dma_wait3A_132] : memref<2x32x768xf32, #tpu.memory_space<vmem>> -> memref<1x32x768xf32, #tpu.memory_space<vmem>>
    %dma_wait3A_134 = tpu.memref_squeeze %dma_wait3A_133 : memref<1x32x768xf32, #tpu.memory_space<vmem>> -> memref<32x768xf32, #tpu.memory_space<vmem>>
    %dma_wait3A_135 = arith.constant 0 : i32
    %dma_wait3A_136 = tpu.memref_slice %arg6[%dma_wait3A_129, %dma_wait3A_135] : memref<4x128xi32, #tpu.memory_space<vmem>> -> memref<1x32xi32, #tpu.memory_space<vmem>>
    %dma_wait3A_137 = tpu.memref_squeeze %dma_wait3A_136 : memref<1x32xi32, #tpu.memory_space<vmem>> -> memref<32xi32, #tpu.memory_space<vmem>>
    %dma_wait3A_138 = arith.constant 0 : i32
    %dma_wait3A_139 = arith.constant 0 : i32
    %dma_wait3A_140 = tpu.memref_slice %arg4[%dma_wait3A_138, %dma_wait3A_139] : memref<100000x768xf32, #tpu.memory_space<hbm>> -> memref<100000x768xf32, #tpu.memory_space<hbm>>
    tpu.wait_indirect_dma semaphore(%arg10 : memref<!tpu.dma_semaphore, #tpu.memory_space<semaphore_mem>>) src(%dma_wait3A_140 : memref<100000x768xf32, #tpu.memory_space<hbm>>) dst(%dma_wait3A_134 : memref<32x768xf32, #tpu.memory_space<vmem>>)
    %scan3A_141 = arith.constant 0 : i32
    %scan3A_142 = arith.constant 0 : i32
    %scan3A_143 = arith.constant 32 : i32
    %scan3A_144 = arith.addi %scan3A_142, %scan3A_143 : i32
    %scan3A_145 = arith.constant 1 : i32
    scf.for %scan3A_1091 = %scan3A_142 to %scan3A_144 step %scan3A_145  : i32 {
      %parallel_loop3A = arith.constant 0 : i32
      %parallel_loop3A_1092 = arith.constant 768 : i32
      %parallel_loop3A_1093 = arith.constant 16 : i32
      scf.for %parallel_loop3A_1094 = %parallel_loop3A to %parallel_loop3A_1092 step %parallel_loop3A_1093  : i32 {
        %parallel_loop3A_1095 = arith.constant 0 : i32
        %parallel_loop3A_1096 = arith.index_cast %parallel_loop3A_1095 : i32 to index
        %parallel_loop3A_1097 = arith.index_cast %scan3A_1091 : i32 to index
        %parallel_loop3A_1098 = arith.index_cast %parallel_loop3A_1094 : i32 to index
        %parallel_loop3A_1099 = tpu.vector_load %arg7[%parallel_loop3A_1096, %parallel_loop3A_1097, %parallel_loop3A_1098] {strides = array<i32>} : memref<2x32x768xf32, #tpu.memory_space<vmem>>, vector<1x1x16xf32>,
        %parallel_loop3A_1100 = vector.shape_cast %parallel_loop3A_1099 : vector<1x1x16xf32> to vector<16xf32>
        %parallel_loop3A_1101 = arith.constant 1 : i32
        %parallel_loop3A_1102 = arith.index_cast %parallel_loop3A_1101 : i32 to index
        %parallel_loop3A_1103 = arith.index_cast %scan3A_1091 : i32 to index
        %parallel_loop3A_1104 = arith.index_cast %parallel_loop3A_1094 : i32 to index
        %parallel_loop3A_1105 = tpu.vector_load %arg8[%parallel_loop3A_1102, %parallel_loop3A_1103, %parallel_loop3A_1104] {strides = array<i32>} : memref<2x32x768xf32, #tpu.memory_space<vmem>>, vector<1x1x16xf32>,
        %parallel_loop3A_1106 = vector.shape_cast %parallel_loop3A_1105 : vector<1x1x16xf32> to vector<16xf32>
        %parallel_loop3A_1107 = vector.shape_cast %parallel_loop3A_1100 : vector<16xf32> to vector<1x1x16xf32>
        tpu.vector_store %arg8[%parallel_loop3A_1102, %parallel_loop3A_1103, %parallel_loop3A_1104], %parallel_loop3A_1107 {add = true, strides = array<i32>} : memref<2x32x768xf32, #tpu.memory_space<vmem>>, vector<1x1x16xf32>,
      } {sc.loop_unroll_factor = 4 : i64, sc.parallel_access}
    }
    %scan3A_146 = arith.constant 32 : i32
    %add3A_147 = arith.constant 4096 : i32
    %add3A_148 = arith.addi %add3A_147, %mul3A_2 : i32
    %add3A_149 = arith.constant 0 : i32
    %add3A_150 = arith.addi %add3A_148, %add3A_149 : i32
    %multiple_of3A_151 = tpu.assume_multiple %add3A_150, 8 : i32
    %dma_start3A_152 = arith.constant 1 : i32
    %dma_start3A_153 = arith.constant 0 : i32
    %dma_start3A_154 = arith.constant 0 : i32
    %dma_start3A_155 = tpu.memref_slice %arg8[%dma_start3A_152, %dma_start3A_153, %dma_start3A_154] : memref<2x32x768xf32, #tpu.memory_space<vmem>> -> memref<1x32x768xf32, #tpu.memory_space<vmem>>
    %dma_start3A_156 = tpu.memref_squeeze %dma_start3A_155 : memref<1x32x768xf32, #tpu.memory_space<vmem>> -> memref<32x768xf32, #tpu.memory_space<vmem>>
    %dma_start3A_157 = arith.constant 0 : i32
    %dma_start3A_158 = tpu.memref_slice %arg5[%multiple_of3A_151, %dma_start3A_157] : memref<16384x768xf32, #tpu.memory_space<hbm>> -> memref<32x768xf32, #tpu.memory_space<hbm>>
    %dma_start3A_159 = arith.constant 0 : i32
    %dma_start3A_160 = tpu.memref_slice %arg5[%multiple_of3A_151, %dma_start3A_159] : memref<16384x768xf32, #tpu.memory_space<hbm>> -> memref<32x768xf32, #tpu.memory_space<hbm>>
    %dma_start3A_161 = arith.constant 0 : i32
    %dma_start3A_162 = arith.constant 0 : i32
    %dma_start3A_163 = tpu.memref_slice %arg8[%dma_start3A_152, %dma_start3A_161, %dma_start3A_162] : memref<2x32x768xf32, #tpu.memory_space<vmem>> -> memref<1x32x768xf32, #tpu.memory_space<vmem>>
    %dma_start3A_164 = tpu.memref_squeeze %dma_start3A_163 : memref<1x32x768xf32, #tpu.memory_space<vmem>> -> memref<32x768xf32, #tpu.memory_space<vmem>>
    tpu.enqueue_dma source(%dma_start3A_164 : memref<32x768xf32, #tpu.memory_space<vmem>>) target(%dma_start3A_160 : memref<32x768xf32, #tpu.memory_space<hbm>>) target_semaphore(%arg12 : memref<!tpu.dma_semaphore, #tpu.memory_space<semaphore_mem>>)
    %dma_wait3A_165 = arith.constant 1 : i32
    %dma_wait3A_166 = arith.constant 0 : i32
    %dma_wait3A_167 = arith.constant 0 : i32
    %dma_wait3A_168 = tpu.memref_slice %arg8[%dma_wait3A_165, %dma_wait3A_166, %dma_wait3A_167] : memref<2x32x768xf32, #tpu.memory_space<vmem>> -> memref<1x32x768xf32, #tpu.memory_space<vmem>>
    %dma_wait3A_169 = tpu.memref_squeeze %dma_wait3A_168 : memref<1x32x768xf32, #tpu.memory_space<vmem>> -> memref<32x768xf32, #tpu.memory_space<vmem>>
    %dma_wait3A_170 = arith.constant 0 : i32
    %dma_wait3A_171 = tpu.memref_slice %arg5[%multiple_of3A_151, %dma_wait3A_170] : memref<16384x768xf32, #tpu.memory_space<hbm>> -> memref<32x768xf32, #tpu.memory_space<hbm>>
    %dma_wait3A_172 = arith.constant 0 : i32
    %dma_wait3A_173 = tpu.memref_slice %arg5[%multiple_of3A_151, %dma_wait3A_172] : memref<16384x768xf32, #tpu.memory_space<hbm>> -> memref<32x768xf32, #tpu.memory_space<hbm>>
    %dma_wait3A_174 = arith.constant 0 : i32
    %dma_wait3A_175 = arith.constant 0 : i32
    %dma_wait3A_176 = tpu.memref_slice %arg8[%dma_wait3A_165, %dma_wait3A_174, %dma_wait3A_175] : memref<2x32x768xf32, #tpu.memory_space<vmem>> -> memref<1x32x768xf32, #tpu.memory_space<vmem>>
    %dma_wait3A_177 = tpu.memref_squeeze %dma_wait3A_176 : memref<1x32x768xf32, #tpu.memory_space<vmem>> -> memref<32x768xf32, #tpu.memory_space<vmem>>
    tpu.wait_dma2 semaphore(%arg12 : memref<!tpu.dma_semaphore, #tpu.memory_space<semaphore_mem>>) src(%dma_wait3A_177 : memref<32x768xf32, #tpu.memory_space<vmem>>) dst(%dma_wait3A_173 : memref<32x768xf32, #tpu.memory_space<hbm>>)
    %dma_start3A_178 = arith.constant 3 : i32
    %dma_start3A_179 = arith.constant 1 : i32
    %dma_start3A_180 = arith.constant 0 : i32
    %dma_start3A_181 = arith.constant 0 : i32
    %dma_start3A_182 = tpu.memref_slice %arg8[%dma_start3A_179, %dma_start3A_180, %dma_start3A_181] : memref<2x32x768xf32, #tpu.memory_space<vmem>> -> memref<1x32x768xf32, #tpu.memory_space<vmem>>
    %dma_start3A_183 = tpu.memref_squeeze %dma_start3A_182 : memref<1x32x768xf32, #tpu.memory_space<vmem>> -> memref<32x768xf32, #tpu.memory_space<vmem>>
    %dma_start3A_184 = arith.constant 0 : i32
    %dma_start3A_185 = tpu.memref_slice %arg6[%dma_start3A_178, %dma_start3A_184] : memref<4x128xi32, #tpu.memory_space<vmem>> -> memref<1x32xi32, #tpu.memory_space<vmem>>
    %dma_start3A_186 = tpu.memref_squeeze %dma_start3A_185 : memref<1x32xi32, #tpu.memory_space<vmem>> -> memref<32xi32, #tpu.memory_space<vmem>>
    %dma_start3A_187 = arith.constant 0 : i32
    %dma_start3A_188 = arith.constant 0 : i32
    %dma_start3A_189 = tpu.memref_slice %arg4[%dma_start3A_187, %dma_start3A_188] : memref<100000x768xf32, #tpu.memory_space<hbm>> -> memref<100000x768xf32, #tpu.memory_space<hbm>>
    tpu.enqueue_indirect_dma source(%dma_start3A_189 : memref<100000x768xf32, #tpu.memory_space<hbm>>) target(%dma_start3A_183 : memref<32x768xf32, #tpu.memory_space<vmem>>) offsets(%dma_start3A_186 : memref<32xi32, #tpu.memory_space<vmem>>) semaphore(%arg10 : memref<!tpu.dma_semaphore, #tpu.memory_space<semaphore_mem>>)
    %dma_wait3A_190 = arith.constant 2 : i32
    %dma_wait3A_191 = arith.constant 0 : i32
    %dma_wait3A_192 = arith.constant 0 : i32
    %dma_wait3A_193 = arith.constant 0 : i32
    %dma_wait3A_194 = tpu.memref_slice %arg8[%dma_wait3A_191, %dma_wait3A_192, %dma_wait3A_193] : memref<2x32x768xf32, #tpu.memory_space<vmem>> -> memref<1x32x768xf32, #tpu.memory_space<vmem>>
    %dma_wait3A_195 = tpu.memref_squeeze %dma_wait3A_194 : memref<1x32x768xf32, #tpu.memory_space<vmem>> -> memref<32x768xf32, #tpu.memory_space<vmem>>
    %dma_wait3A_196 = arith.constant 0 : i32
    %dma_wait3A_197 = tpu.memref_slice %arg6[%dma_wait3A_190, %dma_wait3A_196] : memref<4x128xi32, #tpu.memory_space<vmem>> -> memref<1x32xi32, #tpu.memory_space<vmem>>
    %dma_wait3A_198 = tpu.memref_squeeze %dma_wait3A_197 : memref<1x32xi32, #tpu.memory_space<vmem>> -> memref<32xi32, #tpu.memory_space<vmem>>
    %dma_wait3A_199 = arith.constant 0 : i32
    %dma_wait3A_200 = arith.constant 0 : i32
    %dma_wait3A_201 = tpu.memref_slice %arg4[%dma_wait3A_199, %dma_wait3A_200] : memref<100000x768xf32, #tpu.memory_space<hbm>> -> memref<100000x768xf32, #tpu.memory_space<hbm>>
    tpu.wait_indirect_dma semaphore(%arg9 : memref<!tpu.dma_semaphore, #tpu.memory_space<semaphore_mem>>) src(%dma_wait3A_201 : memref<100000x768xf32, #tpu.memory_space<hbm>>) dst(%dma_wait3A_195 : memref<32x768xf32, #tpu.memory_space<vmem>>)
    %scan3A_202 = arith.constant 0 : i32
    %scan3A_203 = arith.constant 0 : i32
    %scan3A_204 = arith.constant 32 : i32
    %scan3A_205 = arith.addi %scan3A_203, %scan3A_204 : i32
    %scan3A_206 = arith.constant 1 : i32
    scf.for %scan3A_1091 = %scan3A_203 to %scan3A_205 step %scan3A_206  : i32 {
      %parallel_loop3A = arith.constant 0 : i32
      %parallel_loop3A_1092 = arith.constant 768 : i32
      %parallel_loop3A_1093 = arith.constant 16 : i32
      scf.for %parallel_loop3A_1094 = %parallel_loop3A to %parallel_loop3A_1092 step %parallel_loop3A_1093  : i32 {
        %parallel_loop3A_1095 = arith.constant 0 : i32
        %parallel_loop3A_1096 = arith.index_cast %parallel_loop3A_1095 : i32 to index
        %parallel_loop3A_1097 = arith.index_cast %scan3A_1091 : i32 to index
        %parallel_loop3A_1098 = arith.index_cast %parallel_loop3A_1094 : i32 to index
        %parallel_loop3A_1099 = tpu.vector_load %arg7[%parallel_loop3A_1096, %parallel_loop3A_1097, %parallel_loop3A_1098] {strides = array<i32>} : memref<2x32x768xf32, #tpu.memory_space<vmem>>, vector<1x1x16xf32>,
        %parallel_loop3A_1100 = vector.shape_cast %parallel_loop3A_1099 : vector<1x1x16xf32> to vector<16xf32>
        %parallel_loop3A_1101 = arith.constant 0 : i32
        %parallel_loop3A_1102 = arith.index_cast %parallel_loop3A_1101 : i32 to index
        %parallel_loop3A_1103 = arith.index_cast %scan3A_1091 : i32 to index
        %parallel_loop3A_1104 = arith.index_cast %parallel_loop3A_1094 : i32 to index
        %parallel_loop3A_1105 = tpu.vector_load %arg8[%parallel_loop3A_1102, %parallel_loop3A_1103, %parallel_loop3A_1104] {strides = array<i32>} : memref<2x32x768xf32, #tpu.memory_space<vmem>>, vector<1x1x16xf32>,
        %parallel_loop3A_1106 = vector.shape_cast %parallel_loop3A_1105 : vector<1x1x16xf32> to vector<16xf32>
        %parallel_loop3A_1107 = vector.shape_cast %parallel_loop3A_1100 : vector<16xf32> to vector<1x1x16xf32>
        tpu.vector_store %arg8[%parallel_loop3A_1102, %parallel_loop3A_1103, %parallel_loop3A_1104], %parallel_loop3A_1107 {add = true, strides = array<i32>} : memref<2x32x768xf32, #tpu.memory_space<vmem>>, vector<1x1x16xf32>,
      } {sc.loop_unroll_factor = 4 : i64, sc.parallel_access}
    }
    %scan3A_207 = arith.constant 32 : i32
    %add3A_208 = arith.constant 8192 : i32
    %add3A_209 = arith.addi %add3A_208, %mul3A_2 : i32
    %add3A_210 = arith.constant 0 : i32
    %add3A_211 = arith.addi %add3A_209, %add3A_210 : i32
    %multiple_of3A_212 = tpu.assume_multiple %add3A_211, 8 : i32
    %dma_start3A_213 = arith.constant 0 : i32
    %dma_start3A_214 = arith.constant 0 : i32
    %dma_start3A_215 = arith.constant 0 : i32
    %dma_start3A_216 = tpu.memref_slice %arg8[%dma_start3A_213, %dma_start3A_214, %dma_start3A_215] : memref<2x32x768xf32, #tpu.memory_space<vmem>> -> memref<1x32x768xf32, #tpu.memory_space<vmem>>
    %dma_start3A_217 = tpu.memref_squeeze %dma_start3A_216 : memref<1x32x768xf32, #tpu.memory_space<vmem>> -> memref<32x768xf32, #tpu.memory_space<vmem>>
    %dma_start3A_218 = arith.constant 0 : i32
    %dma_start3A_219 = tpu.memref_slice %arg5[%multiple_of3A_212, %dma_start3A_218] : memref<16384x768xf32, #tpu.memory_space<hbm>> -> memref<32x768xf32, #tpu.memory_space<hbm>>
    %dma_start3A_220 = arith.constant 0 : i32
    %dma_start3A_221 = tpu.memref_slice %arg5[%multiple_of3A_212, %dma_start3A_220] : memref<16384x768xf32, #tpu.memory_space<hbm>> -> memref<32x768xf32, #tpu.memory_space<hbm>>
    %dma_start3A_222 = arith.constant 0 : i32
    %dma_start3A_223 = arith.constant 0 : i32
    %dma_start3A_224 = tpu.memref_slice %arg8[%dma_start3A_213, %dma_start3A_222, %dma_start3A_223] : memref<2x32x768xf32, #tpu.memory_space<vmem>> -> memref<1x32x768xf32, #tpu.memory_space<vmem>>
    %dma_start3A_225 = tpu.memref_squeeze %dma_start3A_224 : memref<1x32x768xf32, #tpu.memory_space<vmem>> -> memref<32x768xf32, #tpu.memory_space<vmem>>
    tpu.enqueue_dma source(%dma_start3A_225 : memref<32x768xf32, #tpu.memory_space<vmem>>) target(%dma_start3A_221 : memref<32x768xf32, #tpu.memory_space<hbm>>) target_semaphore(%arg11 : memref<!tpu.dma_semaphore, #tpu.memory_space<semaphore_mem>>)
    %dma_wait3A_226 = arith.constant 0 : i32
    %dma_wait3A_227 = arith.constant 0 : i32
    %dma_wait3A_228 = arith.constant 0 : i32
    %dma_wait3A_229 = tpu.memref_slice %arg8[%dma_wait3A_226, %dma_wait3A_227, %dma_wait3A_228] : memref<2x32x768xf32, #tpu.memory_space<vmem>> -> memref<1x32x768xf32, #tpu.memory_space<vmem>>
    %dma_wait3A_230 = tpu.memref_squeeze %dma_wait3A_229 : memref<1x32x768xf32, #tpu.memory_space<vmem>> -> memref<32x768xf32, #tpu.memory_space<vmem>>
    %dma_wait3A_231 = arith.constant 0 : i32
    %dma_wait3A_232 = tpu.memref_slice %arg5[%multiple_of3A_212, %dma_wait3A_231] : memref<16384x768xf32, #tpu.memory_space<hbm>> -> memref<32x768xf32, #tpu.memory_space<hbm>>
    %dma_wait3A_233 = arith.constant 0 : i32
    %dma_wait3A_234 = tpu.memref_slice %arg5[%multiple_of3A_212, %dma_wait3A_233] : memref<16384x768xf32, #tpu.memory_space<hbm>> -> memref<32x768xf32, #tpu.memory_space<hbm>>
    %dma_wait3A_235 = arith.constant 0 : i32
    %dma_wait3A_236 = arith.constant 0 : i32
    %dma_wait3A_237 = tpu.memref_slice %arg8[%dma_wait3A_226, %dma_wait3A_235, %dma_wait3A_236] : memref<2x32x768xf32, #tpu.memory_space<vmem>> -> memref<1x32x768xf32, #tpu.memory_space<vmem>>
    %dma_wait3A_238 = tpu.memref_squeeze %dma_wait3A_237 : memref<1x32x768xf32, #tpu.memory_space<vmem>> -> memref<32x768xf32, #tpu.memory_space<vmem>>
    tpu.wait_dma2 semaphore(%arg11 : memref<!tpu.dma_semaphore, #tpu.memory_space<semaphore_mem>>) src(%dma_wait3A_238 : memref<32x768xf32, #tpu.memory_space<vmem>>) dst(%dma_wait3A_234 : memref<32x768xf32, #tpu.memory_space<hbm>>)
    %dma_start3A_239 = arith.constant 0 : i32
    %dma_start3A_240 = arith.constant 0 : i32
    %dma_start3A_241 = arith.constant 0 : i32
    %dma_start3A_242 = arith.constant 0 : i32
    %dma_start3A_243 = tpu.memref_slice %arg8[%dma_start3A_240, %dma_start3A_241, %dma_start3A_242] : memref<2x32x768xf32, #tpu.memory_space<vmem>> -> memref<1x32x768xf32, #tpu.memory_space<vmem>>
    %dma_start3A_244 = tpu.memref_squeeze %dma_start3A_243 : memref<1x32x768xf32, #tpu.memory_space<vmem>> -> memref<32x768xf32, #tpu.memory_space<vmem>>
    %dma_start3A_245 = arith.constant 32 : i32
    %dma_start3A_246 = tpu.memref_slice %arg6[%dma_start3A_239, %dma_start3A_245] : memref<4x128xi32, #tpu.memory_space<vmem>> -> memref<1x32xi32, #tpu.memory_space<vmem>>
    %dma_start3A_247 = tpu.memref_squeeze %dma_start3A_246 : memref<1x32xi32, #tpu.memory_space<vmem>> -> memref<32xi32, #tpu.memory_space<vmem>>
    %dma_start3A_248 = arith.constant 0 : i32
    %dma_start3A_249 = arith.constant 0 : i32
    %dma_start3A_250 = tpu.memref_slice %arg4[%dma_start3A_248, %dma_start3A_249] : memref<100000x768xf32, #tpu.memory_space<hbm>> -> memref<100000x768xf32, #tpu.memory_space<hbm>>
    tpu.enqueue_indirect_dma source(%dma_start3A_250 : memref<100000x768xf32, #tpu.memory_space<hbm>>) target(%dma_start3A_244 : memref<32x768xf32, #tpu.memory_space<vmem>>) offsets(%dma_start3A_247 : memref<32xi32, #tpu.memory_space<vmem>>) semaphore(%arg9 : memref<!tpu.dma_semaphore, #tpu.memory_space<semaphore_mem>>)
    %dma_wait3A_251 = arith.constant 3 : i32
    %dma_wait3A_252 = arith.constant 1 : i32
    %dma_wait3A_253 = arith.constant 0 : i32
    %dma_wait3A_254 = arith.constant 0 : i32
    %dma_wait3A_255 = tpu.memref_slice %arg8[%dma_wait3A_252, %dma_wait3A_253, %dma_wait3A_254] : memref<2x32x768xf32, #tpu.memory_space<vmem>> -> memref<1x32x768xf32, #tpu.memory_space<vmem>>
    %dma_wait3A_256 = tpu.memref_squeeze %dma_wait3A_255 : memref<1x32x768xf32, #tpu.memory_space<vmem>> -> memref<32x768xf32, #tpu.memory_space<vmem>>
    %dma_wait3A_257 = arith.constant 0 : i32
    %dma_wait3A_258 = tpu.memref_slice %arg6[%dma_wait3A_251, %dma_wait3A_257] : memref<4x128xi32, #tpu.memory_space<vmem>> -> memref<1x32xi32, #tpu.memory_space<vmem>>
    %dma_wait3A_259 = tpu.memref_squeeze %dma_wait3A_258 : memref<1x32xi32, #tpu.memory_space<vmem>> -> memref<32xi32, #tpu.memory_space<vmem>>
    %dma_wait3A_260 = arith.constant 0 : i32
    %dma_wait3A_261 = arith.constant 0 : i32
    %dma_wait3A_262 = tpu.memref_slice %arg4[%dma_wait3A_260, %dma_wait3A_261] : memref<100000x768xf32, #tpu.memory_space<hbm>> -> memref<100000x768xf32, #tpu.memory_space<hbm>>
    tpu.wait_indirect_dma semaphore(%arg10 : memref<!tpu.dma_semaphore, #tpu.memory_space<semaphore_mem>>) src(%dma_wait3A_262 : memref<100000x768xf32, #tpu.memory_space<hbm>>) dst(%dma_wait3A_256 : memref<32x768xf32, #tpu.memory_space<vmem>>)
    %scan3A_263 = arith.constant 0 : i32
    %scan3A_264 = arith.constant 0 : i32
    %scan3A_265 = arith.constant 32 : i32
    %scan3A_266 = arith.addi %scan3A_264, %scan3A_265 : i32
    %scan3A_267 = arith.constant 1 : i32
    scf.for %scan3A_1091 = %scan3A_264 to %scan3A_266 step %scan3A_267  : i32 {
      %parallel_loop3A = arith.constant 0 : i32
      %parallel_loop3A_1092 = arith.constant 768 : i32
      %parallel_loop3A_1093 = arith.constant 16 : i32
      scf.for %parallel_loop3A_1094 = %parallel_loop3A to %parallel_loop3A_1092 step %parallel_loop3A_1093  : i32 {
        %parallel_loop3A_1095 = arith.constant 0 : i32
        %parallel_loop3A_1096 = arith.index_cast %parallel_loop3A_1095 : i32 to index
        %parallel_loop3A_1097 = arith.index_cast %scan3A_1091 : i32 to index
        %parallel_loop3A_1098 = arith.index_cast %parallel_loop3A_1094 : i32 to index
        %parallel_loop3A_1099 = tpu.vector_load %arg7[%parallel_loop3A_1096, %parallel_loop3A_1097, %parallel_loop3A_1098] {strides = array<i32>} : memref<2x32x768xf32, #tpu.memory_space<vmem>>, vector<1x1x16xf32>,
        %parallel_loop3A_1100 = vector.shape_cast %parallel_loop3A_1099 : vector<1x1x16xf32> to vector<16xf32>
        %parallel_loop3A_1101 = arith.constant 1 : i32
        %parallel_loop3A_1102 = arith.index_cast %parallel_loop3A_1101 : i32 to index
        %parallel_loop3A_1103 = arith.index_cast %scan3A_1091 : i32 to index
        %parallel_loop3A_1104 = arith.index_cast %parallel_loop3A_1094 : i32 to index
        %parallel_loop3A_1105 = tpu.vector_load %arg8[%parallel_loop3A_1102, %parallel_loop3A_1103, %parallel_loop3A_1104] {strides = array<i32>} : memref<2x32x768xf32, #tpu.memory_space<vmem>>, vector<1x1x16xf32>,
        %parallel_loop3A_1106 = vector.shape_cast %parallel_loop3A_1105 : vector<1x1x16xf32> to vector<16xf32>
        %parallel_loop3A_1107 = vector.shape_cast %parallel_loop3A_1100 : vector<16xf32> to vector<1x1x16xf32>
        tpu.vector_store %arg8[%parallel_loop3A_1102, %parallel_loop3A_1103, %parallel_loop3A_1104], %parallel_loop3A_1107 {add = true, strides = array<i32>} : memref<2x32x768xf32, #tpu.memory_space<vmem>>, vector<1x1x16xf32>,
      } {sc.loop_unroll_factor = 4 : i64, sc.parallel_access}
    }
    %scan3A_268 = arith.constant 32 : i32
    %add3A_269 = arith.constant 12288 : i32
    %add3A_270 = arith.addi %add3A_269, %mul3A_2 : i32
    %add3A_271 = arith.constant 0 : i32
    %add3A_272 = arith.addi %add3A_270, %add3A_271 : i32
    %multiple_of3A_273 = tpu.assume_multiple %add3A_272, 8 : i32
    %dma_start3A_274 = arith.constant 1 : i32
    %dma_start3A_275 = arith.constant 0 : i32
    %dma_start3A_276 = arith.constant 0 : i32
    %dma_start3A_277 = tpu.memref_slice %arg8[%dma_start3A_274, %dma_start3A_275, %dma_start3A_276] : memref<2x32x768xf32, #tpu.memory_space<vmem>> -> memref<1x32x768xf32, #tpu.memory_space<vmem>>
    %dma_start3A_278 = tpu.memref_squeeze %dma_start3A_277 : memref<1x32x768xf32, #tpu.memory_space<vmem>> -> memref<32x768xf32, #tpu.memory_space<vmem>>
    %dma_start3A_279 = arith.constant 0 : i32
    %dma_start3A_280 = tpu.memref_slice %arg5[%multiple_of3A_273, %dma_start3A_279] : memref<16384x768xf32, #tpu.memory_space<hbm>> -> memref<32x768xf32, #tpu.memory_space<hbm>>
    %dma_start3A_281 = arith.constant 0 : i32
    %dma_start3A_282 = tpu.memref_slice %arg5[%multiple_of3A_273, %dma_start3A_281] : memref<16384x768xf32, #tpu.memory_space<hbm>> -> memref<32x768xf32, #tpu.memory_space<hbm>>
    %dma_start3A_283 = arith.constant 0 : i32
    %dma_start3A_284 = arith.constant 0 : i32
    %dma_start3A_285 = tpu.memref_slice %arg8[%dma_start3A_274, %dma_start3A_283, %dma_start3A_284] : memref<2x32x768xf32, #tpu.memory_space<vmem>> -> memref<1x32x768xf32, #tpu.memory_space<vmem>>
    %dma_start3A_286 = tpu.memref_squeeze %dma_start3A_285 : memref<1x32x768xf32, #tpu.memory_space<vmem>> -> memref<32x768xf32, #tpu.memory_space<vmem>>
    tpu.enqueue_dma source(%dma_start3A_286 : memref<32x768xf32, #tpu.memory_space<vmem>>) target(%dma_start3A_282 : memref<32x768xf32, #tpu.memory_space<hbm>>) target_semaphore(%arg12 : memref<!tpu.dma_semaphore, #tpu.memory_space<semaphore_mem>>)
    %dma_wait3A_287 = arith.constant 1 : i32
    %dma_wait3A_288 = arith.constant 0 : i32
    %dma_wait3A_289 = arith.constant 0 : i32
    %dma_wait3A_290 = tpu.memref_slice %arg7[%dma_wait3A_287, %dma_wait3A_288, %dma_wait3A_289] : memref<2x32x768xf32, #tpu.memory_space<vmem>> -> memref<1x32x768xf32, #tpu.memory_space<vmem>>
    %dma_wait3A_291 = tpu.memref_squeeze %dma_wait3A_290 : memref<1x32x768xf32, #tpu.memory_space<vmem>> -> memref<32x768xf32, #tpu.memory_space<vmem>>
    %dma_wait3A_292 = arith.constant 0 : i32
    %dma_wait3A_293 = tpu.memref_slice %arg3[%multiple_of3A_55, %dma_wait3A_292] : memref<4096x768xf32, #tpu.memory_space<hbm>> -> memref<32x768xf32, #tpu.memory_space<hbm>>
    %dma_wait3A_294 = arith.constant 0 : i32
    %dma_wait3A_295 = arith.constant 0 : i32
    %dma_wait3A_296 = tpu.memref_slice %arg7[%dma_wait3A_287, %dma_wait3A_294, %dma_wait3A_295] : memref<2x32x768xf32, #tpu.memory_space<vmem>> -> memref<1x32x768xf32, #tpu.memory_space<vmem>>
    %dma_wait3A_297 = tpu.memref_squeeze %dma_wait3A_296 : memref<1x32x768xf32, #tpu.memory_space<vmem>> -> memref<32x768xf32, #tpu.memory_space<vmem>>
    %dma_wait3A_298 = arith.constant 0 : i32
    %dma_wait3A_299 = tpu.memref_slice %arg3[%multiple_of3A_55, %dma_wait3A_298] : memref<4096x768xf32, #tpu.memory_space<hbm>> -> memref<32x768xf32, #tpu.memory_space<hbm>>
    tpu.wait_dma2 semaphore(%arg14 : memref<!tpu.dma_semaphore, #tpu.memory_space<semaphore_mem>>) src(%dma_wait3A_299 : memref<32x768xf32, #tpu.memory_space<hbm>>) dst(%dma_wait3A_297 : memref<32x768xf32, #tpu.memory_space<vmem>>)
    %add3A_300 = arith.constant 64 : i32
    %add3A_301 = arith.addi %mul3A_2, %add3A_300 : i32
    %multiple_of3A_302 = tpu.assume_multiple %add3A_301, 8 : i32
    %dma_start3A_303 = arith.constant 0 : i32
    %dma_start3A_304 = arith.constant 0 : i32
    %dma_start3A_305 = arith.constant 0 : i32
    %dma_start3A_306 = tpu.memref_slice %arg7[%dma_start3A_303, %dma_start3A_304, %dma_start3A_305] : memref<2x32x768xf32, #tpu.memory_space<vmem>> -> memref<1x32x768xf32, #tpu.memory_space<vmem>>
    %dma_start3A_307 = tpu.memref_squeeze %dma_start3A_306 : memref<1x32x768xf32, #tpu.memory_space<vmem>> -> memref<32x768xf32, #tpu.memory_space<vmem>>
    %dma_start3A_308 = arith.constant 0 : i32
    %dma_start3A_309 = tpu.memref_slice %arg3[%multiple_of3A_302, %dma_start3A_308] : memref<4096x768xf32, #tpu.memory_space<hbm>> -> memref<32x768xf32, #tpu.memory_space<hbm>>
    %dma_start3A_310 = arith.constant 0 : i32
    %dma_start3A_311 = arith.constant 0 : i32
    %dma_start3A_312 = tpu.memref_slice %arg7[%dma_start3A_303, %dma_start3A_310, %dma_start3A_311] : memref<2x32x768xf32, #tpu.memory_space<vmem>> -> memref<1x32x768xf32, #tpu.memory_space<vmem>>
    %dma_start3A_313 = tpu.memref_squeeze %dma_start3A_312 : memref<1x32x768xf32, #tpu.memory_space<vmem>> -> memref<32x768xf32, #tpu.memory_space<vmem>>
    %dma_start3A_314 = arith.constant 0 : i32
    %dma_start3A_315 = tpu.memref_slice %arg3[%multiple_of3A_302, %dma_start3A_314] : memref<4096x768xf32, #tpu.memory_space<hbm>> -> memref<32x768xf32, #tpu.memory_space<hbm>>
    tpu.enqueue_dma source(%dma_start3A_315 : memref<32x768xf32, #tpu.memory_space<hbm>>) target(%dma_start3A_313 : memref<32x768xf32, #tpu.memory_space<vmem>>) target_semaphore(%arg13 : memref<!tpu.dma_semaphore, #tpu.memory_space<semaphore_mem>>)
    %dma_wait3A_316 = arith.constant 1 : i32
    %dma_wait3A_317 = arith.constant 0 : i32
    %dma_wait3A_318 = arith.constant 0 : i32
    %dma_wait3A_319 = tpu.memref_slice %arg8[%dma_wait3A_316, %dma_wait3A_317, %dma_wait3A_318] : memref<2x32x768xf32, #tpu.memory_space<vmem>> -> memref<1x32x768xf32, #tpu.memory_space<vmem>>
    %dma_wait3A_320 = tpu.memref_squeeze %dma_wait3A_319 : memref<1x32x768xf32, #tpu.memory_space<vmem>> -> memref<32x768xf32, #tpu.memory_space<vmem>>
    %dma_wait3A_321 = arith.constant 0 : i32
    %dma_wait3A_322 = tpu.memref_slice %arg5[%multiple_of3A_273, %dma_wait3A_321] : memref<16384x768xf32, #tpu.memory_space<hbm>> -> memref<32x768xf32, #tpu.memory_space<hbm>>
    %dma_wait3A_323 = arith.constant 0 : i32
    %dma_wait3A_324 = tpu.memref_slice %arg5[%multiple_of3A_273, %dma_wait3A_323] : memref<16384x768xf32, #tpu.memory_space<hbm>> -> memref<32x768xf32, #tpu.memory_space<hbm>>
    %dma_wait3A_325 = arith.constant 0 : i32
    %dma_wait3A_326 = arith.constant 0 : i32
    %dma_wait3A_327 = tpu.memref_slice %arg8[%dma_wait3A_316, %dma_wait3A_325, %dma_wait3A_326] : memref<2x32x768xf32, #tpu.memory_space<vmem>> -> memref<1x32x768xf32, #tpu.memory_space<vmem>>
    %dma_wait3A_328 = tpu.memref_squeeze %dma_wait3A_327 : memref<1x32x768xf32, #tpu.memory_space<vmem>> -> memref<32x768xf32, #tpu.memory_space<vmem>>
    tpu.wait_dma2 semaphore(%arg12 : memref<!tpu.dma_semaphore, #tpu.memory_space<semaphore_mem>>) src(%dma_wait3A_328 : memref<32x768xf32, #tpu.memory_space<vmem>>) dst(%dma_wait3A_324 : memref<32x768xf32, #tpu.memory_space<hbm>>)
    %dma_start3A_329 = arith.constant 1 : i32
    %dma_start3A_330 = arith.constant 1 : i32
    %dma_start3A_331 = arith.constant 0 : i32
    %dma_start3A_332 = arith.constant 0 : i32
    %dma_start3A_333 = tpu.memref_slice %arg8[%dma_start3A_330, %dma_start3A_331, %dma_start3A_332] : memref<2x32x768xf32, #tpu.memory_space<vmem>> -> memref<1x32x768xf32, #tpu.memory_space<vmem>>
    %dma_start3A_334 = tpu.memref_squeeze %dma_start3A_333 : memref<1x32x768xf32, #tpu.memory_space<vmem>> -> memref<32x768xf32, #tpu.memory_space<vmem>>
    %dma_start3A_335 = arith.constant 32 : i32
    %dma_start3A_336 = tpu.memref_slice %arg6[%dma_start3A_329, %dma_start3A_335] : memref<4x128xi32, #tpu.memory_space<vmem>> -> memref<1x32xi32, #tpu.memory_space<vmem>>
    %dma_start3A_337 = tpu.memref_squeeze %dma_start3A_336 : memref<1x32xi32, #tpu.memory_space<vmem>> -> memref<32xi32, #tpu.memory_space<vmem>>
    %dma_start3A_338 = arith.constant 0 : i32
    %dma_start3A_339 = arith.constant 0 : i32
    %dma_start3A_340 = tpu.memref_slice %arg4[%dma_start3A_338, %dma_start3A_339] : memref<100000x768xf32, #tpu.memory_space<hbm>> -> memref<100000x768xf32, #tpu.memory_space<hbm>>
    tpu.enqueue_indirect_dma source(%dma_start3A_340 : memref<100000x768xf32, #tpu.memory_space<hbm>>) target(%dma_start3A_334 : memref<32x768xf32, #tpu.memory_space<vmem>>) offsets(%dma_start3A_337 : memref<32xi32, #tpu.memory_space<vmem>>) semaphore(%arg10 : memref<!tpu.dma_semaphore, #tpu.memory_space<semaphore_mem>>)
    %dma_wait3A_341 = arith.constant 0 : i32
    %dma_wait3A_342 = arith.constant 0 : i32
    %dma_wait3A_343 = arith.constant 0 : i32
    %dma_wait3A_344 = arith.constant 0 : i32
    %dma_wait3A_345 = tpu.memref_slice %arg8[%dma_wait3A_342, %dma_wait3A_343, %dma_wait3A_344] : memref<2x32x768xf32, #tpu.memory_space<vmem>> -> memref<1x32x768xf32, #tpu.memory_space<vmem>>
    %dma_wait3A_346 = tpu.memref_squeeze %dma_wait3A_345 : memref<1x32x768xf32, #tpu.memory_space<vmem>> -> memref<32x768xf32, #tpu.memory_space<vmem>>
    %dma_wait3A_347 = arith.constant 32 : i32
    %dma_wait3A_348 = tpu.memref_slice %arg6[%dma_wait3A_341, %dma_wait3A_347] : memref<4x128xi32, #tpu.memory_space<vmem>> -> memref<1x32xi32, #tpu.memory_space<vmem>>
    %dma_wait3A_349 = tpu.memref_squeeze %dma_wait3A_348 : memref<1x32xi32, #tpu.memory_space<vmem>> -> memref<32xi32, #tpu.memory_space<vmem>>
    %dma_wait3A_350 = arith.constant 0 : i32
    %dma_wait3A_351 = arith.constant 0 : i32
    %dma_wait3A_352 = tpu.memref_slice %arg4[%dma_wait3A_350, %dma_wait3A_351] : memref<100000x768xf32, #tpu.memory_space<hbm>> -> memref<100000x768xf32, #tpu.memory_space<hbm>>
    tpu.wait_indirect_dma semaphore(%arg9 : memref<!tpu.dma_semaphore, #tpu.memory_space<semaphore_mem>>) src(%dma_wait3A_352 : memref<100000x768xf32, #tpu.memory_space<hbm>>) dst(%dma_wait3A_346 : memref<32x768xf32, #tpu.memory_space<vmem>>)
    %scan3A_353 = arith.constant 0 : i32
    %scan3A_354 = arith.constant 0 : i32
    %scan3A_355 = arith.constant 32 : i32
    %scan3A_356 = arith.addi %scan3A_354, %scan3A_355 : i32
    %scan3A_357 = arith.constant 1 : i32
    scf.for %scan3A_1091 = %scan3A_354 to %scan3A_356 step %scan3A_357  : i32 {
      %parallel_loop3A = arith.constant 0 : i32
      %parallel_loop3A_1092 = arith.constant 768 : i32
      %parallel_loop3A_1093 = arith.constant 16 : i32
      scf.for %parallel_loop3A_1094 = %parallel_loop3A to %parallel_loop3A_1092 step %parallel_loop3A_1093  : i32 {
        %parallel_loop3A_1095 = arith.constant 1 : i32
        %parallel_loop3A_1096 = arith.index_cast %parallel_loop3A_1095 : i32 to index
        %parallel_loop3A_1097 = arith.index_cast %scan3A_1091 : i32 to index
        %parallel_loop3A_1098 = arith.index_cast %parallel_loop3A_1094 : i32 to index
        %parallel_loop3A_1099 = tpu.vector_load %arg7[%parallel_loop3A_1096, %parallel_loop3A_1097, %parallel_loop3A_1098] {strides = array<i32>} : memref<2x32x768xf32, #tpu.memory_space<vmem>>, vector<1x1x16xf32>,
        %parallel_loop3A_1100 = vector.shape_cast %parallel_loop3A_1099 : vector<1x1x16xf32> to vector<16xf32>
        %parallel_loop3A_1101 = arith.constant 0 : i32
        %parallel_loop3A_1102 = arith.index_cast %parallel_loop3A_1101 : i32 to index
        %parallel_loop3A_1103 = arith.index_cast %scan3A_1091 : i32 to index
        %parallel_loop3A_1104 = arith.index_cast %parallel_loop3A_1094 : i32 to index
        %parallel_loop3A_1105 = tpu.vector_load %arg8[%parallel_loop3A_1102, %parallel_loop3A_1103, %parallel_loop3A_1104] {strides = array<i32>} : memref<2x32x768xf32, #tpu.memory_space<vmem>>, vector<1x1x16xf32>,
        %parallel_loop3A_1106 = vector.shape_cast %parallel_loop3A_1105 : vector<1x1x16xf32> to vector<16xf32>
        %parallel_loop3A_1107 = vector.shape_cast %parallel_loop3A_1100 : vector<16xf32> to vector<1x1x16xf32>
        tpu.vector_store %arg8[%parallel_loop3A_1102, %parallel_loop3A_1103, %parallel_loop3A_1104], %parallel_loop3A_1107 {add = true, strides = array<i32>} : memref<2x32x768xf32, #tpu.memory_space<vmem>>, vector<1x1x16xf32>,
      } {sc.loop_unroll_factor = 4 : i64, sc.parallel_access}
    }
    %scan3A_358 = arith.constant 32 : i32
    %add3A_359 = arith.constant 0 : i32
    %add3A_360 = arith.addi %add3A_359, %mul3A_2 : i32
    %add3A_361 = arith.constant 32 : i32
    %add3A_362 = arith.addi %add3A_360, %add3A_361 : i32
    %multiple_of3A_363 = tpu.assume_multiple %add3A_362, 8 : i32
    %dma_start3A_364 = arith.constant 0 : i32
    %dma_start3A_365 = arith.constant 0 : i32
    %dma_start3A_366 = arith.constant 0 : i32
    %dma_start3A_367 = tpu.memref_slice %arg8[%dma_start3A_364, %dma_start3A_365, %dma_start3A_366] : memref<2x32x768xf32, #tpu.memory_space<vmem>> -> memref<1x32x768xf32, #tpu.memory_space<vmem>>
    %dma_start3A_368 = tpu.memref_squeeze %dma_start3A_367 : memref<1x32x768xf32, #tpu.memory_space<vmem>> -> memref<32x768xf32, #tpu.memory_space<vmem>>
    %dma_start3A_369 = arith.constant 0 : i32
    %dma_start3A_370 = tpu.memref_slice %arg5[%multiple_of3A_363, %dma_start3A_369] : memref<16384x768xf32, #tpu.memory_space<hbm>> -> memref<32x768xf32, #tpu.memory_space<hbm>>
    %dma_start3A_371 = arith.constant 0 : i32
    %dma_start3A_372 = tpu.memref_slice %arg5[%multiple_of3A_363, %dma_start3A_371] : memref<16384x768xf32, #tpu.memory_space<hbm>> -> memref<32x768xf32, #tpu.memory_space<hbm>>
    %dma_start3A_373 = arith.constant 0 : i32
    %dma_start3A_374 = arith.constant 0 : i32
    %dma_start3A_375 = tpu.memref_slice %arg8[%dma_start3A_364, %dma_start3A_373, %dma_start3A_374] : memref<2x32x768xf32, #tpu.memory_space<vmem>> -> memref<1x32x768xf32, #tpu.memory_space<vmem>>
    %dma_start3A_376 = tpu.memref_squeeze %dma_start3A_375 : memref<1x32x768xf32, #tpu.memory_space<vmem>> -> memref<32x768xf32, #tpu.memory_space<vmem>>
    tpu.enqueue_dma source(%dma_start3A_376 : memref<32x768xf32, #tpu.memory_space<vmem>>) target(%dma_start3A_372 : memref<32x768xf32, #tpu.memory_space<hbm>>) target_semaphore(%arg11 : memref<!tpu.dma_semaphore, #tpu.memory_space<semaphore_mem>>)
    %dma_wait3A_377 = arith.constant 0 : i32
    %dma_wait3A_378 = arith.constant 0 : i32
    %dma_wait3A_379 = arith.constant 0 : i32
    %dma_wait3A_380 = tpu.memref_slice %arg8[%dma_wait3A_377, %dma_wait3A_378, %dma_wait3A_379] : memref<2x32x768xf32, #tpu.memory_space<vmem>> -> memref<1x32x768xf32, #tpu.memory_space<vmem>>
    %dma_wait3A_381 = tpu.memref_squeeze %dma_wait3A_380 : memref<1x32x768xf32, #tpu.memory_space<vmem>> -> memref<32x768xf32, #tpu.memory_space<vmem>>
    %dma_wait3A_382 = arith.constant 0 : i32
    %dma_wait3A_383 = tpu.memref_slice %arg5[%multiple_of3A_363, %dma_wait3A_382] : memref<16384x768xf32, #tpu.memory_space<hbm>> -> memref<32x768xf32, #tpu.memory_space<hbm>>
    %dma_wait3A_384 = arith.constant 0 : i32
    %dma_wait3A_385 = tpu.memref_slice %arg5[%multiple_of3A_363, %dma_wait3A_384] : memref<16384x768xf32, #tpu.memory_space<hbm>> -> memref<32x768xf32, #tpu.memory_space<hbm>>
    %dma_wait3A_386 = arith.constant 0 : i32
    %dma_wait3A_387 = arith.constant 0 : i32
    %dma_wait3A_388 = tpu.memref_slice %arg8[%dma_wait3A_377, %dma_wait3A_386, %dma_wait3A_387] : memref<2x32x768xf32, #tpu.memory_space<vmem>> -> memref<1x32x768xf32, #tpu.memory_space<vmem>>
    %dma_wait3A_389 = tpu.memref_squeeze %dma_wait3A_388 : memref<1x32x768xf32, #tpu.memory_space<vmem>> -> memref<32x768xf32, #tpu.memory_space<vmem>>
    tpu.wait_dma2 semaphore(%arg11 : memref<!tpu.dma_semaphore, #tpu.memory_space<semaphore_mem>>) src(%dma_wait3A_389 : memref<32x768xf32, #tpu.memory_space<vmem>>) dst(%dma_wait3A_385 : memref<32x768xf32, #tpu.memory_space<hbm>>)
    %dma_start3A_390 = arith.constant 2 : i32
    %dma_start3A_391 = arith.constant 0 : i32
    %dma_start3A_392 = arith.constant 0 : i32
    %dma_start3A_393 = arith.constant 0 : i32
    %dma_start3A_394 = tpu.memref_slice %arg8[%dma_start3A_391, %dma_start3A_392, %dma_start3A_393] : memref<2x32x768xf32, #tpu.memory_space<vmem>> -> memref<1x32x768xf32, #tpu.memory_space<vmem>>
    %dma_start3A_395 = tpu.memref_squeeze %dma_start3A_394 : memref<1x32x768xf32, #tpu.memory_space<vmem>> -> memref<32x768xf32, #tpu.memory_space<vmem>>
    %dma_start3A_396 = arith.constant 32 : i32
    %dma_start3A_397 = tpu.memref_slice %arg6[%dma_start3A_390, %dma_start3A_396] : memref<4x128xi32, #tpu.memory_space<vmem>> -> memref<1x32xi32, #tpu.memory_space<vmem>>
    %dma_start3A_398 = tpu.memref_squeeze %dma_start3A_397 : memref<1x32xi32, #tpu.memory_space<vmem>> -> memref<32xi32, #tpu.memory_space<vmem>>
    %dma_start3A_399 = arith.constant 0 : i32
    %dma_start3A_400 = arith.constant 0 : i32
    %dma_start3A_401 = tpu.memref_slice %arg4[%dma_start3A_399, %dma_start3A_400] : memref<100000x768xf32, #tpu.memory_space<hbm>> -> memref<100000x768xf32, #tpu.memory_space<hbm>>
    tpu.enqueue_indirect_dma source(%dma_start3A_401 : memref<100000x768xf32, #tpu.memory_space<hbm>>) target(%dma_start3A_395 : memref<32x768xf32, #tpu.memory_space<vmem>>) offsets(%dma_start3A_398 : memref<32xi32, #tpu.memory_space<vmem>>) semaphore(%arg9 : memref<!tpu.dma_semaphore, #tpu.memory_space<semaphore_mem>>)
    %dma_wait3A_402 = arith.constant 1 : i32
    %dma_wait3A_403 = arith.constant 1 : i32
    %dma_wait3A_404 = arith.constant 0 : i32
    %dma_wait3A_405 = arith.constant 0 : i32
    %dma_wait3A_406 = tpu.memref_slice %arg8[%dma_wait3A_403, %dma_wait3A_404, %dma_wait3A_405] : memref<2x32x768xf32, #tpu.memory_space<vmem>> -> memref<1x32x768xf32, #tpu.memory_space<vmem>>
    %dma_wait3A_407 = tpu.memref_squeeze %dma_wait3A_406 : memref<1x32x768xf32, #tpu.memory_space<vmem>> -> memref<32x768xf32, #tpu.memory_space<vmem>>
    %dma_wait3A_408 = arith.constant 32 : i32
    %dma_wait3A_409 = tpu.memref_slice %arg6[%dma_wait3A_402, %dma_wait3A_408] : memref<4x128xi32, #tpu.memory_space<vmem>> -> memref<1x32xi32, #tpu.memory_space<vmem>>
    %dma_wait3A_410 = tpu.memref_squeeze %dma_wait3A_409 : memref<1x32xi32, #tpu.memory_space<vmem>> -> memref<32xi32, #tpu.memory_space<vmem>>
    %dma_wait3A_411 = arith.constant 0 : i32
    %dma_wait3A_412 = arith.constant 0 : i32
    %dma_wait3A_413 = tpu.memref_slice %arg4[%dma_wait3A_411, %dma_wait3A_412] : memref<100000x768xf32, #tpu.memory_space<hbm>> -> memref<100000x768xf32, #tpu.memory_space<hbm>>
    tpu.wait_indirect_dma semaphore(%arg10 : memref<!tpu.dma_semaphore, #tpu.memory_space<semaphore_mem>>) src(%dma_wait3A_413 : memref<100000x768xf32, #tpu.memory_space<hbm>>) dst(%dma_wait3A_407 : memref<32x768xf32, #tpu.memory_space<vmem>>)
    %scan3A_414 = arith.constant 0 : i32
    %scan3A_415 = arith.constant 0 : i32
    %scan3A_416 = arith.constant 32 : i32
    %scan3A_417 = arith.addi %scan3A_415, %scan3A_416 : i32
    %scan3A_418 = arith.constant 1 : i32
    scf.for %scan3A_1091 = %scan3A_415 to %scan3A_417 step %scan3A_418  : i32 {
      %parallel_loop3A = arith.constant 0 : i32
      %parallel_loop3A_1092 = arith.constant 768 : i32
      %parallel_loop3A_1093 = arith.constant 16 : i32
      scf.for %parallel_loop3A_1094 = %parallel_loop3A to %parallel_loop3A_1092 step %parallel_loop3A_1093  : i32 {
        %parallel_loop3A_1095 = arith.constant 1 : i32
        %parallel_loop3A_1096 = arith.index_cast %parallel_loop3A_1095 : i32 to index
        %parallel_loop3A_1097 = arith.index_cast %scan3A_1091 : i32 to index
        %parallel_loop3A_1098 = arith.index_cast %parallel_loop3A_1094 : i32 to index
        %parallel_loop3A_1099 = tpu.vector_load %arg7[%parallel_loop3A_1096, %parallel_loop3A_1097, %parallel_loop3A_1098] {strides = array<i32>} : memref<2x32x768xf32, #tpu.memory_space<vmem>>, vector<1x1x16xf32>,
        %parallel_loop3A_1100 = vector.shape_cast %parallel_loop3A_1099 : vector<1x1x16xf32> to vector<16xf32>
        %parallel_loop3A_1101 = arith.constant 1 : i32
        %parallel_loop3A_1102 = arith.index_cast %parallel_loop3A_1101 : i32 to index
        %parallel_loop3A_1103 = arith.index_cast %scan3A_1091 : i32 to index
        %parallel_loop3A_1104 = arith.index_cast %parallel_loop3A_1094 : i32 to index
        %parallel_loop3A_1105 = tpu.vector_load %arg8[%parallel_loop3A_1102, %parallel_loop3A_1103, %parallel_loop3A_1104] {strides = array<i32>} : memref<2x32x768xf32, #tpu.memory_space<vmem>>, vector<1x1x16xf32>,
        %parallel_loop3A_1106 = vector.shape_cast %parallel_loop3A_1105 : vector<1x1x16xf32> to vector<16xf32>
        %parallel_loop3A_1107 = vector.shape_cast %parallel_loop3A_1100 : vector<16xf32> to vector<1x1x16xf32>
        tpu.vector_store %arg8[%parallel_loop3A_1102, %parallel_loop3A_1103, %parallel_loop3A_1104], %parallel_loop3A_1107 {add = true, strides = array<i32>} : memref<2x32x768xf32, #tpu.memory_space<vmem>>, vector<1x1x16xf32>,
      } {sc.loop_unroll_factor = 4 : i64, sc.parallel_access}
    }
    %scan3A_419 = arith.constant 32 : i32
    %add3A_420 = arith.constant 4096 : i32
    %add3A_421 = arith.addi %add3A_420, %mul3A_2 : i32
    %add3A_422 = arith.constant 32 : i32
    %add3A_423 = arith.addi %add3A_421, %add3A_422 : i32
    %multiple_of3A_424 = tpu.assume_multiple %add3A_423, 8 : i32
    %dma_start3A_425 = arith.constant 1 : i32
    %dma_start3A_426 = arith.constant 0 : i32
    %dma_start3A_427 = arith.constant 0 : i32
    %dma_start3A_428 = tpu.memref_slice %arg8[%dma_start3A_425, %dma_start3A_426, %dma_start3A_427] : memref<2x32x768xf32, #tpu.memory_space<vmem>> -> memref<1x32x768xf32, #tpu.memory_space<vmem>>
    %dma_start3A_429 = tpu.memref_squeeze %dma_start3A_428 : memref<1x32x768xf32, #tpu.memory_space<vmem>> -> memref<32x768xf32, #tpu.memory_space<vmem>>
    %dma_start3A_430 = arith.constant 0 : i32
    %dma_start3A_431 = tpu.memref_slice %arg5[%multiple_of3A_424, %dma_start3A_430] : memref<16384x768xf32, #tpu.memory_space<hbm>> -> memref<32x768xf32, #tpu.memory_space<hbm>>
    %dma_start3A_432 = arith.constant 0 : i32
    %dma_start3A_433 = tpu.memref_slice %arg5[%multiple_of3A_424, %dma_start3A_432] : memref<16384x768xf32, #tpu.memory_space<hbm>> -> memref<32x768xf32, #tpu.memory_space<hbm>>
    %dma_start3A_434 = arith.constant 0 : i32
    %dma_start3A_435 = arith.constant 0 : i32
    %dma_start3A_436 = tpu.memref_slice %arg8[%dma_start3A_425, %dma_start3A_434, %dma_start3A_435] : memref<2x32x768xf32, #tpu.memory_space<vmem>> -> memref<1x32x768xf32, #tpu.memory_space<vmem>>
    %dma_start3A_437 = tpu.memref_squeeze %dma_start3A_436 : memref<1x32x768xf32, #tpu.memory_space<vmem>> -> memref<32x768xf32, #tpu.memory_space<vmem>>
    tpu.enqueue_dma source(%dma_start3A_437 : memref<32x768xf32, #tpu.memory_space<vmem>>) target(%dma_start3A_433 : memref<32x768xf32, #tpu.memory_space<hbm>>) target_semaphore(%arg12 : memref<!tpu.dma_semaphore, #tpu.memory_space<semaphore_mem>>)
    %dma_wait3A_438 = arith.constant 1 : i32
    %dma_wait3A_439 = arith.constant 0 : i32
    %dma_wait3A_440 = arith.constant 0 : i32
    %dma_wait3A_441 = tpu.memref_slice %arg8[%dma_wait3A_438, %dma_wait3A_439, %dma_wait3A_440] : memref<2x32x768xf32, #tpu.memory_space<vmem>> -> memref<1x32x768xf32, #tpu.memory_space<vmem>>
    %dma_wait3A_442 = tpu.memref_squeeze %dma_wait3A_441 : memref<1x32x768xf32, #tpu.memory_space<vmem>> -> memref<32x768xf32, #tpu.memory_space<vmem>>
    %dma_wait3A_443 = arith.constant 0 : i32
    %dma_wait3A_444 = tpu.memref_slice %arg5[%multiple_of3A_424, %dma_wait3A_443] : memref<16384x768xf32, #tpu.memory_space<hbm>> -> memref<32x768xf32, #tpu.memory_space<hbm>>
    %dma_wait3A_445 = arith.constant 0 : i32
    %dma_wait3A_446 = tpu.memref_slice %arg5[%multiple_of3A_424, %dma_wait3A_445] : memref<16384x768xf32, #tpu.memory_space<hbm>> -> memref<32x768xf32, #tpu.memory_space<hbm>>
    %dma_wait3A_447 = arith.constant 0 : i32
    %dma_wait3A_448 = arith.constant 0 : i32
    %dma_wait3A_449 = tpu.memref_slice %arg8[%dma_wait3A_438, %dma_wait3A_447, %dma_wait3A_448] : memref<2x32x768xf32, #tpu.memory_space<vmem>> -> memref<1x32x768xf32, #tpu.memory_space<vmem>>
    %dma_wait3A_450 = tpu.memref_squeeze %dma_wait3A_449 : memref<1x32x768xf32, #tpu.memory_space<vmem>> -> memref<32x768xf32, #tpu.memory_space<vmem>>
    tpu.wait_dma2 semaphore(%arg12 : memref<!tpu.dma_semaphore, #tpu.memory_space<semaphore_mem>>) src(%dma_wait3A_450 : memref<32x768xf32, #tpu.memory_space<vmem>>) dst(%dma_wait3A_446 : memref<32x768xf32, #tpu.memory_space<hbm>>)
    %dma_start3A_451 = arith.constant 3 : i32
    %dma_start3A_452 = arith.constant 1 : i32
    %dma_start3A_453 = arith.constant 0 : i32
    %dma_start3A_454 = arith.constant 0 : i32
    %dma_start3A_455 = tpu.memref_slice %arg8[%dma_start3A_452, %dma_start3A_453, %dma_start3A_454] : memref<2x32x768xf32, #tpu.memory_space<vmem>> -> memref<1x32x768xf32, #tpu.memory_space<vmem>>
    %dma_start3A_456 = tpu.memref_squeeze %dma_start3A_455 : memref<1x32x768xf32, #tpu.memory_space<vmem>> -> memref<32x768xf32, #tpu.memory_space<vmem>>
    %dma_start3A_457 = arith.constant 32 : i32
    %dma_start3A_458 = tpu.memref_slice %arg6[%dma_start3A_451, %dma_start3A_457] : memref<4x128xi32, #tpu.memory_space<vmem>> -> memref<1x32xi32, #tpu.memory_space<vmem>>
    %dma_start3A_459 = tpu.memref_squeeze %dma_start3A_458 : memref<1x32xi32, #tpu.memory_space<vmem>> -> memref<32xi32, #tpu.memory_space<vmem>>
    %dma_start3A_460 = arith.constant 0 : i32
    %dma_start3A_461 = arith.constant 0 : i32
    %dma_start3A_462 = tpu.memref_slice %arg4[%dma_start3A_460, %dma_start3A_461] : memref<100000x768xf32, #tpu.memory_space<hbm>> -> memref<100000x768xf32, #tpu.memory_space<hbm>>
    tpu.enqueue_indirect_dma source(%dma_start3A_462 : memref<100000x768xf32, #tpu.memory_space<hbm>>) target(%dma_start3A_456 : memref<32x768xf32, #tpu.memory_space<vmem>>) offsets(%dma_start3A_459 : memref<32xi32, #tpu.memory_space<vmem>>) semaphore(%arg10 : memref<!tpu.dma_semaphore, #tpu.memory_space<semaphore_mem>>)
    %dma_wait3A_463 = arith.constant 2 : i32
    %dma_wait3A_464 = arith.constant 0 : i32
    %dma_wait3A_465 = arith.constant 0 : i32
    %dma_wait3A_466 = arith.constant 0 : i32
    %dma_wait3A_467 = tpu.memref_slice %arg8[%dma_wait3A_464, %dma_wait3A_465, %dma_wait3A_466] : memref<2x32x768xf32, #tpu.memory_space<vmem>> -> memref<1x32x768xf32, #tpu.memory_space<vmem>>
    %dma_wait3A_468 = tpu.memref_squeeze %dma_wait3A_467 : memref<1x32x768xf32, #tpu.memory_space<vmem>> -> memref<32x768xf32, #tpu.memory_space<vmem>>
    %dma_wait3A_469 = arith.constant 32 : i32
    %dma_wait3A_470 = tpu.memref_slice %arg6[%dma_wait3A_463, %dma_wait3A_469] : memref<4x128xi32, #tpu.memory_space<vmem>> -> memref<1x32xi32, #tpu.memory_space<vmem>>
    %dma_wait3A_471 = tpu.memref_squeeze %dma_wait3A_470 : memref<1x32xi32, #tpu.memory_space<vmem>> -> memref<32xi32, #tpu.memory_space<vmem>>
    %dma_wait3A_472 = arith.constant 0 : i32
    %dma_wait3A_473 = arith.constant 0 : i32
    %dma_wait3A_474 = tpu.memref_slice %arg4[%dma_wait3A_472, %dma_wait3A_473] : memref<100000x768xf32, #tpu.memory_space<hbm>> -> memref<100000x768xf32, #tpu.memory_space<hbm>>
    tpu.wait_indirect_dma semaphore(%arg9 : memref<!tpu.dma_semaphore, #tpu.memory_space<semaphore_mem>>) src(%dma_wait3A_474 : memref<100000x768xf32, #tpu.memory_space<hbm>>) dst(%dma_wait3A_468 : memref<32x768xf32, #tpu.memory_space<vmem>>)
    %scan3A_475 = arith.constant 0 : i32
    %scan3A_476 = arith.constant 0 : i32
    %scan3A_477 = arith.constant 32 : i32
    %scan3A_478 = arith.addi %scan3A_476, %scan3A_477 : i32
    %scan3A_479 = arith.constant 1 : i32
    scf.for %scan3A_1091 = %scan3A_476 to %scan3A_478 step %scan3A_479  : i32 {
      %parallel_loop3A = arith.constant 0 : i32
      %parallel_loop3A_1092 = arith.constant 768 : i32
      %parallel_loop3A_1093 = arith.constant 16 : i32
      scf.for %parallel_loop3A_1094 = %parallel_loop3A to %parallel_loop3A_1092 step %parallel_loop3A_1093  : i32 {
        %parallel_loop3A_1095 = arith.constant 1 : i32
        %parallel_loop3A_1096 = arith.index_cast %parallel_loop3A_1095 : i32 to index
        %parallel_loop3A_1097 = arith.index_cast %scan3A_1091 : i32 to index
        %parallel_loop3A_1098 = arith.index_cast %parallel_loop3A_1094 : i32 to index
        %parallel_loop3A_1099 = tpu.vector_load %arg7[%parallel_loop3A_1096, %parallel_loop3A_1097, %parallel_loop3A_1098] {strides = array<i32>} : memref<2x32x768xf32, #tpu.memory_space<vmem>>, vector<1x1x16xf32>,
        %parallel_loop3A_1100 = vector.shape_cast %parallel_loop3A_1099 : vector<1x1x16xf32> to vector<16xf32>
        %parallel_loop3A_1101 = arith.constant 0 : i32
        %parallel_loop3A_1102 = arith.index_cast %parallel_loop3A_1101 : i32 to index
        %parallel_loop3A_1103 = arith.index_cast %scan3A_1091 : i32 to index
        %parallel_loop3A_1104 = arith.index_cast %parallel_loop3A_1094 : i32 to index
        %parallel_loop3A_1105 = tpu.vector_load %arg8[%parallel_loop3A_1102, %parallel_loop3A_1103, %parallel_loop3A_1104] {strides = array<i32>} : memref<2x32x768xf32, #tpu.memory_space<vmem>>, vector<1x1x16xf32>,
        %parallel_loop3A_1106 = vector.shape_cast %parallel_loop3A_1105 : vector<1x1x16xf32> to vector<16xf32>
        %parallel_loop3A_1107 = vector.shape_cast %parallel_loop3A_1100 : vector<16xf32> to vector<1x1x16xf32>
        tpu.vector_store %arg8[%parallel_loop3A_1102, %parallel_loop3A_1103, %parallel_loop3A_1104], %parallel_loop3A_1107 {add = true, strides = array<i32>} : memref<2x32x768xf32, #tpu.memory_space<vmem>>, vector<1x1x16xf32>,
      } {sc.loop_unroll_factor = 4 : i64, sc.parallel_access}
    }
    %scan3A_480 = arith.constant 32 : i32
    %add3A_481 = arith.constant 8192 : i32
    %add3A_482 = arith.addi %add3A_481, %mul3A_2 : i32
    %add3A_483 = arith.constant 32 : i32
    %add3A_484 = arith.addi %add3A_482, %add3A_483 : i32
    %multiple_of3A_485 = tpu.assume_multiple %add3A_484, 8 : i32
    %dma_start3A_486 = arith.constant 0 : i32
    %dma_start3A_487 = arith.constant 0 : i32
    %dma_start3A_488 = arith.constant 0 : i32
    %dma_start3A_489 = tpu.memref_slice %arg8[%dma_start3A_486, %dma_start3A_487, %dma_start3A_488] : memref<2x32x768xf32, #tpu.memory_space<vmem>> -> memref<1x32x768xf32, #tpu.memory_space<vmem>>
    %dma_start3A_490 = tpu.memref_squeeze %dma_start3A_489 : memref<1x32x768xf32, #tpu.memory_space<vmem>> -> memref<32x768xf32, #tpu.memory_space<vmem>>
    %dma_start3A_491 = arith.constant 0 : i32
    %dma_start3A_492 = tpu.memref_slice %arg5[%multiple_of3A_485, %dma_start3A_491] : memref<16384x768xf32, #tpu.memory_space<hbm>> -> memref<32x768xf32, #tpu.memory_space<hbm>>
    %dma_start3A_493 = arith.constant 0 : i32
    %dma_start3A_494 = tpu.memref_slice %arg5[%multiple_of3A_485, %dma_start3A_493] : memref<16384x768xf32, #tpu.memory_space<hbm>> -> memref<32x768xf32, #tpu.memory_space<hbm>>
    %dma_start3A_495 = arith.constant 0 : i32
    %dma_start3A_496 = arith.constant 0 : i32
    %dma_start3A_497 = tpu.memref_slice %arg8[%dma_start3A_486, %dma_start3A_495, %dma_start3A_496] : memref<2x32x768xf32, #tpu.memory_space<vmem>> -> memref<1x32x768xf32, #tpu.memory_space<vmem>>
    %dma_start3A_498 = tpu.memref_squeeze %dma_start3A_497 : memref<1x32x768xf32, #tpu.memory_space<vmem>> -> memref<32x768xf32, #tpu.memory_space<vmem>>
    tpu.enqueue_dma source(%dma_start3A_498 : memref<32x768xf32, #tpu.memory_space<vmem>>) target(%dma_start3A_494 : memref<32x768xf32, #tpu.memory_space<hbm>>) target_semaphore(%arg11 : memref<!tpu.dma_semaphore, #tpu.memory_space<semaphore_mem>>)
    %dma_wait3A_499 = arith.constant 0 : i32
    %dma_wait3A_500 = arith.constant 0 : i32
    %dma_wait3A_501 = arith.constant 0 : i32
    %dma_wait3A_502 = tpu.memref_slice %arg8[%dma_wait3A_499, %dma_wait3A_500, %dma_wait3A_501] : memref<2x32x768xf32, #tpu.memory_space<vmem>> -> memref<1x32x768xf32, #tpu.memory_space<vmem>>
    %dma_wait3A_503 = tpu.memref_squeeze %dma_wait3A_502 : memref<1x32x768xf32, #tpu.memory_space<vmem>> -> memref<32x768xf32, #tpu.memory_space<vmem>>
    %dma_wait3A_504 = arith.constant 0 : i32
    %dma_wait3A_505 = tpu.memref_slice %arg5[%multiple_of3A_485, %dma_wait3A_504] : memref<16384x768xf32, #tpu.memory_space<hbm>> -> memref<32x768xf32, #tpu.memory_space<hbm>>
    %dma_wait3A_506 = arith.constant 0 : i32
    %dma_wait3A_507 = tpu.memref_slice %arg5[%multiple_of3A_485, %dma_wait3A_506] : memref<16384x768xf32, #tpu.memory_space<hbm>> -> memref<32x768xf32, #tpu.memory_space<hbm>>
    %dma_wait3A_508 = arith.constant 0 : i32
    %dma_wait3A_509 = arith.constant 0 : i32
    %dma_wait3A_510 = tpu.memref_slice %arg8[%dma_wait3A_499, %dma_wait3A_508, %dma_wait3A_509] : memref<2x32x768xf32, #tpu.memory_space<vmem>> -> memref<1x32x768xf32, #tpu.memory_space<vmem>>
    %dma_wait3A_511 = tpu.memref_squeeze %dma_wait3A_510 : memref<1x32x768xf32, #tpu.memory_space<vmem>> -> memref<32x768xf32, #tpu.memory_space<vmem>>
    tpu.wait_dma2 semaphore(%arg11 : memref<!tpu.dma_semaphore, #tpu.memory_space<semaphore_mem>>) src(%dma_wait3A_511 : memref<32x768xf32, #tpu.memory_space<vmem>>) dst(%dma_wait3A_507 : memref<32x768xf32, #tpu.memory_space<hbm>>)
    %dma_start3A_512 = arith.constant 0 : i32
    %dma_start3A_513 = arith.constant 0 : i32
    %dma_start3A_514 = arith.constant 0 : i32
    %dma_start3A_515 = arith.constant 0 : i32
    %dma_start3A_516 = tpu.memref_slice %arg8[%dma_start3A_513, %dma_start3A_514, %dma_start3A_515] : memref<2x32x768xf32, #tpu.memory_space<vmem>> -> memref<1x32x768xf32, #tpu.memory_space<vmem>>
    %dma_start3A_517 = tpu.memref_squeeze %dma_start3A_516 : memref<1x32x768xf32, #tpu.memory_space<vmem>> -> memref<32x768xf32, #tpu.memory_space<vmem>>
    %dma_start3A_518 = arith.constant 64 : i32
    %dma_start3A_519 = tpu.memref_slice %arg6[%dma_start3A_512, %dma_start3A_518] : memref<4x128xi32, #tpu.memory_space<vmem>> -> memref<1x32xi32, #tpu.memory_space<vmem>>
    %dma_start3A_520 = tpu.memref_squeeze %dma_start3A_519 : memref<1x32xi32, #tpu.memory_space<vmem>> -> memref<32xi32, #tpu.memory_space<vmem>>
    %dma_start3A_521 = arith.constant 0 : i32
    %dma_start3A_522 = arith.constant 0 : i32
    %dma_start3A_523 = tpu.memref_slice %arg4[%dma_start3A_521, %dma_start3A_522] : memref<100000x768xf32, #tpu.memory_space<hbm>> -> memref<100000x768xf32, #tpu.memory_space<hbm>>
    tpu.enqueue_indirect_dma source(%dma_start3A_523 : memref<100000x768xf32, #tpu.memory_space<hbm>>) target(%dma_start3A_517 : memref<32x768xf32, #tpu.memory_space<vmem>>) offsets(%dma_start3A_520 : memref<32xi32, #tpu.memory_space<vmem>>) semaphore(%arg9 : memref<!tpu.dma_semaphore, #tpu.memory_space<semaphore_mem>>)
    %dma_wait3A_524 = arith.constant 3 : i32
    %dma_wait3A_525 = arith.constant 1 : i32
    %dma_wait3A_526 = arith.constant 0 : i32
    %dma_wait3A_527 = arith.constant 0 : i32
    %dma_wait3A_528 = tpu.memref_slice %arg8[%dma_wait3A_525, %dma_wait3A_526, %dma_wait3A_527] : memref<2x32x768xf32, #tpu.memory_space<vmem>> -> memref<1x32x768xf32, #tpu.memory_space<vmem>>
    %dma_wait3A_529 = tpu.memref_squeeze %dma_wait3A_528 : memref<1x32x768xf32, #tpu.memory_space<vmem>> -> memref<32x768xf32, #tpu.memory_space<vmem>>
    %dma_wait3A_530 = arith.constant 32 : i32
    %dma_wait3A_531 = tpu.memref_slice %arg6[%dma_wait3A_524, %dma_wait3A_530] : memref<4x128xi32, #tpu.memory_space<vmem>> -> memref<1x32xi32, #tpu.memory_space<vmem>>
    %dma_wait3A_532 = tpu.memref_squeeze %dma_wait3A_531 : memref<1x32xi32, #tpu.memory_space<vmem>> -> memref<32xi32, #tpu.memory_space<vmem>>
    %dma_wait3A_533 = arith.constant 0 : i32
    %dma_wait3A_534 = arith.constant 0 : i32
    %dma_wait3A_535 = tpu.memref_slice %arg4[%dma_wait3A_533, %dma_wait3A_534] : memref<100000x768xf32, #tpu.memory_space<hbm>> -> memref<100000x768xf32, #tpu.memory_space<hbm>>
    tpu.wait_indirect_dma semaphore(%arg10 : memref<!tpu.dma_semaphore, #tpu.memory_space<semaphore_mem>>) src(%dma_wait3A_535 : memref<100000x768xf32, #tpu.memory_space<hbm>>) dst(%dma_wait3A_529 : memref<32x768xf32, #tpu.memory_space<vmem>>)
    %scan3A_536 = arith.constant 0 : i32
    %scan3A_537 = arith.constant 0 : i32
    %scan3A_538 = arith.constant 32 : i32
    %scan3A_539 = arith.addi %scan3A_537, %scan3A_538 : i32
    %scan3A_540 = arith.constant 1 : i32
    scf.for %scan3A_1091 = %scan3A_537 to %scan3A_539 step %scan3A_540  : i32 {
      %parallel_loop3A = arith.constant 0 : i32
      %parallel_loop3A_1092 = arith.constant 768 : i32
      %parallel_loop3A_1093 = arith.constant 16 : i32
      scf.for %parallel_loop3A_1094 = %parallel_loop3A to %parallel_loop3A_1092 step %parallel_loop3A_1093  : i32 {
        %parallel_loop3A_1095 = arith.constant 1 : i32
        %parallel_loop3A_1096 = arith.index_cast %parallel_loop3A_1095 : i32 to index
        %parallel_loop3A_1097 = arith.index_cast %scan3A_1091 : i32 to index
        %parallel_loop3A_1098 = arith.index_cast %parallel_loop3A_1094 : i32 to index
        %parallel_loop3A_1099 = tpu.vector_load %arg7[%parallel_loop3A_1096, %parallel_loop3A_1097, %parallel_loop3A_1098] {strides = array<i32>} : memref<2x32x768xf32, #tpu.memory_space<vmem>>, vector<1x1x16xf32>,
        %parallel_loop3A_1100 = vector.shape_cast %parallel_loop3A_1099 : vector<1x1x16xf32> to vector<16xf32>
        %parallel_loop3A_1101 = arith.constant 1 : i32
        %parallel_loop3A_1102 = arith.index_cast %parallel_loop3A_1101 : i32 to index
        %parallel_loop3A_1103 = arith.index_cast %scan3A_1091 : i32 to index
        %parallel_loop3A_1104 = arith.index_cast %parallel_loop3A_1094 : i32 to index
        %parallel_loop3A_1105 = tpu.vector_load %arg8[%parallel_loop3A_1102, %parallel_loop3A_1103, %parallel_loop3A_1104] {strides = array<i32>} : memref<2x32x768xf32, #tpu.memory_space<vmem>>, vector<1x1x16xf32>,
        %parallel_loop3A_1106 = vector.shape_cast %parallel_loop3A_1105 : vector<1x1x16xf32> to vector<16xf32>
        %parallel_loop3A_1107 = vector.shape_cast %parallel_loop3A_1100 : vector<16xf32> to vector<1x1x16xf32>
        tpu.vector_store %arg8[%parallel_loop3A_1102, %parallel_loop3A_1103, %parallel_loop3A_1104], %parallel_loop3A_1107 {add = true, strides = array<i32>} : memref<2x32x768xf32, #tpu.memory_space<vmem>>, vector<1x1x16xf32>,
      } {sc.loop_unroll_factor = 4 : i64, sc.parallel_access}
    }
    %scan3A_541 = arith.constant 32 : i32
    %add3A_542 = arith.constant 12288 : i32
    %add3A_543 = arith.addi %add3A_542, %mul3A_2 : i32
    %add3A_544 = arith.constant 32 : i32
    %add3A_545 = arith.addi %add3A_543, %add3A_544 : i32
    %multiple_of3A_546 = tpu.assume_multiple %add3A_545, 8 : i32
    %dma_start3A_547 = arith.constant 1 : i32
    %dma_start3A_548 = arith.constant 0 : i32
    %dma_start3A_549 = arith.constant 0 : i32
    %dma_start3A_550 = tpu.memref_slice %arg8[%dma_start3A_547, %dma_start3A_548, %dma_start3A_549] : memref<2x32x768xf32, #tpu.memory_space<vmem>> -> memref<1x32x768xf32, #tpu.memory_space<vmem>>
    %dma_start3A_551 = tpu.memref_squeeze %dma_start3A_550 : memref<1x32x768xf32, #tpu.memory_space<vmem>> -> memref<32x768xf32, #tpu.memory_space<vmem>>
    %dma_start3A_552 = arith.constant 0 : i32
    %dma_start3A_553 = tpu.memref_slice %arg5[%multiple_of3A_546, %dma_start3A_552] : memref<16384x768xf32, #tpu.memory_space<hbm>> -> memref<32x768xf32, #tpu.memory_space<hbm>>
    %dma_start3A_554 = arith.constant 0 : i32
    %dma_start3A_555 = tpu.memref_slice %arg5[%multiple_of3A_546, %dma_start3A_554] : memref<16384x768xf32, #tpu.memory_space<hbm>> -> memref<32x768xf32, #tpu.memory_space<hbm>>
    %dma_start3A_556 = arith.constant 0 : i32
    %dma_start3A_557 = arith.constant 0 : i32
    %dma_start3A_558 = tpu.memref_slice %arg8[%dma_start3A_547, %dma_start3A_556, %dma_start3A_557] : memref<2x32x768xf32, #tpu.memory_space<vmem>> -> memref<1x32x768xf32, #tpu.memory_space<vmem>>
    %dma_start3A_559 = tpu.memref_squeeze %dma_start3A_558 : memref<1x32x768xf32, #tpu.memory_space<vmem>> -> memref<32x768xf32, #tpu.memory_space<vmem>>
    tpu.enqueue_dma source(%dma_start3A_559 : memref<32x768xf32, #tpu.memory_space<vmem>>) target(%dma_start3A_555 : memref<32x768xf32, #tpu.memory_space<hbm>>) target_semaphore(%arg12 : memref<!tpu.dma_semaphore, #tpu.memory_space<semaphore_mem>>)
    %dma_wait3A_560 = arith.constant 0 : i32
    %dma_wait3A_561 = arith.constant 0 : i32
    %dma_wait3A_562 = arith.constant 0 : i32
    %dma_wait3A_563 = tpu.memref_slice %arg7[%dma_wait3A_560, %dma_wait3A_561, %dma_wait3A_562] : memref<2x32x768xf32, #tpu.memory_space<vmem>> -> memref<1x32x768xf32, #tpu.memory_space<vmem>>
    %dma_wait3A_564 = tpu.memref_squeeze %dma_wait3A_563 : memref<1x32x768xf32, #tpu.memory_space<vmem>> -> memref<32x768xf32, #tpu.memory_space<vmem>>
    %dma_wait3A_565 = arith.constant 0 : i32
    %dma_wait3A_566 = tpu.memref_slice %arg3[%multiple_of3A_302, %dma_wait3A_565] : memref<4096x768xf32, #tpu.memory_space<hbm>> -> memref<32x768xf32, #tpu.memory_space<hbm>>
    %dma_wait3A_567 = arith.constant 0 : i32
    %dma_wait3A_568 = arith.constant 0 : i32
    %dma_wait3A_569 = tpu.memref_slice %arg7[%dma_wait3A_560, %dma_wait3A_567, %dma_wait3A_568] : memref<2x32x768xf32, #tpu.memory_space<vmem>> -> memref<1x32x768xf32, #tpu.memory_space<vmem>>
    %dma_wait3A_570 = tpu.memref_squeeze %dma_wait3A_569 : memref<1x32x768xf32, #tpu.memory_space<vmem>> -> memref<32x768xf32, #tpu.memory_space<vmem>>
    %dma_wait3A_571 = arith.constant 0 : i32
    %dma_wait3A_572 = tpu.memref_slice %arg3[%multiple_of3A_302, %dma_wait3A_571] : memref<4096x768xf32, #tpu.memory_space<hbm>> -> memref<32x768xf32, #tpu.memory_space<hbm>>
    tpu.wait_dma2 semaphore(%arg13 : memref<!tpu.dma_semaphore, #tpu.memory_space<semaphore_mem>>) src(%dma_wait3A_572 : memref<32x768xf32, #tpu.memory_space<hbm>>) dst(%dma_wait3A_570 : memref<32x768xf32, #tpu.memory_space<vmem>>)
    %add3A_573 = arith.constant 96 : i32
    %add3A_574 = arith.addi %mul3A_2, %add3A_573 : i32
    %multiple_of3A_575 = tpu.assume_multiple %add3A_574, 8 : i32
    %dma_start3A_576 = arith.constant 1 : i32
    %dma_start3A_577 = arith.constant 0 : i32
    %dma_start3A_578 = arith.constant 0 : i32
    %dma_start3A_579 = tpu.memref_slice %arg7[%dma_start3A_576, %dma_start3A_577, %dma_start3A_578] : memref<2x32x768xf32, #tpu.memory_space<vmem>> -> memref<1x32x768xf32, #tpu.memory_space<vmem>>
    %dma_start3A_580 = tpu.memref_squeeze %dma_start3A_579 : memref<1x32x768xf32, #tpu.memory_space<vmem>> -> memref<32x768xf32, #tpu.memory_space<vmem>>
    %dma_start3A_581 = arith.constant 0 : i32
    %dma_start3A_582 = tpu.memref_slice %arg3[%multiple_of3A_575, %dma_start3A_581] : memref<4096x768xf32, #tpu.memory_space<hbm>> -> memref<32x768xf32, #tpu.memory_space<hbm>>
    %dma_start3A_583 = arith.constant 0 : i32
    %dma_start3A_584 = arith.constant 0 : i32
    %dma_start3A_585 = tpu.memref_slice %arg7[%dma_start3A_576, %dma_start3A_583, %dma_start3A_584] : memref<2x32x768xf32, #tpu.memory_space<vmem>> -> memref<1x32x768xf32, #tpu.memory_space<vmem>>
    %dma_start3A_586 = tpu.memref_squeeze %dma_start3A_585 : memref<1x32x768xf32, #tpu.memory_space<vmem>> -> memref<32x768xf32, #tpu.memory_space<vmem>>
    %dma_start3A_587 = arith.constant 0 : i32
    %dma_start3A_588 = tpu.memref_slice %arg3[%multiple_of3A_575, %dma_start3A_587] : memref<4096x768xf32, #tpu.memory_space<hbm>> -> memref<32x768xf32, #tpu.memory_space<hbm>>
    tpu.enqueue_dma source(%dma_start3A_588 : memref<32x768xf32, #tpu.memory_space<hbm>>) target(%dma_start3A_586 : memref<32x768xf32, #tpu.memory_space<vmem>>) target_semaphore(%arg14 : memref<!tpu.dma_semaphore, #tpu.memory_space<semaphore_mem>>)
    %dma_wait3A_589 = arith.constant 1 : i32
    %dma_wait3A_590 = arith.constant 0 : i32
    %dma_wait3A_591 = arith.constant 0 : i32
    %dma_wait3A_592 = tpu.memref_slice %arg8[%dma_wait3A_589, %dma_wait3A_590, %dma_wait3A_591] : memref<2x32x768xf32, #tpu.memory_space<vmem>> -> memref<1x32x768xf32, #tpu.memory_space<vmem>>
    %dma_wait3A_593 = tpu.memref_squeeze %dma_wait3A_592 : memref<1x32x768xf32, #tpu.memory_space<vmem>> -> memref<32x768xf32, #tpu.memory_space<vmem>>
    %dma_wait3A_594 = arith.constant 0 : i32
    %dma_wait3A_595 = tpu.memref_slice %arg5[%multiple_of3A_546, %dma_wait3A_594] : memref<16384x768xf32, #tpu.memory_space<hbm>> -> memref<32x768xf32, #tpu.memory_space<hbm>>
    %dma_wait3A_596 = arith.constant 0 : i32
    %dma_wait3A_597 = tpu.memref_slice %arg5[%multiple_of3A_546, %dma_wait3A_596] : memref<16384x768xf32, #tpu.memory_space<hbm>> -> memref<32x768xf32, #tpu.memory_space<hbm>>
    %dma_wait3A_598 = arith.constant 0 : i32
    %dma_wait3A_599 = arith.constant 0 : i32
    %dma_wait3A_600 = tpu.memref_slice %arg8[%dma_wait3A_589, %dma_wait3A_598, %dma_wait3A_599] : memref<2x32x768xf32, #tpu.memory_space<vmem>> -> memref<1x32x768xf32, #tpu.memory_space<vmem>>
    %dma_wait3A_601 = tpu.memref_squeeze %dma_wait3A_600 : memref<1x32x768xf32, #tpu.memory_space<vmem>> -> memref<32x768xf32, #tpu.memory_space<vmem>>
    tpu.wait_dma2 semaphore(%arg12 : memref<!tpu.dma_semaphore, #tpu.memory_space<semaphore_mem>>) src(%dma_wait3A_601 : memref<32x768xf32, #tpu.memory_space<vmem>>) dst(%dma_wait3A_597 : memref<32x768xf32, #tpu.memory_space<hbm>>)
    %dma_start3A_602 = arith.constant 1 : i32
    %dma_start3A_603 = arith.constant 1 : i32
    %dma_start3A_604 = arith.constant 0 : i32
    %dma_start3A_605 = arith.constant 0 : i32
    %dma_start3A_606 = tpu.memref_slice %arg8[%dma_start3A_603, %dma_start3A_604, %dma_start3A_605] : memref<2x32x768xf32, #tpu.memory_space<vmem>> -> memref<1x32x768xf32, #tpu.memory_space<vmem>>
    %dma_start3A_607 = tpu.memref_squeeze %dma_start3A_606 : memref<1x32x768xf32, #tpu.memory_space<vmem>> -> memref<32x768xf32, #tpu.memory_space<vmem>>
    %dma_start3A_608 = arith.constant 64 : i32
    %dma_start3A_609 = tpu.memref_slice %arg6[%dma_start3A_602, %dma_start3A_608] : memref<4x128xi32, #tpu.memory_space<vmem>> -> memref<1x32xi32, #tpu.memory_space<vmem>>
    %dma_start3A_610 = tpu.memref_squeeze %dma_start3A_609 : memref<1x32xi32, #tpu.memory_space<vmem>> -> memref<32xi32, #tpu.memory_space<vmem>>
    %dma_start3A_611 = arith.constant 0 : i32
    %dma_start3A_612 = arith.constant 0 : i32
    %dma_start3A_613 = tpu.memref_slice %arg4[%dma_start3A_611, %dma_start3A_612] : memref<100000x768xf32, #tpu.memory_space<hbm>> -> memref<100000x768xf32, #tpu.memory_space<hbm>>
    tpu.enqueue_indirect_dma source(%dma_start3A_613 : memref<100000x768xf32, #tpu.memory_space<hbm>>) target(%dma_start3A_607 : memref<32x768xf32, #tpu.memory_space<vmem>>) offsets(%dma_start3A_610 : memref<32xi32, #tpu.memory_space<vmem>>) semaphore(%arg10 : memref<!tpu.dma_semaphore, #tpu.memory_space<semaphore_mem>>)
    %dma_wait3A_614 = arith.constant 0 : i32
    %dma_wait3A_615 = arith.constant 0 : i32
    %dma_wait3A_616 = arith.constant 0 : i32
    %dma_wait3A_617 = arith.constant 0 : i32
    %dma_wait3A_618 = tpu.memref_slice %arg8[%dma_wait3A_615, %dma_wait3A_616, %dma_wait3A_617] : memref<2x32x768xf32, #tpu.memory_space<vmem>> -> memref<1x32x768xf32, #tpu.memory_space<vmem>>
    %dma_wait3A_619 = tpu.memref_squeeze %dma_wait3A_618 : memref<1x32x768xf32, #tpu.memory_space<vmem>> -> memref<32x768xf32, #tpu.memory_space<vmem>>
    %dma_wait3A_620 = arith.constant 64 : i32
    %dma_wait3A_621 = tpu.memref_slice %arg6[%dma_wait3A_614, %dma_wait3A_620] : memref<4x128xi32, #tpu.memory_space<vmem>> -> memref<1x32xi32, #tpu.memory_space<vmem>>
    %dma_wait3A_622 = tpu.memref_squeeze %dma_wait3A_621 : memref<1x32xi32, #tpu.memory_space<vmem>> -> memref<32xi32, #tpu.memory_space<vmem>>
    %dma_wait3A_623 = arith.constant 0 : i32
    %dma_wait3A_624 = arith.constant 0 : i32
    %dma_wait3A_625 = tpu.memref_slice %arg4[%dma_wait3A_623, %dma_wait3A_624] : memref<100000x768xf32, #tpu.memory_space<hbm>> -> memref<100000x768xf32, #tpu.memory_space<hbm>>
    tpu.wait_indirect_dma semaphore(%arg9 : memref<!tpu.dma_semaphore, #tpu.memory_space<semaphore_mem>>) src(%dma_wait3A_625 : memref<100000x768xf32, #tpu.memory_space<hbm>>) dst(%dma_wait3A_619 : memref<32x768xf32, #tpu.memory_space<vmem>>)
    %scan3A_626 = arith.constant 0 : i32
    %scan3A_627 = arith.constant 0 : i32
    %scan3A_628 = arith.constant 32 : i32
    %scan3A_629 = arith.addi %scan3A_627, %scan3A_628 : i32
    %scan3A_630 = arith.constant 1 : i32
    scf.for %scan3A_1091 = %scan3A_627 to %scan3A_629 step %scan3A_630  : i32 {
      %parallel_loop3A = arith.constant 0 : i32
      %parallel_loop3A_1092 = arith.constant 768 : i32
      %parallel_loop3A_1093 = arith.constant 16 : i32
      scf.for %parallel_loop3A_1094 = %parallel_loop3A to %parallel_loop3A_1092 step %parallel_loop3A_1093  : i32 {
        %parallel_loop3A_1095 = arith.constant 0 : i32
        %parallel_loop3A_1096 = arith.index_cast %parallel_loop3A_1095 : i32 to index
        %parallel_loop3A_1097 = arith.index_cast %scan3A_1091 : i32 to index
        %parallel_loop3A_1098 = arith.index_cast %parallel_loop3A_1094 : i32 to index
        %parallel_loop3A_1099 = tpu.vector_load %arg7[%parallel_loop3A_1096, %parallel_loop3A_1097, %parallel_loop3A_1098] {strides = array<i32>} : memref<2x32x768xf32, #tpu.memory_space<vmem>>, vector<1x1x16xf32>,
        %parallel_loop3A_1100 = vector.shape_cast %parallel_loop3A_1099 : vector<1x1x16xf32> to vector<16xf32>
        %parallel_loop3A_1101 = arith.constant 0 : i32
        %parallel_loop3A_1102 = arith.index_cast %parallel_loop3A_1101 : i32 to index
        %parallel_loop3A_1103 = arith.index_cast %scan3A_1091 : i32 to index
        %parallel_loop3A_1104 = arith.index_cast %parallel_loop3A_1094 : i32 to index
        %parallel_loop3A_1105 = tpu.vector_load %arg8[%parallel_loop3A_1102, %parallel_loop3A_1103, %parallel_loop3A_1104] {strides = array<i32>} : memref<2x32x768xf32, #tpu.memory_space<vmem>>, vector<1x1x16xf32>,
        %parallel_loop3A_1106 = vector.shape_cast %parallel_loop3A_1105 : vector<1x1x16xf32> to vector<16xf32>
        %parallel_loop3A_1107 = vector.shape_cast %parallel_loop3A_1100 : vector<16xf32> to vector<1x1x16xf32>
        tpu.vector_store %arg8[%parallel_loop3A_1102, %parallel_loop3A_1103, %parallel_loop3A_1104], %parallel_loop3A_1107 {add = true, strides = array<i32>} : memref<2x32x768xf32, #tpu.memory_space<vmem>>, vector<1x1x16xf32>,
      } {sc.loop_unroll_factor = 4 : i64, sc.parallel_access}
    }
    %scan3A_631 = arith.constant 32 : i32
    %add3A_632 = arith.constant 0 : i32
    %add3A_633 = arith.addi %add3A_632, %mul3A_2 : i32
    %add3A_634 = arith.constant 64 : i32
    %add3A_635 = arith.addi %add3A_633, %add3A_634 : i32
    %multiple_of3A_636 = tpu.assume_multiple %add3A_635, 8 : i32
    %dma_start3A_637 = arith.constant 0 : i32
    %dma_start3A_638 = arith.constant 0 : i32
    %dma_start3A_639 = arith.constant 0 : i32
    %dma_start3A_640 = tpu.memref_slice %arg8[%dma_start3A_637, %dma_start3A_638, %dma_start3A_639] : memref<2x32x768xf32, #tpu.memory_space<vmem>> -> memref<1x32x768xf32, #tpu.memory_space<vmem>>
    %dma_start3A_641 = tpu.memref_squeeze %dma_start3A_640 : memref<1x32x768xf32, #tpu.memory_space<vmem>> -> memref<32x768xf32, #tpu.memory_space<vmem>>
    %dma_start3A_642 = arith.constant 0 : i32
    %dma_start3A_643 = tpu.memref_slice %arg5[%multiple_of3A_636, %dma_start3A_642] : memref<16384x768xf32, #tpu.memory_space<hbm>> -> memref<32x768xf32, #tpu.memory_space<hbm>>
    %dma_start3A_644 = arith.constant 0 : i32
    %dma_start3A_645 = tpu.memref_slice %arg5[%multiple_of3A_636, %dma_start3A_644] : memref<16384x768xf32, #tpu.memory_space<hbm>> -> memref<32x768xf32, #tpu.memory_space<hbm>>
    %dma_start3A_646 = arith.constant 0 : i32
    %dma_start3A_647 = arith.constant 0 : i32
    %dma_start3A_648 = tpu.memref_slice %arg8[%dma_start3A_637, %dma_start3A_646, %dma_start3A_647] : memref<2x32x768xf32, #tpu.memory_space<vmem>> -> memref<1x32x768xf32, #tpu.memory_space<vmem>>
    %dma_start3A_649 = tpu.memref_squeeze %dma_start3A_648 : memref<1x32x768xf32, #tpu.memory_space<vmem>> -> memref<32x768xf32, #tpu.memory_space<vmem>>
    tpu.enqueue_dma source(%dma_start3A_649 : memref<32x768xf32, #tpu.memory_space<vmem>>) target(%dma_start3A_645 : memref<32x768xf32, #tpu.memory_space<hbm>>) target_semaphore(%arg11 : memref<!tpu.dma_semaphore, #tpu.memory_space<semaphore_mem>>)
    %dma_wait3A_650 = arith.constant 0 : i32
    %dma_wait3A_651 = arith.constant 0 : i32
    %dma_wait3A_652 = arith.constant 0 : i32
    %dma_wait3A_653 = tpu.memref_slice %arg8[%dma_wait3A_650, %dma_wait3A_651, %dma_wait3A_652] : memref<2x32x768xf32, #tpu.memory_space<vmem>> -> memref<1x32x768xf32, #tpu.memory_space<vmem>>
    %dma_wait3A_654 = tpu.memref_squeeze %dma_wait3A_653 : memref<1x32x768xf32, #tpu.memory_space<vmem>> -> memref<32x768xf32, #tpu.memory_space<vmem>>
    %dma_wait3A_655 = arith.constant 0 : i32
    %dma_wait3A_656 = tpu.memref_slice %arg5[%multiple_of3A_636, %dma_wait3A_655] : memref<16384x768xf32, #tpu.memory_space<hbm>> -> memref<32x768xf32, #tpu.memory_space<hbm>>
    %dma_wait3A_657 = arith.constant 0 : i32
    %dma_wait3A_658 = tpu.memref_slice %arg5[%multiple_of3A_636, %dma_wait3A_657] : memref<16384x768xf32, #tpu.memory_space<hbm>> -> memref<32x768xf32, #tpu.memory_space<hbm>>
    %dma_wait3A_659 = arith.constant 0 : i32
    %dma_wait3A_660 = arith.constant 0 : i32
    %dma_wait3A_661 = tpu.memref_slice %arg8[%dma_wait3A_650, %dma_wait3A_659, %dma_wait3A_660] : memref<2x32x768xf32, #tpu.memory_space<vmem>> -> memref<1x32x768xf32, #tpu.memory_space<vmem>>
    %dma_wait3A_662 = tpu.memref_squeeze %dma_wait3A_661 : memref<1x32x768xf32, #tpu.memory_space<vmem>> -> memref<32x768xf32, #tpu.memory_space<vmem>>
    tpu.wait_dma2 semaphore(%arg11 : memref<!tpu.dma_semaphore, #tpu.memory_space<semaphore_mem>>) src(%dma_wait3A_662 : memref<32x768xf32, #tpu.memory_space<vmem>>) dst(%dma_wait3A_658 : memref<32x768xf32, #tpu.memory_space<hbm>>)
    %dma_start3A_663 = arith.constant 2 : i32
    %dma_start3A_664 = arith.constant 0 : i32
    %dma_start3A_665 = arith.constant 0 : i32
    %dma_start3A_666 = arith.constant 0 : i32
    %dma_start3A_667 = tpu.memref_slice %arg8[%dma_start3A_664, %dma_start3A_665, %dma_start3A_666] : memref<2x32x768xf32, #tpu.memory_space<vmem>> -> memref<1x32x768xf32, #tpu.memory_space<vmem>>
    %dma_start3A_668 = tpu.memref_squeeze %dma_start3A_667 : memref<1x32x768xf32, #tpu.memory_space<vmem>> -> memref<32x768xf32, #tpu.memory_space<vmem>>
    %dma_start3A_669 = arith.constant 64 : i32
    %dma_start3A_670 = tpu.memref_slice %arg6[%dma_start3A_663, %dma_start3A_669] : memref<4x128xi32, #tpu.memory_space<vmem>> -> memref<1x32xi32, #tpu.memory_space<vmem>>
    %dma_start3A_671 = tpu.memref_squeeze %dma_start3A_670 : memref<1x32xi32, #tpu.memory_space<vmem>> -> memref<32xi32, #tpu.memory_space<vmem>>
    %dma_start3A_672 = arith.constant 0 : i32
    %dma_start3A_673 = arith.constant 0 : i32
    %dma_start3A_674 = tpu.memref_slice %arg4[%dma_start3A_672, %dma_start3A_673] : memref<100000x768xf32, #tpu.memory_space<hbm>> -> memref<100000x768xf32, #tpu.memory_space<hbm>>
    tpu.enqueue_indirect_dma source(%dma_start3A_674 : memref<100000x768xf32, #tpu.memory_space<hbm>>) target(%dma_start3A_668 : memref<32x768xf32, #tpu.memory_space<vmem>>) offsets(%dma_start3A_671 : memref<32xi32, #tpu.memory_space<vmem>>) semaphore(%arg9 : memref<!tpu.dma_semaphore, #tpu.memory_space<semaphore_mem>>)
    %dma_wait3A_675 = arith.constant 1 : i32
    %dma_wait3A_676 = arith.constant 1 : i32
    %dma_wait3A_677 = arith.constant 0 : i32
    %dma_wait3A_678 = arith.constant 0 : i32
    %dma_wait3A_679 = tpu.memref_slice %arg8[%dma_wait3A_676, %dma_wait3A_677, %dma_wait3A_678] : memref<2x32x768xf32, #tpu.memory_space<vmem>> -> memref<1x32x768xf32, #tpu.memory_space<vmem>>
    %dma_wait3A_680 = tpu.memref_squeeze %dma_wait3A_679 : memref<1x32x768xf32, #tpu.memory_space<vmem>> -> memref<32x768xf32, #tpu.memory_space<vmem>>
    %dma_wait3A_681 = arith.constant 64 : i32
    %dma_wait3A_682 = tpu.memref_slice %arg6[%dma_wait3A_675, %dma_wait3A_681] : memref<4x128xi32, #tpu.memory_space<vmem>> -> memref<1x32xi32, #tpu.memory_space<vmem>>
    %dma_wait3A_683 = tpu.memref_squeeze %dma_wait3A_682 : memref<1x32xi32, #tpu.memory_space<vmem>> -> memref<32xi32, #tpu.memory_space<vmem>>
    %dma_wait3A_684 = arith.constant 0 : i32
    %dma_wait3A_685 = arith.constant 0 : i32
    %dma_wait3A_686 = tpu.memref_slice %arg4[%dma_wait3A_684, %dma_wait3A_685] : memref<100000x768xf32, #tpu.memory_space<hbm>> -> memref<100000x768xf32, #tpu.memory_space<hbm>>
    tpu.wait_indirect_dma semaphore(%arg10 : memref<!tpu.dma_semaphore, #tpu.memory_space<semaphore_mem>>) src(%dma_wait3A_686 : memref<100000x768xf32, #tpu.memory_space<hbm>>) dst(%dma_wait3A_680 : memref<32x768xf32, #tpu.memory_space<vmem>>)
    %scan3A_687 = arith.constant 0 : i32
    %scan3A_688 = arith.constant 0 : i32
    %scan3A_689 = arith.constant 32 : i32
    %scan3A_690 = arith.addi %scan3A_688, %scan3A_689 : i32
    %scan3A_691 = arith.constant 1 : i32
    scf.for %scan3A_1091 = %scan3A_688 to %scan3A_690 step %scan3A_691  : i32 {
      %parallel_loop3A = arith.constant 0 : i32
      %parallel_loop3A_1092 = arith.constant 768 : i32
      %parallel_loop3A_1093 = arith.constant 16 : i32
      scf.for %parallel_loop3A_1094 = %parallel_loop3A to %parallel_loop3A_1092 step %parallel_loop3A_1093  : i32 {
        %parallel_loop3A_1095 = arith.constant 0 : i32
        %parallel_loop3A_1096 = arith.index_cast %parallel_loop3A_1095 : i32 to index
        %parallel_loop3A_1097 = arith.index_cast %scan3A_1091 : i32 to index
        %parallel_loop3A_1098 = arith.index_cast %parallel_loop3A_1094 : i32 to index
        %parallel_loop3A_1099 = tpu.vector_load %arg7[%parallel_loop3A_1096, %parallel_loop3A_1097, %parallel_loop3A_1098] {strides = array<i32>} : memref<2x32x768xf32, #tpu.memory_space<vmem>>, vector<1x1x16xf32>,
        %parallel_loop3A_1100 = vector.shape_cast %parallel_loop3A_1099 : vector<1x1x16xf32> to vector<16xf32>
        %parallel_loop3A_1101 = arith.constant 1 : i32
        %parallel_loop3A_1102 = arith.index_cast %parallel_loop3A_1101 : i32 to index
        %parallel_loop3A_1103 = arith.index_cast %scan3A_1091 : i32 to index
        %parallel_loop3A_1104 = arith.index_cast %parallel_loop3A_1094 : i32 to index
        %parallel_loop3A_1105 = tpu.vector_load %arg8[%parallel_loop3A_1102, %parallel_loop3A_1103, %parallel_loop3A_1104] {strides = array<i32>} : memref<2x32x768xf32, #tpu.memory_space<vmem>>, vector<1x1x16xf32>,
        %parallel_loop3A_1106 = vector.shape_cast %parallel_loop3A_1105 : vector<1x1x16xf32> to vector<16xf32>
        %parallel_loop3A_1107 = vector.shape_cast %parallel_loop3A_1100 : vector<16xf32> to vector<1x1x16xf32>
        tpu.vector_store %arg8[%parallel_loop3A_1102, %parallel_loop3A_1103, %parallel_loop3A_1104], %parallel_loop3A_1107 {add = true, strides = array<i32>} : memref<2x32x768xf32, #tpu.memory_space<vmem>>, vector<1x1x16xf32>,
      } {sc.loop_unroll_factor = 4 : i64, sc.parallel_access}
    }
    %scan3A_692 = arith.constant 32 : i32
    %add3A_693 = arith.constant 4096 : i32
    %add3A_694 = arith.addi %add3A_693, %mul3A_2 : i32
    %add3A_695 = arith.constant 64 : i32
    %add3A_696 = arith.addi %add3A_694, %add3A_695 : i32
    %multiple_of3A_697 = tpu.assume_multiple %add3A_696, 8 : i32
    %dma_start3A_698 = arith.constant 1 : i32
    %dma_start3A_699 = arith.constant 0 : i32
    %dma_start3A_700 = arith.constant 0 : i32
    %dma_start3A_701 = tpu.memref_slice %arg8[%dma_start3A_698, %dma_start3A_699, %dma_start3A_700] : memref<2x32x768xf32, #tpu.memory_space<vmem>> -> memref<1x32x768xf32, #tpu.memory_space<vmem>>
    %dma_start3A_702 = tpu.memref_squeeze %dma_start3A_701 : memref<1x32x768xf32, #tpu.memory_space<vmem>> -> memref<32x768xf32, #tpu.memory_space<vmem>>
    %dma_start3A_703 = arith.constant 0 : i32
    %dma_start3A_704 = tpu.memref_slice %arg5[%multiple_of3A_697, %dma_start3A_703] : memref<16384x768xf32, #tpu.memory_space<hbm>> -> memref<32x768xf32, #tpu.memory_space<hbm>>
    %dma_start3A_705 = arith.constant 0 : i32
    %dma_start3A_706 = tpu.memref_slice %arg5[%multiple_of3A_697, %dma_start3A_705] : memref<16384x768xf32, #tpu.memory_space<hbm>> -> memref<32x768xf32, #tpu.memory_space<hbm>>
    %dma_start3A_707 = arith.constant 0 : i32
    %dma_start3A_708 = arith.constant 0 : i32
    %dma_start3A_709 = tpu.memref_slice %arg8[%dma_start3A_698, %dma_start3A_707, %dma_start3A_708] : memref<2x32x768xf32, #tpu.memory_space<vmem>> -> memref<1x32x768xf32, #tpu.memory_space<vmem>>
    %dma_start3A_710 = tpu.memref_squeeze %dma_start3A_709 : memref<1x32x768xf32, #tpu.memory_space<vmem>> -> memref<32x768xf32, #tpu.memory_space<vmem>>
    tpu.enqueue_dma source(%dma_start3A_710 : memref<32x768xf32, #tpu.memory_space<vmem>>) target(%dma_start3A_706 : memref<32x768xf32, #tpu.memory_space<hbm>>) target_semaphore(%arg12 : memref<!tpu.dma_semaphore, #tpu.memory_space<semaphore_mem>>)
    %dma_wait3A_711 = arith.constant 1 : i32
    %dma_wait3A_712 = arith.constant 0 : i32
    %dma_wait3A_713 = arith.constant 0 : i32
    %dma_wait3A_714 = tpu.memref_slice %arg8[%dma_wait3A_711, %dma_wait3A_712, %dma_wait3A_713] : memref<2x32x768xf32, #tpu.memory_space<vmem>> -> memref<1x32x768xf32, #tpu.memory_space<vmem>>
    %dma_wait3A_715 = tpu.memref_squeeze %dma_wait3A_714 : memref<1x32x768xf32, #tpu.memory_space<vmem>> -> memref<32x768xf32, #tpu.memory_space<vmem>>
    %dma_wait3A_716 = arith.constant 0 : i32
    %dma_wait3A_717 = tpu.memref_slice %arg5[%multiple_of3A_697, %dma_wait3A_716] : memref<16384x768xf32, #tpu.memory_space<hbm>> -> memref<32x768xf32, #tpu.memory_space<hbm>>
    %dma_wait3A_718 = arith.constant 0 : i32
    %dma_wait3A_719 = tpu.memref_slice %arg5[%multiple_of3A_697, %dma_wait3A_718] : memref<16384x768xf32, #tpu.memory_space<hbm>> -> memref<32x768xf32, #tpu.memory_space<hbm>>
    %dma_wait3A_720 = arith.constant 0 : i32
    %dma_wait3A_721 = arith.constant 0 : i32
    %dma_wait3A_722 = tpu.memref_slice %arg8[%dma_wait3A_711, %dma_wait3A_720, %dma_wait3A_721] : memref<2x32x768xf32, #tpu.memory_space<vmem>> -> memref<1x32x768xf32, #tpu.memory_space<vmem>>
    %dma_wait3A_723 = tpu.memref_squeeze %dma_wait3A_722 : memref<1x32x768xf32, #tpu.memory_space<vmem>> -> memref<32x768xf32, #tpu.memory_space<vmem>>
    tpu.wait_dma2 semaphore(%arg12 : memref<!tpu.dma_semaphore, #tpu.memory_space<semaphore_mem>>) src(%dma_wait3A_723 : memref<32x768xf32, #tpu.memory_space<vmem>>) dst(%dma_wait3A_719 : memref<32x768xf32, #tpu.memory_space<hbm>>)
    %dma_start3A_724 = arith.constant 3 : i32
    %dma_start3A_725 = arith.constant 1 : i32
    %dma_start3A_726 = arith.constant 0 : i32
    %dma_start3A_727 = arith.constant 0 : i32
    %dma_start3A_728 = tpu.memref_slice %arg8[%dma_start3A_725, %dma_start3A_726, %dma_start3A_727] : memref<2x32x768xf32, #tpu.memory_space<vmem>> -> memref<1x32x768xf32, #tpu.memory_space<vmem>>
    %dma_start3A_729 = tpu.memref_squeeze %dma_start3A_728 : memref<1x32x768xf32, #tpu.memory_space<vmem>> -> memref<32x768xf32, #tpu.memory_space<vmem>>
    %dma_start3A_730 = arith.constant 64 : i32
    %dma_start3A_731 = tpu.memref_slice %arg6[%dma_start3A_724, %dma_start3A_730] : memref<4x128xi32, #tpu.memory_space<vmem>> -> memref<1x32xi32, #tpu.memory_space<vmem>>
    %dma_start3A_732 = tpu.memref_squeeze %dma_start3A_731 : memref<1x32xi32, #tpu.memory_space<vmem>> -> memref<32xi32, #tpu.memory_space<vmem>>
    %dma_start3A_733 = arith.constant 0 : i32
    %dma_start3A_734 = arith.constant 0 : i32
    %dma_start3A_735 = tpu.memref_slice %arg4[%dma_start3A_733, %dma_start3A_734] : memref<100000x768xf32, #tpu.memory_space<hbm>> -> memref<100000x768xf32, #tpu.memory_space<hbm>>
    tpu.enqueue_indirect_dma source(%dma_start3A_735 : memref<100000x768xf32, #tpu.memory_space<hbm>>) target(%dma_start3A_729 : memref<32x768xf32, #tpu.memory_space<vmem>>) offsets(%dma_start3A_732 : memref<32xi32, #tpu.memory_space<vmem>>) semaphore(%arg10 : memref<!tpu.dma_semaphore, #tpu.memory_space<semaphore_mem>>)
    %dma_wait3A_736 = arith.constant 2 : i32
    %dma_wait3A_737 = arith.constant 0 : i32
    %dma_wait3A_738 = arith.constant 0 : i32
    %dma_wait3A_739 = arith.constant 0 : i32
    %dma_wait3A_740 = tpu.memref_slice %arg8[%dma_wait3A_737, %dma_wait3A_738, %dma_wait3A_739] : memref<2x32x768xf32, #tpu.memory_space<vmem>> -> memref<1x32x768xf32, #tpu.memory_space<vmem>>
    %dma_wait3A_741 = tpu.memref_squeeze %dma_wait3A_740 : memref<1x32x768xf32, #tpu.memory_space<vmem>> -> memref<32x768xf32, #tpu.memory_space<vmem>>
    %dma_wait3A_742 = arith.constant 64 : i32
    %dma_wait3A_743 = tpu.memref_slice %arg6[%dma_wait3A_736, %dma_wait3A_742] : memref<4x128xi32, #tpu.memory_space<vmem>> -> memref<1x32xi32, #tpu.memory_space<vmem>>
    %dma_wait3A_744 = tpu.memref_squeeze %dma_wait3A_743 : memref<1x32xi32, #tpu.memory_space<vmem>> -> memref<32xi32, #tpu.memory_space<vmem>>
    %dma_wait3A_745 = arith.constant 0 : i32
    %dma_wait3A_746 = arith.constant 0 : i32
    %dma_wait3A_747 = tpu.memref_slice %arg4[%dma_wait3A_745, %dma_wait3A_746] : memref<100000x768xf32, #tpu.memory_space<hbm>> -> memref<100000x768xf32, #tpu.memory_space<hbm>>
    tpu.wait_indirect_dma semaphore(%arg9 : memref<!tpu.dma_semaphore, #tpu.memory_space<semaphore_mem>>) src(%dma_wait3A_747 : memref<100000x768xf32, #tpu.memory_space<hbm>>) dst(%dma_wait3A_741 : memref<32x768xf32, #tpu.memory_space<vmem>>)
    %scan3A_748 = arith.constant 0 : i32
    %scan3A_749 = arith.constant 0 : i32
    %scan3A_750 = arith.constant 32 : i32
    %scan3A_751 = arith.addi %scan3A_749, %scan3A_750 : i32
    %scan3A_752 = arith.constant 1 : i32
    scf.for %scan3A_1091 = %scan3A_749 to %scan3A_751 step %scan3A_752  : i32 {
      %parallel_loop3A = arith.constant 0 : i32
      %parallel_loop3A_1092 = arith.constant 768 : i32
      %parallel_loop3A_1093 = arith.constant 16 : i32
      scf.for %parallel_loop3A_1094 = %parallel_loop3A to %parallel_loop3A_1092 step %parallel_loop3A_1093  : i32 {
        %parallel_loop3A_1095 = arith.constant 0 : i32
        %parallel_loop3A_1096 = arith.index_cast %parallel_loop3A_1095 : i32 to index
        %parallel_loop3A_1097 = arith.index_cast %scan3A_1091 : i32 to index
        %parallel_loop3A_1098 = arith.index_cast %parallel_loop3A_1094 : i32 to index
        %parallel_loop3A_1099 = tpu.vector_load %arg7[%parallel_loop3A_1096, %parallel_loop3A_1097, %parallel_loop3A_1098] {strides = array<i32>} : memref<2x32x768xf32, #tpu.memory_space<vmem>>, vector<1x1x16xf32>,
        %parallel_loop3A_1100 = vector.shape_cast %parallel_loop3A_1099 : vector<1x1x16xf32> to vector<16xf32>
        %parallel_loop3A_1101 = arith.constant 0 : i32
        %parallel_loop3A_1102 = arith.index_cast %parallel_loop3A_1101 : i32 to index
        %parallel_loop3A_1103 = arith.index_cast %scan3A_1091 : i32 to index
        %parallel_loop3A_1104 = arith.index_cast %parallel_loop3A_1094 : i32 to index
        %parallel_loop3A_1105 = tpu.vector_load %arg8[%parallel_loop3A_1102, %parallel_loop3A_1103, %parallel_loop3A_1104] {strides = array<i32>} : memref<2x32x768xf32, #tpu.memory_space<vmem>>, vector<1x1x16xf32>,
        %parallel_loop3A_1106 = vector.shape_cast %parallel_loop3A_1105 : vector<1x1x16xf32> to vector<16xf32>
        %parallel_loop3A_1107 = vector.shape_cast %parallel_loop3A_1100 : vector<16xf32> to vector<1x1x16xf32>
        tpu.vector_store %arg8[%parallel_loop3A_1102, %parallel_loop3A_1103, %parallel_loop3A_1104], %parallel_loop3A_1107 {add = true, strides = array<i32>} : memref<2x32x768xf32, #tpu.memory_space<vmem>>, vector<1x1x16xf32>,
      } {sc.loop_unroll_factor = 4 : i64, sc.parallel_access}
    }
    %scan3A_753 = arith.constant 32 : i32
    %add3A_754 = arith.constant 8192 : i32
    %add3A_755 = arith.addi %add3A_754, %mul3A_2 : i32
    %add3A_756 = arith.constant 64 : i32
    %add3A_757 = arith.addi %add3A_755, %add3A_756 : i32
    %multiple_of3A_758 = tpu.assume_multiple %add3A_757, 8 : i32
    %dma_start3A_759 = arith.constant 0 : i32
    %dma_start3A_760 = arith.constant 0 : i32
    %dma_start3A_761 = arith.constant 0 : i32
    %dma_start3A_762 = tpu.memref_slice %arg8[%dma_start3A_759, %dma_start3A_760, %dma_start3A_761] : memref<2x32x768xf32, #tpu.memory_space<vmem>> -> memref<1x32x768xf32, #tpu.memory_space<vmem>>
    %dma_start3A_763 = tpu.memref_squeeze %dma_start3A_762 : memref<1x32x768xf32, #tpu.memory_space<vmem>> -> memref<32x768xf32, #tpu.memory_space<vmem>>
    %dma_start3A_764 = arith.constant 0 : i32
    %dma_start3A_765 = tpu.memref_slice %arg5[%multiple_of3A_758, %dma_start3A_764] : memref<16384x768xf32, #tpu.memory_space<hbm>> -> memref<32x768xf32, #tpu.memory_space<hbm>>
    %dma_start3A_766 = arith.constant 0 : i32
    %dma_start3A_767 = tpu.memref_slice %arg5[%multiple_of3A_758, %dma_start3A_766] : memref<16384x768xf32, #tpu.memory_space<hbm>> -> memref<32x768xf32, #tpu.memory_space<hbm>>
    %dma_start3A_768 = arith.constant 0 : i32
    %dma_start3A_769 = arith.constant 0 : i32
    %dma_start3A_770 = tpu.memref_slice %arg8[%dma_start3A_759, %dma_start3A_768, %dma_start3A_769] : memref<2x32x768xf32, #tpu.memory_space<vmem>> -> memref<1x32x768xf32, #tpu.memory_space<vmem>>
    %dma_start3A_771 = tpu.memref_squeeze %dma_start3A_770 : memref<1x32x768xf32, #tpu.memory_space<vmem>> -> memref<32x768xf32, #tpu.memory_space<vmem>>
    tpu.enqueue_dma source(%dma_start3A_771 : memref<32x768xf32, #tpu.memory_space<vmem>>) target(%dma_start3A_767 : memref<32x768xf32, #tpu.memory_space<hbm>>) target_semaphore(%arg11 : memref<!tpu.dma_semaphore, #tpu.memory_space<semaphore_mem>>)
    %dma_wait3A_772 = arith.constant 0 : i32
    %dma_wait3A_773 = arith.constant 0 : i32
    %dma_wait3A_774 = arith.constant 0 : i32
    %dma_wait3A_775 = tpu.memref_slice %arg8[%dma_wait3A_772, %dma_wait3A_773, %dma_wait3A_774] : memref<2x32x768xf32, #tpu.memory_space<vmem>> -> memref<1x32x768xf32, #tpu.memory_space<vmem>>
    %dma_wait3A_776 = tpu.memref_squeeze %dma_wait3A_775 : memref<1x32x768xf32, #tpu.memory_space<vmem>> -> memref<32x768xf32, #tpu.memory_space<vmem>>
    %dma_wait3A_777 = arith.constant 0 : i32
    %dma_wait3A_778 = tpu.memref_slice %arg5[%multiple_of3A_758, %dma_wait3A_777] : memref<16384x768xf32, #tpu.memory_space<hbm>> -> memref<32x768xf32, #tpu.memory_space<hbm>>
    %dma_wait3A_779 = arith.constant 0 : i32
    %dma_wait3A_780 = tpu.memref_slice %arg5[%multiple_of3A_758, %dma_wait3A_779] : memref<16384x768xf32, #tpu.memory_space<hbm>> -> memref<32x768xf32, #tpu.memory_space<hbm>>
    %dma_wait3A_781 = arith.constant 0 : i32
    %dma_wait3A_782 = arith.constant 0 : i32
    %dma_wait3A_783 = tpu.memref_slice %arg8[%dma_wait3A_772, %dma_wait3A_781, %dma_wait3A_782] : memref<2x32x768xf32, #tpu.memory_space<vmem>> -> memref<1x32x768xf32, #tpu.memory_space<vmem>>
    %dma_wait3A_784 = tpu.memref_squeeze %dma_wait3A_783 : memref<1x32x768xf32, #tpu.memory_space<vmem>> -> memref<32x768xf32, #tpu.memory_space<vmem>>
    tpu.wait_dma2 semaphore(%arg11 : memref<!tpu.dma_semaphore, #tpu.memory_space<semaphore_mem>>) src(%dma_wait3A_784 : memref<32x768xf32, #tpu.memory_space<vmem>>) dst(%dma_wait3A_780 : memref<32x768xf32, #tpu.memory_space<hbm>>)
    %dma_start3A_785 = arith.constant 0 : i32
    %dma_start3A_786 = arith.constant 0 : i32
    %dma_start3A_787 = arith.constant 0 : i32
    %dma_start3A_788 = arith.constant 0 : i32
    %dma_start3A_789 = tpu.memref_slice %arg8[%dma_start3A_786, %dma_start3A_787, %dma_start3A_788] : memref<2x32x768xf32, #tpu.memory_space<vmem>> -> memref<1x32x768xf32, #tpu.memory_space<vmem>>
    %dma_start3A_790 = tpu.memref_squeeze %dma_start3A_789 : memref<1x32x768xf32, #tpu.memory_space<vmem>> -> memref<32x768xf32, #tpu.memory_space<vmem>>
    %dma_start3A_791 = arith.constant 96 : i32
    %dma_start3A_792 = tpu.memref_slice %arg6[%dma_start3A_785, %dma_start3A_791] : memref<4x128xi32, #tpu.memory_space<vmem>> -> memref<1x32xi32, #tpu.memory_space<vmem>>
    %dma_start3A_793 = tpu.memref_squeeze %dma_start3A_792 : memref<1x32xi32, #tpu.memory_space<vmem>> -> memref<32xi32, #tpu.memory_space<vmem>>
    %dma_start3A_794 = arith.constant 0 : i32
    %dma_start3A_795 = arith.constant 0 : i32
    %dma_start3A_796 = tpu.memref_slice %arg4[%dma_start3A_794, %dma_start3A_795] : memref<100000x768xf32, #tpu.memory_space<hbm>> -> memref<100000x768xf32, #tpu.memory_space<hbm>>
    tpu.enqueue_indirect_dma source(%dma_start3A_796 : memref<100000x768xf32, #tpu.memory_space<hbm>>) target(%dma_start3A_790 : memref<32x768xf32, #tpu.memory_space<vmem>>) offsets(%dma_start3A_793 : memref<32xi32, #tpu.memory_space<vmem>>) semaphore(%arg9 : memref<!tpu.dma_semaphore, #tpu.memory_space<semaphore_mem>>)
    %dma_wait3A_797 = arith.constant 3 : i32
    %dma_wait3A_798 = arith.constant 1 : i32
    %dma_wait3A_799 = arith.constant 0 : i32
    %dma_wait3A_800 = arith.constant 0 : i32
    %dma_wait3A_801 = tpu.memref_slice %arg8[%dma_wait3A_798, %dma_wait3A_799, %dma_wait3A_800] : memref<2x32x768xf32, #tpu.memory_space<vmem>> -> memref<1x32x768xf32, #tpu.memory_space<vmem>>
    %dma_wait3A_802 = tpu.memref_squeeze %dma_wait3A_801 : memref<1x32x768xf32, #tpu.memory_space<vmem>> -> memref<32x768xf32, #tpu.memory_space<vmem>>
    %dma_wait3A_803 = arith.constant 64 : i32
    %dma_wait3A_804 = tpu.memref_slice %arg6[%dma_wait3A_797, %dma_wait3A_803] : memref<4x128xi32, #tpu.memory_space<vmem>> -> memref<1x32xi32, #tpu.memory_space<vmem>>
    %dma_wait3A_805 = tpu.memref_squeeze %dma_wait3A_804 : memref<1x32xi32, #tpu.memory_space<vmem>> -> memref<32xi32, #tpu.memory_space<vmem>>
    %dma_wait3A_806 = arith.constant 0 : i32
    %dma_wait3A_807 = arith.constant 0 : i32
    %dma_wait3A_808 = tpu.memref_slice %arg4[%dma_wait3A_806, %dma_wait3A_807] : memref<100000x768xf32, #tpu.memory_space<hbm>> -> memref<100000x768xf32, #tpu.memory_space<hbm>>
    tpu.wait_indirect_dma semaphore(%arg10 : memref<!tpu.dma_semaphore, #tpu.memory_space<semaphore_mem>>) src(%dma_wait3A_808 : memref<100000x768xf32, #tpu.memory_space<hbm>>) dst(%dma_wait3A_802 : memref<32x768xf32, #tpu.memory_space<vmem>>)
    %scan3A_809 = arith.constant 0 : i32
    %scan3A_810 = arith.constant 0 : i32
    %scan3A_811 = arith.constant 32 : i32
    %scan3A_812 = arith.addi %scan3A_810, %scan3A_811 : i32
    %scan3A_813 = arith.constant 1 : i32
    scf.for %scan3A_1091 = %scan3A_810 to %scan3A_812 step %scan3A_813  : i32 {
      %parallel_loop3A = arith.constant 0 : i32
      %parallel_loop3A_1092 = arith.constant 768 : i32
      %parallel_loop3A_1093 = arith.constant 16 : i32
      scf.for %parallel_loop3A_1094 = %parallel_loop3A to %parallel_loop3A_1092 step %parallel_loop3A_1093  : i32 {
        %parallel_loop3A_1095 = arith.constant 0 : i32
        %parallel_loop3A_1096 = arith.index_cast %parallel_loop3A_1095 : i32 to index
        %parallel_loop3A_1097 = arith.index_cast %scan3A_1091 : i32 to index
        %parallel_loop3A_1098 = arith.index_cast %parallel_loop3A_1094 : i32 to index
        %parallel_loop3A_1099 = tpu.vector_load %arg7[%parallel_loop3A_1096, %parallel_loop3A_1097, %parallel_loop3A_1098] {strides = array<i32>} : memref<2x32x768xf32, #tpu.memory_space<vmem>>, vector<1x1x16xf32>,
        %parallel_loop3A_1100 = vector.shape_cast %parallel_loop3A_1099 : vector<1x1x16xf32> to vector<16xf32>
        %parallel_loop3A_1101 = arith.constant 1 : i32
        %parallel_loop3A_1102 = arith.index_cast %parallel_loop3A_1101 : i32 to index
        %parallel_loop3A_1103 = arith.index_cast %scan3A_1091 : i32 to index
        %parallel_loop3A_1104 = arith.index_cast %parallel_loop3A_1094 : i32 to index
        %parallel_loop3A_1105 = tpu.vector_load %arg8[%parallel_loop3A_1102, %parallel_loop3A_1103, %parallel_loop3A_1104] {strides = array<i32>} : memref<2x32x768xf32, #tpu.memory_space<vmem>>, vector<1x1x16xf32>,
        %parallel_loop3A_1106 = vector.shape_cast %parallel_loop3A_1105 : vector<1x1x16xf32> to vector<16xf32>
        %parallel_loop3A_1107 = vector.shape_cast %parallel_loop3A_1100 : vector<16xf32> to vector<1x1x16xf32>
        tpu.vector_store %arg8[%parallel_loop3A_1102, %parallel_loop3A_1103, %parallel_loop3A_1104], %parallel_loop3A_1107 {add = true, strides = array<i32>} : memref<2x32x768xf32, #tpu.memory_space<vmem>>, vector<1x1x16xf32>,
      } {sc.loop_unroll_factor = 4 : i64, sc.parallel_access}
    }
    %scan3A_814 = arith.constant 32 : i32
    %add3A_815 = arith.constant 12288 : i32
    %add3A_816 = arith.addi %add3A_815, %mul3A_2 : i32
    %add3A_817 = arith.constant 64 : i32
    %add3A_818 = arith.addi %add3A_816, %add3A_817 : i32
    %multiple_of3A_819 = tpu.assume_multiple %add3A_818, 8 : i32
    %dma_start3A_820 = arith.constant 1 : i32
    %dma_start3A_821 = arith.constant 0 : i32
    %dma_start3A_822 = arith.constant 0 : i32
    %dma_start3A_823 = tpu.memref_slice %arg8[%dma_start3A_820, %dma_start3A_821, %dma_start3A_822] : memref<2x32x768xf32, #tpu.memory_space<vmem>> -> memref<1x32x768xf32, #tpu.memory_space<vmem>>
    %dma_start3A_824 = tpu.memref_squeeze %dma_start3A_823 : memref<1x32x768xf32, #tpu.memory_space<vmem>> -> memref<32x768xf32, #tpu.memory_space<vmem>>
    %dma_start3A_825 = arith.constant 0 : i32
    %dma_start3A_826 = tpu.memref_slice %arg5[%multiple_of3A_819, %dma_start3A_825] : memref<16384x768xf32, #tpu.memory_space<hbm>> -> memref<32x768xf32, #tpu.memory_space<hbm>>
    %dma_start3A_827 = arith.constant 0 : i32
    %dma_start3A_828 = tpu.memref_slice %arg5[%multiple_of3A_819, %dma_start3A_827] : memref<16384x768xf32, #tpu.memory_space<hbm>> -> memref<32x768xf32, #tpu.memory_space<hbm>>
    %dma_start3A_829 = arith.constant 0 : i32
    %dma_start3A_830 = arith.constant 0 : i32
    %dma_start3A_831 = tpu.memref_slice %arg8[%dma_start3A_820, %dma_start3A_829, %dma_start3A_830] : memref<2x32x768xf32, #tpu.memory_space<vmem>> -> memref<1x32x768xf32, #tpu.memory_space<vmem>>
    %dma_start3A_832 = tpu.memref_squeeze %dma_start3A_831 : memref<1x32x768xf32, #tpu.memory_space<vmem>> -> memref<32x768xf32, #tpu.memory_space<vmem>>
    tpu.enqueue_dma source(%dma_start3A_832 : memref<32x768xf32, #tpu.memory_space<vmem>>) target(%dma_start3A_828 : memref<32x768xf32, #tpu.memory_space<hbm>>) target_semaphore(%arg12 : memref<!tpu.dma_semaphore, #tpu.memory_space<semaphore_mem>>)
    %dma_wait3A_833 = arith.constant 1 : i32
    %dma_wait3A_834 = arith.constant 0 : i32
    %dma_wait3A_835 = arith.constant 0 : i32
    %dma_wait3A_836 = tpu.memref_slice %arg7[%dma_wait3A_833, %dma_wait3A_834, %dma_wait3A_835] : memref<2x32x768xf32, #tpu.memory_space<vmem>> -> memref<1x32x768xf32, #tpu.memory_space<vmem>>
    %dma_wait3A_837 = tpu.memref_squeeze %dma_wait3A_836 : memref<1x32x768xf32, #tpu.memory_space<vmem>> -> memref<32x768xf32, #tpu.memory_space<vmem>>
    %dma_wait3A_838 = arith.constant 0 : i32
    %dma_wait3A_839 = tpu.memref_slice %arg3[%multiple_of3A_575, %dma_wait3A_838] : memref<4096x768xf32, #tpu.memory_space<hbm>> -> memref<32x768xf32, #tpu.memory_space<hbm>>
    %dma_wait3A_840 = arith.constant 0 : i32
    %dma_wait3A_841 = arith.constant 0 : i32
    %dma_wait3A_842 = tpu.memref_slice %arg7[%dma_wait3A_833, %dma_wait3A_840, %dma_wait3A_841] : memref<2x32x768xf32, #tpu.memory_space<vmem>> -> memref<1x32x768xf32, #tpu.memory_space<vmem>>
    %dma_wait3A_843 = tpu.memref_squeeze %dma_wait3A_842 : memref<1x32x768xf32, #tpu.memory_space<vmem>> -> memref<32x768xf32, #tpu.memory_space<vmem>>
    %dma_wait3A_844 = arith.constant 0 : i32
    %dma_wait3A_845 = tpu.memref_slice %arg3[%multiple_of3A_575, %dma_wait3A_844] : memref<4096x768xf32, #tpu.memory_space<hbm>> -> memref<32x768xf32, #tpu.memory_space<hbm>>
    tpu.wait_dma2 semaphore(%arg14 : memref<!tpu.dma_semaphore, #tpu.memory_space<semaphore_mem>>) src(%dma_wait3A_845 : memref<32x768xf32, #tpu.memory_space<hbm>>) dst(%dma_wait3A_843 : memref<32x768xf32, #tpu.memory_space<vmem>>)
    %dma_wait3A_846 = arith.constant 1 : i32
    %dma_wait3A_847 = arith.constant 0 : i32
    %dma_wait3A_848 = arith.constant 0 : i32
    %dma_wait3A_849 = tpu.memref_slice %arg8[%dma_wait3A_846, %dma_wait3A_847, %dma_wait3A_848] : memref<2x32x768xf32, #tpu.memory_space<vmem>> -> memref<1x32x768xf32, #tpu.memory_space<vmem>>
    %dma_wait3A_850 = tpu.memref_squeeze %dma_wait3A_849 : memref<1x32x768xf32, #tpu.memory_space<vmem>> -> memref<32x768xf32, #tpu.memory_space<vmem>>
    %dma_wait3A_851 = arith.constant 0 : i32
    %dma_wait3A_852 = tpu.memref_slice %arg5[%multiple_of3A_819, %dma_wait3A_851] : memref<16384x768xf32, #tpu.memory_space<hbm>> -> memref<32x768xf32, #tpu.memory_space<hbm>>
    %dma_wait3A_853 = arith.constant 0 : i32
    %dma_wait3A_854 = tpu.memref_slice %arg5[%multiple_of3A_819, %dma_wait3A_853] : memref<16384x768xf32, #tpu.memory_space<hbm>> -> memref<32x768xf32, #tpu.memory_space<hbm>>
    %dma_wait3A_855 = arith.constant 0 : i32
    %dma_wait3A_856 = arith.constant 0 : i32
    %dma_wait3A_857 = tpu.memref_slice %arg8[%dma_wait3A_846, %dma_wait3A_855, %dma_wait3A_856] : memref<2x32x768xf32, #tpu.memory_space<vmem>> -> memref<1x32x768xf32, #tpu.memory_space<vmem>>
    %dma_wait3A_858 = tpu.memref_squeeze %dma_wait3A_857 : memref<1x32x768xf32, #tpu.memory_space<vmem>> -> memref<32x768xf32, #tpu.memory_space<vmem>>
    tpu.wait_dma2 semaphore(%arg12 : memref<!tpu.dma_semaphore, #tpu.memory_space<semaphore_mem>>) src(%dma_wait3A_858 : memref<32x768xf32, #tpu.memory_space<vmem>>) dst(%dma_wait3A_854 : memref<32x768xf32, #tpu.memory_space<hbm>>)
    %dma_start3A_859 = arith.constant 1 : i32
    %dma_start3A_860 = arith.constant 1 : i32
    %dma_start3A_861 = arith.constant 0 : i32
    %dma_start3A_862 = arith.constant 0 : i32
    %dma_start3A_863 = tpu.memref_slice %arg8[%dma_start3A_860, %dma_start3A_861, %dma_start3A_862] : memref<2x32x768xf32, #tpu.memory_space<vmem>> -> memref<1x32x768xf32, #tpu.memory_space<vmem>>
    %dma_start3A_864 = tpu.memref_squeeze %dma_start3A_863 : memref<1x32x768xf32, #tpu.memory_space<vmem>> -> memref<32x768xf32, #tpu.memory_space<vmem>>
    %dma_start3A_865 = arith.constant 96 : i32
    %dma_start3A_866 = tpu.memref_slice %arg6[%dma_start3A_859, %dma_start3A_865] : memref<4x128xi32, #tpu.memory_space<vmem>> -> memref<1x32xi32, #tpu.memory_space<vmem>>
    %dma_start3A_867 = tpu.memref_squeeze %dma_start3A_866 : memref<1x32xi32, #tpu.memory_space<vmem>> -> memref<32xi32, #tpu.memory_space<vmem>>
    %dma_start3A_868 = arith.constant 0 : i32
    %dma_start3A_869 = arith.constant 0 : i32
    %dma_start3A_870 = tpu.memref_slice %arg4[%dma_start3A_868, %dma_start3A_869] : memref<100000x768xf32, #tpu.memory_space<hbm>> -> memref<100000x768xf32, #tpu.memory_space<hbm>>
    tpu.enqueue_indirect_dma source(%dma_start3A_870 : memref<100000x768xf32, #tpu.memory_space<hbm>>) target(%dma_start3A_864 : memref<32x768xf32, #tpu.memory_space<vmem>>) offsets(%dma_start3A_867 : memref<32xi32, #tpu.memory_space<vmem>>) semaphore(%arg10 : memref<!tpu.dma_semaphore, #tpu.memory_space<semaphore_mem>>)
    %dma_wait3A_871 = arith.constant 0 : i32
    %dma_wait3A_872 = arith.constant 0 : i32
    %dma_wait3A_873 = arith.constant 0 : i32
    %dma_wait3A_874 = arith.constant 0 : i32
    %dma_wait3A_875 = tpu.memref_slice %arg8[%dma_wait3A_872, %dma_wait3A_873, %dma_wait3A_874] : memref<2x32x768xf32, #tpu.memory_space<vmem>> -> memref<1x32x768xf32, #tpu.memory_space<vmem>>
    %dma_wait3A_876 = tpu.memref_squeeze %dma_wait3A_875 : memref<1x32x768xf32, #tpu.memory_space<vmem>> -> memref<32x768xf32, #tpu.memory_space<vmem>>
    %dma_wait3A_877 = arith.constant 96 : i32
    %dma_wait3A_878 = tpu.memref_slice %arg6[%dma_wait3A_871, %dma_wait3A_877] : memref<4x128xi32, #tpu.memory_space<vmem>> -> memref<1x32xi32, #tpu.memory_space<vmem>>
    %dma_wait3A_879 = tpu.memref_squeeze %dma_wait3A_878 : memref<1x32xi32, #tpu.memory_space<vmem>> -> memref<32xi32, #tpu.memory_space<vmem>>
    %dma_wait3A_880 = arith.constant 0 : i32
    %dma_wait3A_881 = arith.constant 0 : i32
    %dma_wait3A_882 = tpu.memref_slice %arg4[%dma_wait3A_880, %dma_wait3A_881] : memref<100000x768xf32, #tpu.memory_space<hbm>> -> memref<100000x768xf32, #tpu.memory_space<hbm>>
    tpu.wait_indirect_dma semaphore(%arg9 : memref<!tpu.dma_semaphore, #tpu.memory_space<semaphore_mem>>) src(%dma_wait3A_882 : memref<100000x768xf32, #tpu.memory_space<hbm>>) dst(%dma_wait3A_876 : memref<32x768xf32, #tpu.memory_space<vmem>>)
    %scan3A_883 = arith.constant 0 : i32
    %scan3A_884 = arith.constant 0 : i32
    %scan3A_885 = arith.constant 32 : i32
    %scan3A_886 = arith.addi %scan3A_884, %scan3A_885 : i32
    %scan3A_887 = arith.constant 1 : i32
    scf.for %scan3A_1091 = %scan3A_884 to %scan3A_886 step %scan3A_887  : i32 {
      %parallel_loop3A = arith.constant 0 : i32
      %parallel_loop3A_1092 = arith.constant 768 : i32
      %parallel_loop3A_1093 = arith.constant 16 : i32
      scf.for %parallel_loop3A_1094 = %parallel_loop3A to %parallel_loop3A_1092 step %parallel_loop3A_1093  : i32 {
        %parallel_loop3A_1095 = arith.constant 1 : i32
        %parallel_loop3A_1096 = arith.index_cast %parallel_loop3A_1095 : i32 to index
        %parallel_loop3A_1097 = arith.index_cast %scan3A_1091 : i32 to index
        %parallel_loop3A_1098 = arith.index_cast %parallel_loop3A_1094 : i32 to index
        %parallel_loop3A_1099 = tpu.vector_load %arg7[%parallel_loop3A_1096, %parallel_loop3A_1097, %parallel_loop3A_1098] {strides = array<i32>} : memref<2x32x768xf32, #tpu.memory_space<vmem>>, vector<1x1x16xf32>,
        %parallel_loop3A_1100 = vector.shape_cast %parallel_loop3A_1099 : vector<1x1x16xf32> to vector<16xf32>
        %parallel_loop3A_1101 = arith.constant 0 : i32
        %parallel_loop3A_1102 = arith.index_cast %parallel_loop3A_1101 : i32 to index
        %parallel_loop3A_1103 = arith.index_cast %scan3A_1091 : i32 to index
        %parallel_loop3A_1104 = arith.index_cast %parallel_loop3A_1094 : i32 to index
        %parallel_loop3A_1105 = tpu.vector_load %arg8[%parallel_loop3A_1102, %parallel_loop3A_1103, %parallel_loop3A_1104] {strides = array<i32>} : memref<2x32x768xf32, #tpu.memory_space<vmem>>, vector<1x1x16xf32>,
        %parallel_loop3A_1106 = vector.shape_cast %parallel_loop3A_1105 : vector<1x1x16xf32> to vector<16xf32>
        %parallel_loop3A_1107 = vector.shape_cast %parallel_loop3A_1100 : vector<16xf32> to vector<1x1x16xf32>
        tpu.vector_store %arg8[%parallel_loop3A_1102, %parallel_loop3A_1103, %parallel_loop3A_1104], %parallel_loop3A_1107 {add = true, strides = array<i32>} : memref<2x32x768xf32, #tpu.memory_space<vmem>>, vector<1x1x16xf32>,
      } {sc.loop_unroll_factor = 4 : i64, sc.parallel_access}
    }
    %scan3A_888 = arith.constant 32 : i32
    %add3A_889 = arith.constant 0 : i32
    %add3A_890 = arith.addi %add3A_889, %mul3A_2 : i32
    %add3A_891 = arith.constant 96 : i32
    %add3A_892 = arith.addi %add3A_890, %add3A_891 : i32
    %multiple_of3A_893 = tpu.assume_multiple %add3A_892, 8 : i32
    %dma_start3A_894 = arith.constant 0 : i32
    %dma_start3A_895 = arith.constant 0 : i32
    %dma_start3A_896 = arith.constant 0 : i32
    %dma_start3A_897 = tpu.memref_slice %arg8[%dma_start3A_894, %dma_start3A_895, %dma_start3A_896] : memref<2x32x768xf32, #tpu.memory_space<vmem>> -> memref<1x32x768xf32, #tpu.memory_space<vmem>>
    %dma_start3A_898 = tpu.memref_squeeze %dma_start3A_897 : memref<1x32x768xf32, #tpu.memory_space<vmem>> -> memref<32x768xf32, #tpu.memory_space<vmem>>
    %dma_start3A_899 = arith.constant 0 : i32
    %dma_start3A_900 = tpu.memref_slice %arg5[%multiple_of3A_893, %dma_start3A_899] : memref<16384x768xf32, #tpu.memory_space<hbm>> -> memref<32x768xf32, #tpu.memory_space<hbm>>
    %dma_start3A_901 = arith.constant 0 : i32
    %dma_start3A_902 = tpu.memref_slice %arg5[%multiple_of3A_893, %dma_start3A_901] : memref<16384x768xf32, #tpu.memory_space<hbm>> -> memref<32x768xf32, #tpu.memory_space<hbm>>
    %dma_start3A_903 = arith.constant 0 : i32
    %dma_start3A_904 = arith.constant 0 : i32
    %dma_start3A_905 = tpu.memref_slice %arg8[%dma_start3A_894, %dma_start3A_903, %dma_start3A_904] : memref<2x32x768xf32, #tpu.memory_space<vmem>> -> memref<1x32x768xf32, #tpu.memory_space<vmem>>
    %dma_start3A_906 = tpu.memref_squeeze %dma_start3A_905 : memref<1x32x768xf32, #tpu.memory_space<vmem>> -> memref<32x768xf32, #tpu.memory_space<vmem>>
    tpu.enqueue_dma source(%dma_start3A_906 : memref<32x768xf32, #tpu.memory_space<vmem>>) target(%dma_start3A_902 : memref<32x768xf32, #tpu.memory_space<hbm>>) target_semaphore(%arg11 : memref<!tpu.dma_semaphore, #tpu.memory_space<semaphore_mem>>)
    %dma_wait3A_907 = arith.constant 0 : i32
    %dma_wait3A_908 = arith.constant 0 : i32
    %dma_wait3A_909 = arith.constant 0 : i32
    %dma_wait3A_910 = tpu.memref_slice %arg8[%dma_wait3A_907, %dma_wait3A_908, %dma_wait3A_909] : memref<2x32x768xf32, #tpu.memory_space<vmem>> -> memref<1x32x768xf32, #tpu.memory_space<vmem>>
    %dma_wait3A_911 = tpu.memref_squeeze %dma_wait3A_910 : memref<1x32x768xf32, #tpu.memory_space<vmem>> -> memref<32x768xf32, #tpu.memory_space<vmem>>
    %dma_wait3A_912 = arith.constant 0 : i32
    %dma_wait3A_913 = tpu.memref_slice %arg5[%multiple_of3A_893, %dma_wait3A_912] : memref<16384x768xf32, #tpu.memory_space<hbm>> -> memref<32x768xf32, #tpu.memory_space<hbm>>
    %dma_wait3A_914 = arith.constant 0 : i32
    %dma_wait3A_915 = tpu.memref_slice %arg5[%multiple_of3A_893, %dma_wait3A_914] : memref<16384x768xf32, #tpu.memory_space<hbm>> -> memref<32x768xf32, #tpu.memory_space<hbm>>
    %dma_wait3A_916 = arith.constant 0 : i32
    %dma_wait3A_917 = arith.constant 0 : i32
    %dma_wait3A_918 = tpu.memref_slice %arg8[%dma_wait3A_907, %dma_wait3A_916, %dma_wait3A_917] : memref<2x32x768xf32, #tpu.memory_space<vmem>> -> memref<1x32x768xf32, #tpu.memory_space<vmem>>
    %dma_wait3A_919 = tpu.memref_squeeze %dma_wait3A_918 : memref<1x32x768xf32, #tpu.memory_space<vmem>> -> memref<32x768xf32, #tpu.memory_space<vmem>>
    tpu.wait_dma2 semaphore(%arg11 : memref<!tpu.dma_semaphore, #tpu.memory_space<semaphore_mem>>) src(%dma_wait3A_919 : memref<32x768xf32, #tpu.memory_space<vmem>>) dst(%dma_wait3A_915 : memref<32x768xf32, #tpu.memory_space<hbm>>)
    %dma_start3A_920 = arith.constant 2 : i32
    %dma_start3A_921 = arith.constant 0 : i32
    %dma_start3A_922 = arith.constant 0 : i32
    %dma_start3A_923 = arith.constant 0 : i32
    %dma_start3A_924 = tpu.memref_slice %arg8[%dma_start3A_921, %dma_start3A_922, %dma_start3A_923] : memref<2x32x768xf32, #tpu.memory_space<vmem>> -> memref<1x32x768xf32, #tpu.memory_space<vmem>>
    %dma_start3A_925 = tpu.memref_squeeze %dma_start3A_924 : memref<1x32x768xf32, #tpu.memory_space<vmem>> -> memref<32x768xf32, #tpu.memory_space<vmem>>
    %dma_start3A_926 = arith.constant 96 : i32
    %dma_start3A_927 = tpu.memref_slice %arg6[%dma_start3A_920, %dma_start3A_926] : memref<4x128xi32, #tpu.memory_space<vmem>> -> memref<1x32xi32, #tpu.memory_space<vmem>>
    %dma_start3A_928 = tpu.memref_squeeze %dma_start3A_927 : memref<1x32xi32, #tpu.memory_space<vmem>> -> memref<32xi32, #tpu.memory_space<vmem>>
    %dma_start3A_929 = arith.constant 0 : i32
    %dma_start3A_930 = arith.constant 0 : i32
    %dma_start3A_931 = tpu.memref_slice %arg4[%dma_start3A_929, %dma_start3A_930] : memref<100000x768xf32, #tpu.memory_space<hbm>> -> memref<100000x768xf32, #tpu.memory_space<hbm>>
    tpu.enqueue_indirect_dma source(%dma_start3A_931 : memref<100000x768xf32, #tpu.memory_space<hbm>>) target(%dma_start3A_925 : memref<32x768xf32, #tpu.memory_space<vmem>>) offsets(%dma_start3A_928 : memref<32xi32, #tpu.memory_space<vmem>>) semaphore(%arg9 : memref<!tpu.dma_semaphore, #tpu.memory_space<semaphore_mem>>)
    %dma_wait3A_932 = arith.constant 1 : i32
    %dma_wait3A_933 = arith.constant 1 : i32
    %dma_wait3A_934 = arith.constant 0 : i32
    %dma_wait3A_935 = arith.constant 0 : i32
    %dma_wait3A_936 = tpu.memref_slice %arg8[%dma_wait3A_933, %dma_wait3A_934, %dma_wait3A_935] : memref<2x32x768xf32, #tpu.memory_space<vmem>> -> memref<1x32x768xf32, #tpu.memory_space<vmem>>
    %dma_wait3A_937 = tpu.memref_squeeze %dma_wait3A_936 : memref<1x32x768xf32, #tpu.memory_space<vmem>> -> memref<32x768xf32, #tpu.memory_space<vmem>>
    %dma_wait3A_938 = arith.constant 96 : i32
    %dma_wait3A_939 = tpu.memref_slice %arg6[%dma_wait3A_932, %dma_wait3A_938] : memref<4x128xi32, #tpu.memory_space<vmem>> -> memref<1x32xi32, #tpu.memory_space<vmem>>
    %dma_wait3A_940 = tpu.memref_squeeze %dma_wait3A_939 : memref<1x32xi32, #tpu.memory_space<vmem>> -> memref<32xi32, #tpu.memory_space<vmem>>
    %dma_wait3A_941 = arith.constant 0 : i32
    %dma_wait3A_942 = arith.constant 0 : i32
    %dma_wait3A_943 = tpu.memref_slice %arg4[%dma_wait3A_941, %dma_wait3A_942] : memref<100000x768xf32, #tpu.memory_space<hbm>> -> memref<100000x768xf32, #tpu.memory_space<hbm>>
    tpu.wait_indirect_dma semaphore(%arg10 : memref<!tpu.dma_semaphore, #tpu.memory_space<semaphore_mem>>) src(%dma_wait3A_943 : memref<100000x768xf32, #tpu.memory_space<hbm>>) dst(%dma_wait3A_937 : memref<32x768xf32, #tpu.memory_space<vmem>>)
    %scan3A_944 = arith.constant 0 : i32
    %scan3A_945 = arith.constant 0 : i32
    %scan3A_946 = arith.constant 32 : i32
    %scan3A_947 = arith.addi %scan3A_945, %scan3A_946 : i32
    %scan3A_948 = arith.constant 1 : i32
    scf.for %scan3A_1091 = %scan3A_945 to %scan3A_947 step %scan3A_948  : i32 {
      %parallel_loop3A = arith.constant 0 : i32
      %parallel_loop3A_1092 = arith.constant 768 : i32
      %parallel_loop3A_1093 = arith.constant 16 : i32
      scf.for %parallel_loop3A_1094 = %parallel_loop3A to %parallel_loop3A_1092 step %parallel_loop3A_1093  : i32 {
        %parallel_loop3A_1095 = arith.constant 1 : i32
        %parallel_loop3A_1096 = arith.index_cast %parallel_loop3A_1095 : i32 to index
        %parallel_loop3A_1097 = arith.index_cast %scan3A_1091 : i32 to index
        %parallel_loop3A_1098 = arith.index_cast %parallel_loop3A_1094 : i32 to index
        %parallel_loop3A_1099 = tpu.vector_load %arg7[%parallel_loop3A_1096, %parallel_loop3A_1097, %parallel_loop3A_1098] {strides = array<i32>} : memref<2x32x768xf32, #tpu.memory_space<vmem>>, vector<1x1x16xf32>,
        %parallel_loop3A_1100 = vector.shape_cast %parallel_loop3A_1099 : vector<1x1x16xf32> to vector<16xf32>
        %parallel_loop3A_1101 = arith.constant 1 : i32
        %parallel_loop3A_1102 = arith.index_cast %parallel_loop3A_1101 : i32 to index
        %parallel_loop3A_1103 = arith.index_cast %scan3A_1091 : i32 to index
        %parallel_loop3A_1104 = arith.index_cast %parallel_loop3A_1094 : i32 to index
        %parallel_loop3A_1105 = tpu.vector_load %arg8[%parallel_loop3A_1102, %parallel_loop3A_1103, %parallel_loop3A_1104] {strides = array<i32>} : memref<2x32x768xf32, #tpu.memory_space<vmem>>, vector<1x1x16xf32>,
        %parallel_loop3A_1106 = vector.shape_cast %parallel_loop3A_1105 : vector<1x1x16xf32> to vector<16xf32>
        %parallel_loop3A_1107 = vector.shape_cast %parallel_loop3A_1100 : vector<16xf32> to vector<1x1x16xf32>
        tpu.vector_store %arg8[%parallel_loop3A_1102, %parallel_loop3A_1103, %parallel_loop3A_1104], %parallel_loop3A_1107 {add = true, strides = array<i32>} : memref<2x32x768xf32, #tpu.memory_space<vmem>>, vector<1x1x16xf32>,
      } {sc.loop_unroll_factor = 4 : i64, sc.parallel_access}
    }
    %scan3A_949 = arith.constant 32 : i32
    %add3A_950 = arith.constant 4096 : i32
    %add3A_951 = arith.addi %add3A_950, %mul3A_2 : i32
    %add3A_952 = arith.constant 96 : i32
    %add3A_953 = arith.addi %add3A_951, %add3A_952 : i32
    %multiple_of3A_954 = tpu.assume_multiple %add3A_953, 8 : i32
    %dma_start3A_955 = arith.constant 1 : i32
    %dma_start3A_956 = arith.constant 0 : i32
    %dma_start3A_957 = arith.constant 0 : i32
    %dma_start3A_958 = tpu.memref_slice %arg8[%dma_start3A_955, %dma_start3A_956, %dma_start3A_957] : memref<2x32x768xf32, #tpu.memory_space<vmem>> -> memref<1x32x768xf32, #tpu.memory_space<vmem>>
    %dma_start3A_959 = tpu.memref_squeeze %dma_start3A_958 : memref<1x32x768xf32, #tpu.memory_space<vmem>> -> memref<32x768xf32, #tpu.memory_space<vmem>>
    %dma_start3A_960 = arith.constant 0 : i32
    %dma_start3A_961 = tpu.memref_slice %arg5[%multiple_of3A_954, %dma_start3A_960] : memref<16384x768xf32, #tpu.memory_space<hbm>> -> memref<32x768xf32, #tpu.memory_space<hbm>>
    %dma_start3A_962 = arith.constant 0 : i32
    %dma_start3A_963 = tpu.memref_slice %arg5[%multiple_of3A_954, %dma_start3A_962] : memref<16384x768xf32, #tpu.memory_space<hbm>> -> memref<32x768xf32, #tpu.memory_space<hbm>>
    %dma_start3A_964 = arith.constant 0 : i32
    %dma_start3A_965 = arith.constant 0 : i32
    %dma_start3A_966 = tpu.memref_slice %arg8[%dma_start3A_955, %dma_start3A_964, %dma_start3A_965] : memref<2x32x768xf32, #tpu.memory_space<vmem>> -> memref<1x32x768xf32, #tpu.memory_space<vmem>>
    %dma_start3A_967 = tpu.memref_squeeze %dma_start3A_966 : memref<1x32x768xf32, #tpu.memory_space<vmem>> -> memref<32x768xf32, #tpu.memory_space<vmem>>
    tpu.enqueue_dma source(%dma_start3A_967 : memref<32x768xf32, #tpu.memory_space<vmem>>) target(%dma_start3A_963 : memref<32x768xf32, #tpu.memory_space<hbm>>) target_semaphore(%arg12 : memref<!tpu.dma_semaphore, #tpu.memory_space<semaphore_mem>>)
    %dma_wait3A_968 = arith.constant 1 : i32
    %dma_wait3A_969 = arith.constant 0 : i32
    %dma_wait3A_970 = arith.constant 0 : i32
    %dma_wait3A_971 = tpu.memref_slice %arg8[%dma_wait3A_968, %dma_wait3A_969, %dma_wait3A_970] : memref<2x32x768xf32, #tpu.memory_space<vmem>> -> memref<1x32x768xf32, #tpu.memory_space<vmem>>
    %dma_wait3A_972 = tpu.memref_squeeze %dma_wait3A_971 : memref<1x32x768xf32, #tpu.memory_space<vmem>> -> memref<32x768xf32, #tpu.memory_space<vmem>>
    %dma_wait3A_973 = arith.constant 0 : i32
    %dma_wait3A_974 = tpu.memref_slice %arg5[%multiple_of3A_954, %dma_wait3A_973] : memref<16384x768xf32, #tpu.memory_space<hbm>> -> memref<32x768xf32, #tpu.memory_space<hbm>>
    %dma_wait3A_975 = arith.constant 0 : i32
    %dma_wait3A_976 = tpu.memref_slice %arg5[%multiple_of3A_954, %dma_wait3A_975] : memref<16384x768xf32, #tpu.memory_space<hbm>> -> memref<32x768xf32, #tpu.memory_space<hbm>>
    %dma_wait3A_977 = arith.constant 0 : i32
    %dma_wait3A_978 = arith.constant 0 : i32
    %dma_wait3A_979 = tpu.memref_slice %arg8[%dma_wait3A_968, %dma_wait3A_977, %dma_wait3A_978] : memref<2x32x768xf32, #tpu.memory_space<vmem>> -> memref<1x32x768xf32, #tpu.memory_space<vmem>>
    %dma_wait3A_980 = tpu.memref_squeeze %dma_wait3A_979 : memref<1x32x768xf32, #tpu.memory_space<vmem>> -> memref<32x768xf32, #tpu.memory_space<vmem>>
    tpu.wait_dma2 semaphore(%arg12 : memref<!tpu.dma_semaphore, #tpu.memory_space<semaphore_mem>>) src(%dma_wait3A_980 : memref<32x768xf32, #tpu.memory_space<vmem>>) dst(%dma_wait3A_976 : memref<32x768xf32, #tpu.memory_space<hbm>>)
    %dma_start3A_981 = arith.constant 3 : i32
    %dma_start3A_982 = arith.constant 1 : i32
    %dma_start3A_983 = arith.constant 0 : i32
    %dma_start3A_984 = arith.constant 0 : i32
    %dma_start3A_985 = tpu.memref_slice %arg8[%dma_start3A_982, %dma_start3A_983, %dma_start3A_984] : memref<2x32x768xf32, #tpu.memory_space<vmem>> -> memref<1x32x768xf32, #tpu.memory_space<vmem>>
    %dma_start3A_986 = tpu.memref_squeeze %dma_start3A_985 : memref<1x32x768xf32, #tpu.memory_space<vmem>> -> memref<32x768xf32, #tpu.memory_space<vmem>>
    %dma_start3A_987 = arith.constant 96 : i32
    %dma_start3A_988 = tpu.memref_slice %arg6[%dma_start3A_981, %dma_start3A_987] : memref<4x128xi32, #tpu.memory_space<vmem>> -> memref<1x32xi32, #tpu.memory_space<vmem>>
    %dma_start3A_989 = tpu.memref_squeeze %dma_start3A_988 : memref<1x32xi32, #tpu.memory_space<vmem>> -> memref<32xi32, #tpu.memory_space<vmem>>
    %dma_start3A_990 = arith.constant 0 : i32
    %dma_start3A_991 = arith.constant 0 : i32
    %dma_start3A_992 = tpu.memref_slice %arg4[%dma_start3A_990, %dma_start3A_991] : memref<100000x768xf32, #tpu.memory_space<hbm>> -> memref<100000x768xf32, #tpu.memory_space<hbm>>
    tpu.enqueue_indirect_dma source(%dma_start3A_992 : memref<100000x768xf32, #tpu.memory_space<hbm>>) target(%dma_start3A_986 : memref<32x768xf32, #tpu.memory_space<vmem>>) offsets(%dma_start3A_989 : memref<32xi32, #tpu.memory_space<vmem>>) semaphore(%arg10 : memref<!tpu.dma_semaphore, #tpu.memory_space<semaphore_mem>>)
    %dma_wait3A_993 = arith.constant 2 : i32
    %dma_wait3A_994 = arith.constant 0 : i32
    %dma_wait3A_995 = arith.constant 0 : i32
    %dma_wait3A_996 = arith.constant 0 : i32
    %dma_wait3A_997 = tpu.memref_slice %arg8[%dma_wait3A_994, %dma_wait3A_995, %dma_wait3A_996] : memref<2x32x768xf32, #tpu.memory_space<vmem>> -> memref<1x32x768xf32, #tpu.memory_space<vmem>>
    %dma_wait3A_998 = tpu.memref_squeeze %dma_wait3A_997 : memref<1x32x768xf32, #tpu.memory_space<vmem>> -> memref<32x768xf32, #tpu.memory_space<vmem>>
    %dma_wait3A_999 = arith.constant 96 : i32
    %dma_wait3A_1000 = tpu.memref_slice %arg6[%dma_wait3A_993, %dma_wait3A_999] : memref<4x128xi32, #tpu.memory_space<vmem>> -> memref<1x32xi32, #tpu.memory_space<vmem>>
    %dma_wait3A_1001 = tpu.memref_squeeze %dma_wait3A_1000 : memref<1x32xi32, #tpu.memory_space<vmem>> -> memref<32xi32, #tpu.memory_space<vmem>>
    %dma_wait3A_1002 = arith.constant 0 : i32
    %dma_wait3A_1003 = arith.constant 0 : i32
    %dma_wait3A_1004 = tpu.memref_slice %arg4[%dma_wait3A_1002, %dma_wait3A_1003] : memref<100000x768xf32, #tpu.memory_space<hbm>> -> memref<100000x768xf32, #tpu.memory_space<hbm>>
    tpu.wait_indirect_dma semaphore(%arg9 : memref<!tpu.dma_semaphore, #tpu.memory_space<semaphore_mem>>) src(%dma_wait3A_1004 : memref<100000x768xf32, #tpu.memory_space<hbm>>) dst(%dma_wait3A_998 : memref<32x768xf32, #tpu.memory_space<vmem>>)
    %scan3A_1005 = arith.constant 0 : i32
    %scan3A_1006 = arith.constant 0 : i32
    %scan3A_1007 = arith.constant 32 : i32
    %scan3A_1008 = arith.addi %scan3A_1006, %scan3A_1007 : i32
    %scan3A_1009 = arith.constant 1 : i32
    scf.for %scan3A_1091 = %scan3A_1006 to %scan3A_1008 step %scan3A_1009  : i32 {
      %parallel_loop3A = arith.constant 0 : i32
      %parallel_loop3A_1092 = arith.constant 768 : i32
      %parallel_loop3A_1093 = arith.constant 16 : i32
      scf.for %parallel_loop3A_1094 = %parallel_loop3A to %parallel_loop3A_1092 step %parallel_loop3A_1093  : i32 {
        %parallel_loop3A_1095 = arith.constant 1 : i32
        %parallel_loop3A_1096 = arith.index_cast %parallel_loop3A_1095 : i32 to index
        %parallel_loop3A_1097 = arith.index_cast %scan3A_1091 : i32 to index
        %parallel_loop3A_1098 = arith.index_cast %parallel_loop3A_1094 : i32 to index
        %parallel_loop3A_1099 = tpu.vector_load %arg7[%parallel_loop3A_1096, %parallel_loop3A_1097, %parallel_loop3A_1098] {strides = array<i32>} : memref<2x32x768xf32, #tpu.memory_space<vmem>>, vector<1x1x16xf32>,
        %parallel_loop3A_1100 = vector.shape_cast %parallel_loop3A_1099 : vector<1x1x16xf32> to vector<16xf32>
        %parallel_loop3A_1101 = arith.constant 0 : i32
        %parallel_loop3A_1102 = arith.index_cast %parallel_loop3A_1101 : i32 to index
        %parallel_loop3A_1103 = arith.index_cast %scan3A_1091 : i32 to index
        %parallel_loop3A_1104 = arith.index_cast %parallel_loop3A_1094 : i32 to index
        %parallel_loop3A_1105 = tpu.vector_load %arg8[%parallel_loop3A_1102, %parallel_loop3A_1103, %parallel_loop3A_1104] {strides = array<i32>} : memref<2x32x768xf32, #tpu.memory_space<vmem>>, vector<1x1x16xf32>,
        %parallel_loop3A_1106 = vector.shape_cast %parallel_loop3A_1105 : vector<1x1x16xf32> to vector<16xf32>
        %parallel_loop3A_1107 = vector.shape_cast %parallel_loop3A_1100 : vector<16xf32> to vector<1x1x16xf32>
        tpu.vector_store %arg8[%parallel_loop3A_1102, %parallel_loop3A_1103, %parallel_loop3A_1104], %parallel_loop3A_1107 {add = true, strides = array<i32>} : memref<2x32x768xf32, #tpu.memory_space<vmem>>, vector<1x1x16xf32>,
      } {sc.loop_unroll_factor = 4 : i64, sc.parallel_access}
    }
    %scan3A_1010 = arith.constant 32 : i32
    %add3A_1011 = arith.constant 8192 : i32
    %add3A_1012 = arith.addi %add3A_1011, %mul3A_2 : i32
    %add3A_1013 = arith.constant 96 : i32
    %add3A_1014 = arith.addi %add3A_1012, %add3A_1013 : i32
    %multiple_of3A_1015 = tpu.assume_multiple %add3A_1014, 8 : i32
    %dma_start3A_1016 = arith.constant 0 : i32
    %dma_start3A_1017 = arith.constant 0 : i32
    %dma_start3A_1018 = arith.constant 0 : i32
    %dma_start3A_1019 = tpu.memref_slice %arg8[%dma_start3A_1016, %dma_start3A_1017, %dma_start3A_1018] : memref<2x32x768xf32, #tpu.memory_space<vmem>> -> memref<1x32x768xf32, #tpu.memory_space<vmem>>
    %dma_start3A_1020 = tpu.memref_squeeze %dma_start3A_1019 : memref<1x32x768xf32, #tpu.memory_space<vmem>> -> memref<32x768xf32, #tpu.memory_space<vmem>>
    %dma_start3A_1021 = arith.constant 0 : i32
    %dma_start3A_1022 = tpu.memref_slice %arg5[%multiple_of3A_1015, %dma_start3A_1021] : memref<16384x768xf32, #tpu.memory_space<hbm>> -> memref<32x768xf32, #tpu.memory_space<hbm>>
    %dma_start3A_1023 = arith.constant 0 : i32
    %dma_start3A_1024 = tpu.memref_slice %arg5[%multiple_of3A_1015, %dma_start3A_1023] : memref<16384x768xf32, #tpu.memory_space<hbm>> -> memref<32x768xf32, #tpu.memory_space<hbm>>
    %dma_start3A_1025 = arith.constant 0 : i32
    %dma_start3A_1026 = arith.constant 0 : i32
    %dma_start3A_1027 = tpu.memref_slice %arg8[%dma_start3A_1016, %dma_start3A_1025, %dma_start3A_1026] : memref<2x32x768xf32, #tpu.memory_space<vmem>> -> memref<1x32x768xf32, #tpu.memory_space<vmem>>
    %dma_start3A_1028 = tpu.memref_squeeze %dma_start3A_1027 : memref<1x32x768xf32, #tpu.memory_space<vmem>> -> memref<32x768xf32, #tpu.memory_space<vmem>>
    tpu.enqueue_dma source(%dma_start3A_1028 : memref<32x768xf32, #tpu.memory_space<vmem>>) target(%dma_start3A_1024 : memref<32x768xf32, #tpu.memory_space<hbm>>) target_semaphore(%arg11 : memref<!tpu.dma_semaphore, #tpu.memory_space<semaphore_mem>>)
    %dma_wait3A_1029 = arith.constant 3 : i32
    %dma_wait3A_1030 = arith.constant 1 : i32
    %dma_wait3A_1031 = arith.constant 0 : i32
    %dma_wait3A_1032 = arith.constant 0 : i32
    %dma_wait3A_1033 = tpu.memref_slice %arg8[%dma_wait3A_1030, %dma_wait3A_1031, %dma_wait3A_1032] : memref<2x32x768xf32, #tpu.memory_space<vmem>> -> memref<1x32x768xf32, #tpu.memory_space<vmem>>
    %dma_wait3A_1034 = tpu.memref_squeeze %dma_wait3A_1033 : memref<1x32x768xf32, #tpu.memory_space<vmem>> -> memref<32x768xf32, #tpu.memory_space<vmem>>
    %dma_wait3A_1035 = arith.constant 96 : i32
    %dma_wait3A_1036 = tpu.memref_slice %arg6[%dma_wait3A_1029, %dma_wait3A_1035] : memref<4x128xi32, #tpu.memory_space<vmem>> -> memref<1x32xi32, #tpu.memory_space<vmem>>
    %dma_wait3A_1037 = tpu.memref_squeeze %dma_wait3A_1036 : memref<1x32xi32, #tpu.memory_space<vmem>> -> memref<32xi32, #tpu.memory_space<vmem>>
    %dma_wait3A_1038 = arith.constant 0 : i32
    %dma_wait3A_1039 = arith.constant 0 : i32
    %dma_wait3A_1040 = tpu.memref_slice %arg4[%dma_wait3A_1038, %dma_wait3A_1039] : memref<100000x768xf32, #tpu.memory_space<hbm>> -> memref<100000x768xf32, #tpu.memory_space<hbm>>
    tpu.wait_indirect_dma semaphore(%arg10 : memref<!tpu.dma_semaphore, #tpu.memory_space<semaphore_mem>>) src(%dma_wait3A_1040 : memref<100000x768xf32, #tpu.memory_space<hbm>>) dst(%dma_wait3A_1034 : memref<32x768xf32, #tpu.memory_space<vmem>>)
    %scan3A_1041 = arith.constant 0 : i32
    %scan3A_1042 = arith.constant 0 : i32
    %scan3A_1043 = arith.constant 32 : i32
    %scan3A_1044 = arith.addi %scan3A_1042, %scan3A_1043 : i32
    %scan3A_1045 = arith.constant 1 : i32
    scf.for %scan3A_1091 = %scan3A_1042 to %scan3A_1044 step %scan3A_1045  : i32 {
      %parallel_loop3A = arith.constant 0 : i32
      %parallel_loop3A_1092 = arith.constant 768 : i32
      %parallel_loop3A_1093 = arith.constant 16 : i32
      scf.for %parallel_loop3A_1094 = %parallel_loop3A to %parallel_loop3A_1092 step %parallel_loop3A_1093  : i32 {
        %parallel_loop3A_1095 = arith.constant 1 : i32
        %parallel_loop3A_1096 = arith.index_cast %parallel_loop3A_1095 : i32 to index
        %parallel_loop3A_1097 = arith.index_cast %scan3A_1091 : i32 to index
        %parallel_loop3A_1098 = arith.index_cast %parallel_loop3A_1094 : i32 to index
        %parallel_loop3A_1099 = tpu.vector_load %arg7[%parallel_loop3A_1096, %parallel_loop3A_1097, %parallel_loop3A_1098] {strides = array<i32>} : memref<2x32x768xf32, #tpu.memory_space<vmem>>, vector<1x1x16xf32>,
        %parallel_loop3A_1100 = vector.shape_cast %parallel_loop3A_1099 : vector<1x1x16xf32> to vector<16xf32>
        %parallel_loop3A_1101 = arith.constant 1 : i32
        %parallel_loop3A_1102 = arith.index_cast %parallel_loop3A_1101 : i32 to index
        %parallel_loop3A_1103 = arith.index_cast %scan3A_1091 : i32 to index
        %parallel_loop3A_1104 = arith.index_cast %parallel_loop3A_1094 : i32 to index
        %parallel_loop3A_1105 = tpu.vector_load %arg8[%parallel_loop3A_1102, %parallel_loop3A_1103, %parallel_loop3A_1104] {strides = array<i32>} : memref<2x32x768xf32, #tpu.memory_space<vmem>>, vector<1x1x16xf32>,
        %parallel_loop3A_1106 = vector.shape_cast %parallel_loop3A_1105 : vector<1x1x16xf32> to vector<16xf32>
        %parallel_loop3A_1107 = vector.shape_cast %parallel_loop3A_1100 : vector<16xf32> to vector<1x1x16xf32>
        tpu.vector_store %arg8[%parallel_loop3A_1102, %parallel_loop3A_1103, %parallel_loop3A_1104], %parallel_loop3A_1107 {add = true, strides = array<i32>} : memref<2x32x768xf32, #tpu.memory_space<vmem>>, vector<1x1x16xf32>,
      } {sc.loop_unroll_factor = 4 : i64, sc.parallel_access}
    }
    %scan3A_1046 = arith.constant 32 : i32
    %add3A_1047 = arith.constant 12288 : i32
    %add3A_1048 = arith.addi %add3A_1047, %mul3A_2 : i32
    %add3A_1049 = arith.constant 96 : i32
    %add3A_1050 = arith.addi %add3A_1048, %add3A_1049 : i32
    %multiple_of3A_1051 = tpu.assume_multiple %add3A_1050, 8 : i32
    %dma_start3A_1052 = arith.constant 1 : i32
    %dma_start3A_1053 = arith.constant 0 : i32
    %dma_start3A_1054 = arith.constant 0 : i32
    %dma_start3A_1055 = tpu.memref_slice %arg8[%dma_start3A_1052, %dma_start3A_1053, %dma_start3A_1054] : memref<2x32x768xf32, #tpu.memory_space<vmem>> -> memref<1x32x768xf32, #tpu.memory_space<vmem>>
    %dma_start3A_1056 = tpu.memref_squeeze %dma_start3A_1055 : memref<1x32x768xf32, #tpu.memory_space<vmem>> -> memref<32x768xf32, #tpu.memory_space<vmem>>
    %dma_start3A_1057 = arith.constant 0 : i32
    %dma_start3A_1058 = tpu.memref_slice %arg5[%multiple_of3A_1051, %dma_start3A_1057] : memref<16384x768xf32, #tpu.memory_space<hbm>> -> memref<32x768xf32, #tpu.memory_space<hbm>>
    %dma_start3A_1059 = arith.constant 0 : i32
    %dma_start3A_1060 = tpu.memref_slice %arg5[%multiple_of3A_1051, %dma_start3A_1059] : memref<16384x768xf32, #tpu.memory_space<hbm>> -> memref<32x768xf32, #tpu.memory_space<hbm>>
    %dma_start3A_1061 = arith.constant 0 : i32
    %dma_start3A_1062 = arith.constant 0 : i32
    %dma_start3A_1063 = tpu.memref_slice %arg8[%dma_start3A_1052, %dma_start3A_1061, %dma_start3A_1062] : memref<2x32x768xf32, #tpu.memory_space<vmem>> -> memref<1x32x768xf32, #tpu.memory_space<vmem>>
    %dma_start3A_1064 = tpu.memref_squeeze %dma_start3A_1063 : memref<1x32x768xf32, #tpu.memory_space<vmem>> -> memref<32x768xf32, #tpu.memory_space<vmem>>
    tpu.enqueue_dma source(%dma_start3A_1064 : memref<32x768xf32, #tpu.memory_space<vmem>>) target(%dma_start3A_1060 : memref<32x768xf32, #tpu.memory_space<hbm>>) target_semaphore(%arg12 : memref<!tpu.dma_semaphore, #tpu.memory_space<semaphore_mem>>)
    %dma_wait3A_1065 = arith.constant 0 : i32
    %dma_wait3A_1066 = arith.constant 0 : i32
    %dma_wait3A_1067 = arith.constant 0 : i32
    %dma_wait3A_1068 = tpu.memref_slice %arg8[%dma_wait3A_1065, %dma_wait3A_1066, %dma_wait3A_1067] : memref<2x32x768xf32, #tpu.memory_space<vmem>> -> memref<1x32x768xf32, #tpu.memory_space<vmem>>
    %dma_wait3A_1069 = tpu.memref_squeeze %dma_wait3A_1068 : memref<1x32x768xf32, #tpu.memory_space<vmem>> -> memref<32x768xf32, #tpu.memory_space<vmem>>
    %dma_wait3A_1070 = arith.constant 0 : i32
    %dma_wait3A_1071 = tpu.memref_slice %arg5[%multiple_of3A_1015, %dma_wait3A_1070] : memref<16384x768xf32, #tpu.memory_space<hbm>> -> memref<32x768xf32, #tpu.memory_space<hbm>>
    %dma_wait3A_1072 = arith.constant 0 : i32
    %dma_wait3A_1073 = tpu.memref_slice %arg5[%multiple_of3A_1015, %dma_wait3A_1072] : memref<16384x768xf32, #tpu.memory_space<hbm>> -> memref<32x768xf32, #tpu.memory_space<hbm>>
    %dma_wait3A_1074 = arith.constant 0 : i32
    %dma_wait3A_1075 = arith.constant 0 : i32
    %dma_wait3A_1076 = tpu.memref_slice %arg8[%dma_wait3A_1065, %dma_wait3A_1074, %dma_wait3A_1075] : memref<2x32x768xf32, #tpu.memory_space<vmem>> -> memref<1x32x768xf32, #tpu.memory_space<vmem>>
    %dma_wait3A_1077 = tpu.memref_squeeze %dma_wait3A_1076 : memref<1x32x768xf32, #tpu.memory_space<vmem>> -> memref<32x768xf32, #tpu.memory_space<vmem>>
    tpu.wait_dma2 semaphore(%arg11 : memref<!tpu.dma_semaphore, #tpu.memory_space<semaphore_mem>>) src(%dma_wait3A_1077 : memref<32x768xf32, #tpu.memory_space<vmem>>) dst(%dma_wait3A_1073 : memref<32x768xf32, #tpu.memory_space<hbm>>)
    %dma_wait3A_1078 = arith.constant 1 : i32
    %dma_wait3A_1079 = arith.constant 0 : i32
    %dma_wait3A_1080 = arith.constant 0 : i32
    %dma_wait3A_1081 = tpu.memref_slice %arg8[%dma_wait3A_1078, %dma_wait3A_1079, %dma_wait3A_1080] : memref<2x32x768xf32, #tpu.memory_space<vmem>> -> memref<1x32x768xf32, #tpu.memory_space<vmem>>
    %dma_wait3A_1082 = tpu.memref_squeeze %dma_wait3A_1081 : memref<1x32x768xf32, #tpu.memory_space<vmem>> -> memref<32x768xf32, #tpu.memory_space<vmem>>
    %dma_wait3A_1083 = arith.constant 0 : i32
    %dma_wait3A_1084 = tpu.memref_slice %arg5[%multiple_of3A_1051, %dma_wait3A_1083] : memref<16384x768xf32, #tpu.memory_space<hbm>> -> memref<32x768xf32, #tpu.memory_space<hbm>>
    %dma_wait3A_1085 = arith.constant 0 : i32
    %dma_wait3A_1086 = tpu.memref_slice %arg5[%multiple_of3A_1051, %dma_wait3A_1085] : memref<16384x768xf32, #tpu.memory_space<hbm>> -> memref<32x768xf32, #tpu.memory_space<hbm>>
    %dma_wait3A_1087 = arith.constant 0 : i32
    %dma_wait3A_1088 = arith.constant 0 : i32
    %dma_wait3A_1089 = tpu.memref_slice %arg8[%dma_wait3A_1078, %dma_wait3A_1087, %dma_wait3A_1088] : memref<2x32x768xf32, #tpu.memory_space<vmem>> -> memref<1x32x768xf32, #tpu.memory_space<vmem>>
    %dma_wait3A_1090 = tpu.memref_squeeze %dma_wait3A_1089 : memref<1x32x768xf32, #tpu.memory_space<vmem>> -> memref<32x768xf32, #tpu.memory_space<vmem>>
    tpu.wait_dma2 semaphore(%arg12 : memref<!tpu.dma_semaphore, #tpu.memory_space<semaphore_mem>>) src(%dma_wait3A_1090 : memref<32x768xf32, #tpu.memory_space<vmem>>) dst(%dma_wait3A_1086 : memref<32x768xf32, #tpu.memory_space<hbm>>)
    return
  }
}

</mosaic_0001>

<sc_bundles>
// kernel: kernel.3.cloned.1.call-start
scs
__scs_entry_jumppad:
0x0: {  	(pc) =	sbr.rel $0x88, $3  }
0x1: {  	(tag) =	ssettag $0x0;
	lr =	simm.s32 $0x1  }
0x2: {  	[smem:$0x3F9E] =	sst lr;
	_ =	strace $0xD0000000  }
0x3: {  	_ = 	snop  }
0x4: {  	_ = 	snop  }
0x5: {  	_ = 	snop  }
0x6: {  	_ = 	snop  }
0x7: {  	_ = 	snop  }
__scs_overlays_trampoline_lowered:
0x8: {  	[smem:$0x3FAD] =	sst s0  }
0x9: {  	[smem:$0x3FAE] =	sst s1  }
0xa: {  	[smem:$0x3FAF] =	sst s2  }
0xb: {  	[smem:$0x3FB0] =	sst s3  }
0xc: {  	[smem:$0x3FB1] =	sst s4  }
0xd: {  	[smem:$0x3FB2] =	sst s5  }
0xe: {  	[smem:$0x3FB3] =	sst s6  }
0xf: {  	[smem:$0x3FB4] =	sst s7  }
0x10: {  	[smem:$0x3FB5] =	sst s8  }
0x11: {  	[smem:$0x3FB6] =	sst s9;
	s0 =	simm.s32 @!p0 $0x0  }
0x12: {  	s1 =	sld [smem:$0x3F9C];
	s0 =	simm.s32 @p0 $0x1  }
0x13: {  	[smem:$0x3FB7] =	sst s0;
	s0 =	simm.s32 @!p1 $0x0  }
0x14: {  	s2 =	sld [smem:$0x3F9B];
	s0 =	simm.s32 @p1 $0x1  }
0x15: {  	[smem:$0x3FB8] =	sst s0;
	s0 =	simm.s32 @!p2 $0x0  }
0x16: {  	s3 =	sld [smem:$0x3FDB];
	s0 =	simm.s32 @p2 $0x1  }
0x17: {  	s4 =	simm.s32 $0x1BF5;
	[smem:$0x3FBA] =	sst s0  }
0x18: {  	s0 =	sld [smem:$0x3F9D];
	_ =	swait.ge [sflag:s4], $0x0  }
0x19: {  	s7 =	sld [smem:$0x3F9E]  }
0x1a: {  	s8 =	sadd.s32 $0xFFFFE003, lr  }
0x1b: {  	s9 =	sadd.s32 $0xFFFFFEF7, lr;
	s5 =	simm.s32 $0xFFFFFFFF;
	p2 =	slt.u32 s8, $0xFFFFF086  }
0x1c: {  	p1 =	slt.u32 s9, $0xF7A;
	s5 =	simm.s32 @!p2 $0x0  }
0x1d: {  	s5 =	simm.s32 @p1 $0x1;
	p0 =	seq.s32 s7, s2  }
0x1e: {  	s7 =	smul.u32 @!p0 $0xF7A, s2;
	p2 =	seq.s32 @!p0 s5, $0x0  }
0x1f: {  	s9 =	smul.u32 $0xF7A, s1;
	s8 =	simm.s32 @!p0 $0x1BF5;
	p2 =	por !p2, p0  }
0x20: {  	[sflag:s8] =	ssyncset.s32 @!p0 $0xFFFFF086;
	s6 =	sadd.s32 @!p0 s3, s7;
	s7 =	simm.s32 @!p0 $0x108  }
0x21: {  	s3 =	sadd.s32 s3, s9;
	s6 =	sadd.s32 @!p0 $0x88, s6;
	s7 =	simm.s32 @p2 $0x1082  }
0x22: {  	[simem:s7], [sflag:s8] =	dma.local @!p0 [hbm:s6], $0xF7A  }
0x23: {  	s9 =	sor.u32 $0xD0000000, s2;
	s6 =	simm.s32 $0x108;
	_ =	swait.ge @!p0 [sflag:s8], $0x0  }
0x24: {  	s3 =	sadd.s32 $0x88, s3;
	s6 =	simm.s32 @!p1 $0x1082;
	[sflag:s4] =	ssyncset.s32 $0xFFFFF086  }
0x25: {  	[simem:s6], [sflag:s4] =	dma.local [hbm:s3], $0xF7A  }
0x26: {  	[smem:$0x3F9E] =	sst s1;
	(tag) =	ssettag s2;
	_ =	strace s9  }
0x27: {  	s1 =	sld [smem:$0x3FAE]  }
0x28: {  	s2 =	sld [smem:$0x3FAF]  }
0x29: {  	s4 =	sld [smem:$0x3FB1]  }
0x2a: {  	p0 =	seq.s32 s5, $0x0;
	s5 =	sld [smem:$0x3FB2]  }
0x2b: {  	s6 =	sld [smem:$0x3FB3]  }
0x2c: {  	s7 =	sld [smem:$0x3FB4]  }
0x2d: {  	s3 =	simm.s32 $0x108;
	s8 =	sld [smem:$0x3FB5]  }
0x2e: {  	s3 =	simm.s32 @!p0 $0x1082;
	s9 =	sld [smem:$0x3FB6]  }
0x2f: {  	lr =	sadd.s32 s0, s3;
	s0 =	sld [smem:$0x3FAD]  }
0x30: {  	s3 =	sld [smem:$0x3FB0]  }
0x31: {  	[smem:$0x3FB9] =	sst s10  }
0x32: {  	s10 =	sld [smem:$0x3FB7];
	_ =	sdelay $0x3  }
0x33: {  	p0 =	seq.s32 s10, $0x1;
	s10 =	sld [smem:$0x3FB9];
	_ =	sdelay $0x3  }
0x34: {  	[smem:$0x3FB9] =	sst s10  }
0x35: {  	s10 =	sld [smem:$0x3FB8];
	_ =	sdelay $0x3  }
0x36: {  	p1 =	seq.s32 s10, $0x1;
	s10 =	sld [smem:$0x3FB9];
	_ =	sdelay $0x3  }
0x37: {  	[smem:$0x3FB9] =	sst s10  }
0x38: {  	s10 =	sld [smem:$0x3FBA]  }
0x39: {  	_ = 	snop;
	(pc) =	sbr.ind lr, $3  }
0x3a: {  	_ = 	snop  }
0x3b: {  	_ = 	snop  }
0x3c: {  	p2 =	seq.s32 s10, $0x1;
	s10 =	sld [smem:$0x3FB9]  }
0x3d: {  	_ =	shalt  }
0x3e: {  	_ =	shalt  }
0x3f: {  	_ =	shalt  }
0x40: {  	_ =	shalt  }
0x41: {  	_ =	shalt  }
0x42: {  	_ =	shalt  }
0x43: {  	_ =	shalt  }
0x44: {  	_ =	shalt  }
0x45: {  	_ =	shalt  }
0x46: {  	_ =	shalt  }
0x47: {  	_ =	shalt  }
0x48: {  	_ =	shalt  }
0x49: {  	_ =	shalt  }
0x4a: {  	_ =	shalt  }
0x4b: {  	_ =	shalt  }
0x4c: {  	_ =	shalt  }
0x4d: {  	_ =	shalt  }
0x4e: {  	_ =	shalt  }
0x4f: {  	_ =	shalt  }
0x50: {  	_ =	shalt  }
0x51: {  	_ =	shalt  }
0x52: {  	_ =	shalt  }
0x53: {  	_ =	shalt  }
0x54: {  	_ =	shalt  }
0x55: {  	_ =	shalt  }
0x56: {  	_ =	shalt  }
0x57: {  	_ =	shalt  }
0x58: {  	_ =	shalt  }
0x59: {  	_ =	shalt  }
0x5a: {  	_ =	shalt  }
0x5b: {  	_ =	shalt  }
0x5c: {  	_ =	shalt  }
0x5d: {  	_ =	shalt  }
0x5e: {  	_ =	shalt  }
0x5f: {  	_ =	shalt  }
0x60: {  	_ =	shalt  }
0x61: {  	_ =	shalt  }
0x62: {  	_ =	shalt  }
0x63: {  	_ =	shalt  }
0x64: {  	_ =	shalt  }
0x65: {  	_ =	shalt  }
0x66: {  	_ =	shalt  }
0x67: {  	_ =	shalt  }
0x68: {  	_ =	shalt  }
0x69: {  	_ =	shalt  }
0x6a: {  	_ =	shalt  }
0x6b: {  	_ =	shalt  }
0x6c: {  	_ =	shalt  }
0x6d: {  	_ =	shalt  }
0x6e: {  	_ =	shalt  }
0x6f: {  	_ =	shalt  }
0x70: {  	_ =	shalt  }
0x71: {  	_ =	shalt  }
0x72: {  	_ =	shalt  }
0x73: {  	_ =	shalt  }
0x74: {  	_ =	shalt  }
0x75: {  	_ =	shalt  }
0x76: {  	_ =	shalt  }
0x77: {  	_ =	shalt  }
0x78: {  	_ =	shalt  }
0x79: {  	_ =	shalt  }
0x7a: {  	_ =	shalt  }
0x7b: {  	_ =	shalt  }
0x7c: {  	_ =	shalt  }
0x7d: {  	_ =	shalt  }
0x7e: {  	_ =	shalt  }
0x7f: {  	_ =	shalt  }
0x80: {  	_ =	shalt  }
0x81: {  	_ =	shalt  }
0x82: {  	_ =	shalt  }
0x83: {  	_ =	shalt  }
0x84: {  	_ =	shalt  }
0x85: {  	_ =	shalt  }
0x86: {  	_ =	shalt  }
0x87: {  	_ =	shalt  }
.Lfunc_end0:
.L_simem_size_0:
called_computation_lowered:
.L_overlay_start_0:
0x88: {  	s2 =	sld [smem:$0x3FD9]  }
0x89: {  	s3 =	sld [smem:$0x3FFE];
	_ =	sdelay $0x1  }
0x8a: {  	s1 =	srdreg.scid  }
0x8b: {  	s0 =	sand.u32 $0x1, s1  }
0x8c: {  	s18 =	sshll.u32 s0, $0xA;
	s2 =	sadd.s32 s3, s2  }
0x8d: {  	s2 =	sadd.s32 s2, s18  }
0x8e: {  	[smem:$0x3FC5] =	sst s2  }
0x8f: {  	_ = 	snop  }
0x90: {  	s2 =	sld [smem:$0x3FC9]  }
0x91: {  	s19 =	sld [smem:$0x3FC8]  }
0x92: {  	s4 =	sld [smem:$0x3FC7]  }
0x93: {  	s5 =	sld [smem:$0x3FD0];
	(tm) =	ssettm $0x1  }
0x94: {  	s6 =	sld [smem:$0x3FFB];
	_ =	sdelay $0x3  }
0x95: {  	_ =	strace s6  }
0x96: {  	s6 =	sld [smem:$0x3FFC];
	_ =	sdelay $0x3  }
0x97: {  	_ =	strace s6  }
0x98: {  	s6 =	sld [smem:$0x3FFD];
	_ =	sdelay $0x3  }
0x99: {  	_ =	strace s6  }
0x9a: {  	_ =	strace $0x8FFFFFFF  }
0x9b: {  	s20 =	sld [smem:$0x3FDB];
	_ =	sdelay $0x1  }
0x9c: {  	s7 =	simm.s32 $_scs_section_size  }
0x9d: {  	s8 =	simm.s32 $_size__tile_overlayer_lowered;
	s9 =	simm.s32 $_tile_overlayer_lowered  }
0x9e: {  	s23 =	simm.s32 $0x1BFF;
	s22 =	sshll.u32 s9, $0x1;
	s6 =	sadd.s32 s7, s20  }
0x9f: {  	s10 =	simm.s32 $0x0;
	s21 =	sshll.u32 s8, $0x1;
	s8 =	sadd.s32 s22, s6  }
0xa0: {  	[timem:s10], [sflag:s23] =	dma.local [hbm:s8], s21  }
0xa1: {  	_ =	swait.ge [sflag:s23], s21  }
0xa2: {  	s7 =	ssub.s32 $0x0, s21;
	[sflag:s23] =	ssyncset.done $0x0  }
0xa3: {  	[sflag:s23] =	ssyncadd.s32 s7;
	_ =	sdelay $0x1  }
0xa4: {  	s24 =	simm.s32 $0x1B8B  }
0xa5: {  	_ =	swait.ge [sflag:s24], $0x1  }
0xa6: {  	[sflag:s24] =	ssyncset.done $0x0  }
0xa7: {  	s25 =	simm.s32 $0x1B8E;
	[sflag:s24] =	ssyncadd.s32 $0xFFFFFFFF  }
0xa8: {  	s26 =	simm.s32 $execute0_lowered;
	[smem:$0x3FD2] =	sst s25  }
0xa9: {  	s7 =	sshll.u32 s26, $0x1;
	_ =	strace $0x80000046;
	[dreg:$0x1] =	wrdreg $0xFFFFFFFF  }
0xaa: {  	s28 =	simm.s32 $_size_execute0_lowered;
	s6 =	sadd.s32 s6, s7;
	[dreg:$0x0] =	wrdreg $0x0  }
0xab: {  	s7 =	sshll.u32 s28, $0x1;
	[dreg:$0x2] =	wrdreg s6  }
0xac: {  	[dreg:$0x3] =	wrdreg s7  }
0xad: {  	[dreg:$0x4] =	wrdreg $0xC0  }
0xae: {  	_ =	task [dreg:s10], $0x5FFFF  }
0xaf: {  	[dreg:$0x1] =	wrdreg $0xFFFFFFFF  }
0xb0: {  	[dreg:$0x0] =	wrdreg $0x60  }
0xb1: {  	[dreg:$0x2] =	wrdreg s2  }
0xb2: {  	[dreg:$0x3] =	wrdreg s4  }
0xb3: {  	[dreg:$0x4] =	wrdreg s19  }
0xb4: {  	[dreg:$0x5] =	wrdreg s5  }
0xb5: {  	[dreg:$0x6] =	wrdreg $0x9  }
0xb6: {  	_ =	task.clear_ibuf [dreg:s10], $0x7FFFF;
	_ =	strace $0x90000046  }
0xb7: {  	s29 =	simm.s32 $0x9;
	_ =	strace $0x80000048  }
0xb8: {  	_ =	swait.ge [sflag:s29], $0x1  }
0xb9: {  	[sflag:s29] =	ssyncadd.s32 $0xFFFFFFFF  }
0xba: {  	_ =	strace $0x90000048  }
0xbb: {  	_ =	sfence  }
0xbc: {  	s30 =	sld [smem:$0x0];
	_ =	sdelay $0x2  }
0xbd: {  	s31 =	sshll.u32 s1, $0xD;
	s1 =	sshrl.u32 s1, $0x2  }
0xbe: {  	s3 =	sand.u32 $0x4000, s31;
	s1 =	sadd.s32 s1, s30  }
0xbf: {  	s0 =	sor.u32 s3, s0;
	s1 =	sshll.u32 s1, $0x11  }
0xc0: {  	s0 =	sor.u32 s1, s0  }
0xc1: {  	s0 =	sadd.s32 $0x8F2B, s0  }
0xc2: {  	[sflag:s0] =	ssyncadd.remote.s32 $0x1  }
0xc3: {  	_ =	sfence.sel $0xFFFF  }
0xc4: {  	[dreg:$0x0] =	wrdreg $0xFFFFFFFF;
	(pc) =	sbr.abs _section_cstart, $3  }
0xc5: {  	[dreg:$0x1] =	wrdreg $0xFFFFFFFF  }
0xc6: {  	_ =	task.clear_ibuf [dreg:s10], $0x2FFFF;
	_ =	strace $0x9FFFFFFF  }
0xc7: {  	(tm) =	ssettm $0x7FFFFFFF  }
tec
execute0_lowered:
.L_overlay_start_1:
0x0: {  	(tag) =	ssettag $0x1  }
0x1: {  	s0 =	rddreg [dreg:$0x0]  }
0x2: {  	s1 =	rddreg [dreg:$0x1];
	s3 =	srdreg.scid  }
0x3: {  	s2 =	rddreg [dreg:$0x2];
	s6 =	stileid.u32;
	s5 =	sand.u32 $0x1, s3  }
0x4: {  	s4 =	rddreg [dreg:$0x3];
	s6 =	sshll.u32 s6, $0x1;
	s7 =	ssub.s32 $0x2, s5  }
0x5: {  	s3 =	simm.s32 $0x0;
	s5 =	sor.u32 s5, s6;
	s30 =	sshrl.u32 s7, $0x1  }
0x6: {  	s8 =	smul.u32 $0x3000, s5;
	s9 =	ssub.s32 s7, s30;
	s7 =	sshll.u32 s5, $0x6  }
0x7: {  	[smem:$0x7FF] =	sst s3;
	s0 =	sadd.s32 s0, s7  }
0x8: {  	_ =	strace $0x80000047;
	s10 =	sadd.s32 s1, s8;
	[dreg:$0x5] =	wrdreg s0  }
0x9: {  	s25 =	smax.u32 s9, $0x1;
	[dreg:$0x6] =	wrdreg s10  }
0xa: {  	s12 =	sor.u32 $0xC00, s8;
	s13 =	sadd.s32 s4, s8;
	[dreg:$0x18] =	wrdreg s25  }
0xb: {  	s10 =	sadd.s32 s1, s12;
	[dreg:$0x8] =	wrdreg s13  }
0xc: {  	s11 =	smul.u32 $0x18000, s5;
	s8 =	sadd.s32 $0x60000, s13;
	[dreg:$0x7] =	wrdreg s10  }
0xd: {  	s14 =	sadd.s32 $0xC0000, s13;
	[dreg:$0x9] =	wrdreg s8  }
0xe: {  	s0 =	sshrl.u32 s11, $0x3;
	s11 =	sadd.s32 $0x120000, s13;
	[dreg:$0xa] =	wrdreg s14  }
0xf: {  	s5 =	sadd.s32 s4, s12;
	[dreg:$0xb] =	wrdreg s11  }
0x10: {  	s17 =	sadd.s32 $0x60C00, s13;
	[dreg:$0xd] =	wrdreg s5  }
0x11: {  	s31 =	simm.s32 $0xC200;
	s18 =	sadd.s32 $0xC0C00, s13;
	[dreg:$0xe] =	wrdreg s17  }
0x12: {  	s29 =	simm.s32 $0x3;
	s19 =	sadd.s32 $0x120C00, s13;
	[dreg:$0xf] =	wrdreg s18  }
0x13: {  	s28 =	simm.s32 $0x2;
	s21 =	sadd.s32 $0x61800, s13;
	[dreg:$0x10] =	wrdreg s19  }
0x14: {  	s6 =	sadd.s32 $0x100, s2;
	s22 =	sadd.s32 $0xC1800, s13;
	[dreg:$0x13] =	wrdreg s21  }
0x15: {  	s7 =	sadd.s32 $0x200, s2;
	s23 =	sadd.s32 $0x121800, s13;
	[dreg:$0x14] =	wrdreg s22  }
0x16: {  	s9 =	simm.s32 $0x1;
	s24 =	sadd.s32 $0x62400, s13;
	[dreg:$0x15] =	wrdreg s23  }
0x17: {  	s26 =	sadd.s32 $0xC2400, s13;
	s30 =	sadd.s32 $0x122400, s13;
	[dreg:$0x17] =	wrdreg s24  }
0x18: {  	s25 =	simm.s32 $0x17200;
	s15 =	sadd.s32 $0x1800, s0;
	[dreg:$0x19] =	wrdreg s26  }
0x19: {  	s0 =	sadd.s32 $0x2400, s0;
	[dreg:$0x1a] =	wrdreg s30;
	s16 =	sadd.s32 s1, s15  }
0x1a: {  	s24 =	simm.s32 $0x16A00;
	s1 =	sadd.s32 s1, s0;
	[dreg:$0xc] =	wrdreg s16  }
0x1b: {  	v2 =	vlaneseq.u32;
	s26 =	simm.s32 $0x17A00;
	s20 =	sadd.s32 s4, s15;
	[dreg:$0x11] =	wrdreg s1  }
0x1c: {  	vm0 =	vmmov $0xffff;
	v1 =	vshrl.u32 v2, $0x3;
	s0 =	sadd.s32 s4, s0;
	s15 =	simm.s32 $0x12200;
	[dreg:$0x12] =	wrdreg s20  }
0x1d: {  	v0 =	vand.u32 $0x7, v2;
	v2 =	vor.u32 $0x8, v2;
	v1 =	vmul.u32 $0x8, v1;
	[dreg:$0x16] =	wrdreg s0;
	s0 =	simm.s32 $0x4;
	s1 =	simm.s32 $0x0  }
.LBB2_1:
0x1e: {  	s4 =	rddreg [dreg:$0x5];
	s17 =	simm.s32 $0x7  }
0x1f: {  	[tilespmem:s3], [sflag:$0x7] =	stream.linear.gather [hbm4b:s4+s3], $0x200, $0x38;
	[tilespmem:$0x18200] =	vst v63  }
0x20: {  	_ =	swait.ge [sflag:s17], $0x200  }
0x21: {  	[sflag:s17] =	ssyncset.done $0x0  }
0x22: {  	s5 =	simm.s32 $0x200;
	s18 =	rddreg [dreg:$0x6];
	[sflag:s17] =	ssyncadd.s32 $0xFFFFFE00  }
0x23: {  	[tilespmem:s5], [sflag:$0x5] =	stream.linear.gather [hbm4b:s18+s3], $0x6000, $0x38;
	[tilespmem:$0x18200] =	vst v63  }
0x24: {  	v3 =	vld [tilespmem:$0x0];
	_ =	sdelay $0x4  }
0x25: {  	v4 =	vshrl.u32 v3, $0x3  }
0x26: {  	v4 =	vmul.u32 $0x30, v4  }
0x27: {  	v3 =	vand.u32 $0x7, v3  }
0x28: {  	v3 =	vor.u32 v3, v4  }
0x29: {  	v4 =	vperm.xlane v3, v0;
	_ =	sdelay $0x1  }
0x2a: {  	v4 =	vadd.s32 v1, v4;
	_ =	sdelay $0x3  }
0x2b: {  	v3 =	vperm.xlane v3, v2  }
0x2c: {  	[tilespmem:s31], [sflag:$0x1] =	stream.indirect_vreg.gather [hbm4b:s2+s3], $0x80, v4, vm0, $0xb8;
	[tilespmem:$0x18200] =	vst v63  }
0x2d: {  	s19 =	simm.s32 $0xCA00;
	v3 =	vadd.s32 v1, v3  }
0x2e: {  	[tilespmem:s19], [sflag:$0x1] =	stream.indirect_vreg.gather [hbm4b:s6+s3], $0x80, v4, vm0, $0xb8;
	[tilespmem:$0x18200] =	vst v63  }
0x2f: {  	s20 =	simm.s32 $0xD200  }
0x30: {  	[tilespmem:s20], [sflag:$0x1] =	stream.indirect_vreg.gather [hbm4b:s7+s3], $0x80, v4, vm0, $0xb8;
	[tilespmem:$0x18200] =	vst v63  }
0x31: {  	s21 =	simm.s32 $0xDA00  }
0x32: {  	[tilespmem:s21], [sflag:$0x1] =	stream.indirect_vreg.gather [hbm4b:s2+s3], $0x80, v3, vm0, $0xb8;
	[tilespmem:$0x18200] =	vst v63  }
0x33: {  	s22 =	simm.s32 $0xE200  }
0x34: {  	[tilespmem:s22], [sflag:$0x1] =	stream.indirect_vreg.gather [hbm4b:s6+s3], $0x80, v3, vm0, $0xb8;
	[tilespmem:$0x18200] =	vst v63  }
0x35: {  	s23 =	simm.s32 $0xEA00  }
0x36: {  	[tilespmem:s23], [sflag:$0x1] =	stream.indirect_vreg.gather [hbm4b:s7+s3], $0x80, v3, vm0, $0xb8;
	[tilespmem:$0x18200] =	vst v63  }
0x37: {  	v3 =	vld [tilespmem:$0x10];
	_ =	sdelay $0x4  }
0x38: {  	v61 =	vshrl.u32 v3, $0x3  }
0x39: {  	v4 =	vmul.u32 $0x30, v61  }
0x3a: {  	v3 =	vand.u32 $0x7, v3  }
0x3b: {  	v3 =	vor.u32 v3, v4  }
0x3c: {  	v4 =	vperm.xlane v3, v0;
	_ =	sdelay $0x1  }
0x3d: {  	v4 =	vadd.s32 v1, v4;
	_ =	sdelay $0x3  }
0x3e: {  	s30 =	simm.s32 $0xF200;
	v3 =	vperm.xlane v3, v2  }
0x3f: {  	[tilespmem:s30], [sflag:$0x1] =	stream.indirect_vreg.gather [hbm4b:s2+s3], $0x80, v4, vm0, $0xb8;
	[tilespmem:$0x18200] =	vst v63  }
0x40: {  	s5 =	simm.s32 $0xFA00;
	v3 =	vadd.s32 v1, v3  }
0x41: {  	[tilespmem:s5], [sflag:$0x1] =	stream.indirect_vreg.gather [hbm4b:s6+s3], $0x80, v4, vm0, $0xb8;
	[tilespmem:$0x18200] =	vst v63  }
0x42: {  	s8 =	simm.s32 $0x10200  }
0x43: {  	[tilespmem:s8], [sflag:$0x1] =	stream.indirect_vreg.gather [hbm4b:s7+s3], $0x80, v4, vm0, $0xb8;
	[tilespmem:$0x18200] =	vst v63  }
0x44: {  	s10 =	simm.s32 $0x10A00  }
0x45: {  	[tilespmem:s10], [sflag:$0x1] =	stream.indirect_vreg.gather [hbm4b:s2+s3], $0x80, v3, vm0, $0xb8;
	[tilespmem:$0x18200] =	vst v63  }
0x46: {  	s11 =	simm.s32 $0x11200  }
0x47: {  	[tilespmem:s11], [sflag:$0x1] =	stream.indirect_vreg.gather [hbm4b:s6+s3], $0x80, v3, vm0, $0xb8;
	[tilespmem:$0x18200] =	vst v63  }
0x48: {  	s12 =	simm.s32 $0x11A00  }
0x49: {  	[tilespmem:s12], [sflag:$0x1] =	stream.indirect_vreg.gather [hbm4b:s7+s3], $0x80, v3, vm0, $0xb8;
	[tilespmem:$0x18200] =	vst v63  }
0x4a: {  	v3 =	vld [tilespmem:$0x80];
	_ =	sdelay $0x4  }
0x4b: {  	v62 =	vshrl.u32 v3, $0x3  }
0x4c: {  	v4 =	vmul.u32 $0x30, v62  }
0x4d: {  	v3 =	vand.u32 $0x7, v3  }
0x4e: {  	v3 =	vor.u32 v3, v4  }
0x4f: {  	v4 =	vperm.xlane v3, v0;
	_ =	sdelay $0x1  }
0x50: {  	v4 =	vadd.s32 v1, v4;
	_ =	sdelay $0x3  }
0x51: {  	v3 =	vperm.xlane v3, v2  }
0x52: {  	[tilespmem:s15], [sflag:$0x2] =	stream.indirect_vreg.gather [hbm4b:s2+s3], $0x80, v4, vm0, $0xb8;
	[tilespmem:$0x18200] =	vst v63  }
0x53: {  	s13 =	simm.s32 $0x12A00;
	v3 =	vadd.s32 v1, v3  }
0x54: {  	[tilespmem:s13], [sflag:$0x2] =	stream.indirect_vreg.gather [hbm4b:s6+s3], $0x80, v4, vm0, $0xb8;
	[tilespmem:$0x18200] =	vst v63  }
0x55: {  	s14 =	simm.s32 $0x13200  }
0x56: {  	[tilespmem:s14], [sflag:$0x2] =	stream.indirect_vreg.gather [hbm4b:s7+s3], $0x80, v4, vm0, $0xb8;
	[tilespmem:$0x18200] =	vst v63  }
0x57: {  	s16 =	simm.s32 $0x13A00  }
0x58: {  	[tilespmem:s16], [sflag:$0x2] =	stream.indirect_vreg.gather [hbm4b:s2+s3], $0x80, v3, vm0, $0xb8;
	[tilespmem:$0x18200] =	vst v63  }
0x59: {  	s17 =	simm.s32 $0x14200  }
0x5a: {  	[tilespmem:s17], [sflag:$0x2] =	stream.indirect_vreg.gather [hbm4b:s6+s3], $0x80, v3, vm0, $0xb8;
	[tilespmem:$0x18200] =	vst v63  }
0x5b: {  	s18 =	simm.s32 $0x14A00  }
0x5c: {  	[tilespmem:s18], [sflag:$0x2] =	stream.indirect_vreg.gather [hbm4b:s7+s3], $0x80, v3, vm0, $0xb8;
	[tilespmem:$0x18200] =	vst v63  }
0x5d: {  	v3 =	vld [tilespmem:$0x90];
	_ =	sdelay $0x4  }
0x5e: {  	v63 =	vshrl.u32 v3, $0x3  }
0x5f: {  	v4 =	vmul.u32 $0x30, v63  }
0x60: {  	v3 =	vand.u32 $0x7, v3  }
0x61: {  	v3 =	vor.u32 v3, v4  }
0x62: {  	v4 =	vperm.xlane v3, v0;
	_ =	sdelay $0x1  }
0x63: {  	v4 =	vadd.s32 v1, v4;
	_ =	sdelay $0x3  }
0x64: {  	s19 =	simm.s32 $0x15200;
	v3 =	vperm.xlane v3, v2  }
0x65: {  	[tilespmem:s19], [sflag:$0x2] =	stream.indirect_vreg.gather [hbm4b:s2+s3], $0x80, v4, vm0, $0xb8;
	[tilespmem:$0x18200] =	vst v63  }
0x66: {  	s20 =	simm.s32 $0x15A00;
	v3 =	vadd.s32 v1, v3  }
0x67: {  	[tilespmem:s20], [sflag:$0x2] =	stream.indirect_vreg.gather [hbm4b:s6+s3], $0x80, v4, vm0, $0xb8;
	[tilespmem:$0x18200] =	vst v63  }
0x68: {  	s21 =	simm.s32 $0x16200  }
0x69: {  	[tilespmem:s21], [sflag:$0x2] =	stream.indirect_vreg.gather [hbm4b:s7+s3], $0x80, v4, vm0, $0xb8;
	[tilespmem:$0x18200] =	vst v63  }
0x6a: {  	_ = 	snop  }
0x6b: {  	[tilespmem:s24], [sflag:$0x2] =	stream.indirect_vreg.gather [hbm4b:s2+s3], $0x80, v3, vm0, $0xb8;
	[tilespmem:$0x18200] =	vst v63  }
0x6c: {  	_ = 	snop  }
0x6d: {  	[tilespmem:s25], [sflag:$0x2] =	stream.indirect_vreg.gather [hbm4b:s6+s3], $0x80, v3, vm0, $0xb8;
	[tilespmem:$0x18200] =	vst v63  }
0x6e: {  	s22 =	simm.s32 $0x5  }
0x6f: {  	[tilespmem:s26], [sflag:$0x2] =	stream.indirect_vreg.gather [hbm4b:s7+s3], $0x80, v3, vm0, $0xb8;
	[tilespmem:$0x18200] =	vst v63  }
0x70: {  	_ =	swait.ge [sflag:s22], $0x6000  }
0x71: {  	[sflag:s22] =	ssyncset.done $0x0  }
0x72: {  	s30 =	simm.s32 $0x6200;
	s23 =	rddreg [dreg:$0x7];
	[sflag:s22] =	ssyncadd.s32 $0xFFFFA000  }
0x73: {  	[tilespmem:s30], [sflag:$0x6] =	stream.linear.gather [hbm4b:s23+s3], $0x6000, $0x38;
	[tilespmem:$0x18200] =	vst v63  }
0x74: {  	_ =	swait.ge [sflag:s9], $0x6000  }
0x75: {  	[sflag:s9] =	ssyncset.done $0x0  }
0x76: {  	s4 =	simm.s32 $0x0;
	[sflag:s9] =	ssyncadd.s32 $0xFFFFA000  }
.LBB2_2:
0x77: {  	s5 =	sshrl.u32 s4, $0x3;
	s8 =	sshll.u32 s4, $0x7;
	s10 =	simm.s32 $0x0  }
0x78: {  	s11 =	simm.s32 $0x0;
	s5 =	smul.u32 $0x1800, s5;
	s30 =	sand.u32 $0x380, s8  }
0x79: {  	s12 =	sand.u32 $0x40, s11;
	s10 =	sand.u32 $0x1C00, s10;
	s8 =	sor.u32 $0x30, s30  }
0x7a: {  	s13 =	sadd.s32 s5, s10;
	s11 =	sor.u32 s8, s12  }
0x7b: {  	s14 =	sor.u32 s30, s12;
	s10 =	sor.u32 $0x10, s30;
	s16 =	sor.u32 s13, s11  }
0x7c: {  	s17 =	sor.u32 s10, s12;
	s18 =	sor.u32 s13, s14;
	v3 =	vld [tilespmem:s16+$0x200]  }
0x7d: {  	s11 =	sor.u32 $0x20, s30;
	s19 =	sor.u32 s13, s17;
	v5 =	vld [tilespmem:s18+$0x200]  }
0x7e: {  	s12 =	sor.u32 s11, s12;
	v6 =	vld [tilespmem:s19+$0x200]  }
0x7f: {  	s12 =	sor.u32 s13, s12  }
0x80: {  	s14 =	simm.s32 $0x200;
	s13 =	simm.s32 $0x40;
	v4 =	vld [tilespmem:s12+$0x200]  }
0x81: {  	s21 =	sand.u32 $0x1C00, s14;
	s20 =	sand.u32 $0x40, s13;
	[tilespmem:s16+$0xC200] =	vst.add.f32.msk $0xffff, v3  }
0x82: {  	s21 =	sadd.s32 s5, s21;
	s22 =	sor.u32 s8, s20;
	[tilespmem:s18+$0xC200] =	vst.add.f32.msk $0xffff, v5  }
0x83: {  	s23 =	sor.u32 s30, s20;
	s17 =	sor.u32 s21, s22;
	[tilespmem:s19+$0xC200] =	vst.add.f32.msk $0xffff, v6  }
0x84: {  	s22 =	sor.u32 s10, s20;
	s18 =	sor.u32 s21, s23;
	v6 =	vld [tilespmem:s17+$0x200]  }
0x85: {  	s23 =	sor.u32 s11, s20;
	s16 =	sor.u32 s21, s22;
	v7 =	vld [tilespmem:s18+$0x200]  }
0x86: {  	s19 =	sor.u32 s21, s23;
	v5 =	vld [tilespmem:s16+$0x200]  }
0x87: {  	v3 =	vld [tilespmem:s19+$0x200]  }
.LBB2_3:
0x88: {  	s14 =	sadd.s32 $0x200, s14  }
0x89: {  	s13 =	sadd.s32 $0x40, s13;
	[tilespmem:s12+$0xC200] =	vst.add.f32.msk $0xffff, v4;
	s12 =	smov.u32 s19;
	s20 =	sand.u32 $0x1C00, s14  }
0x8a: {  	s19 =	sand.u32 $0x40, s13;
	p0 =	slt.u32 s13, $0x2C0;
	[tilespmem:s17+$0xC200] =	vst.add.f32.msk $0xffff, v6;
	s20 =	sadd.s32 s5, s20  }
0x8b: {  	s21 =	sor.u32 s30, s19;
	s17 =	sor.u32 s8, s19;
	[tilespmem:s18+$0xC200] =	vst.add.f32.msk $0xffff, v7;
	s22 =	sor.u32 s10, s19  }
.Ltmp0:
0x8c: {  	s19 =	sor.u32 s11, s19;
	s17 =	sor.u32 s20, s17;
	[tilespmem:s16+$0xC200] =	vst.add.f32.msk $0xffff, v5;
	(pc) =	sbr.rel @p0 .LBB2_3-.Ltmp0, $4  }
0x8d: {  	s18 =	sor.u32 s20, s21;
	s16 =	sor.u32 s20, s22;
	s19 =	sor.u32 s20, s19;
	v6 =	vld [tilespmem:s17+$0x200];
	v4 =	vmov v3  }
0x8e: {  	v7 =	vld [tilespmem:s18+$0x200]  }
0x8f: {  	v5 =	vld [tilespmem:s16+$0x200]  }
0x90: {  	v3 =	vld [tilespmem:s19+$0x200]  }
0x91: {  	s4 =	sadd.s32 $0x1, s4  }
0x92: {  	p0 =	sne.s32 s4, $0x20  }
.Ltmp1:
0x93: {  	[tilespmem:s12+$0xC200] =	vst.add.f32.msk $0xffff, v4;
	(pc) =	sbr.rel @p0 .LBB2_2-.Ltmp1, $4  }
0x94: {  	[tilespmem:s17+$0xC200] =	vst.add.f32.msk $0xffff, v6  }
0x95: {  	[tilespmem:s18+$0xC200] =	vst.add.f32.msk $0xffff, v7  }
0x96: {  	[tilespmem:s16+$0xC200] =	vst.add.f32.msk $0xffff, v5  }
0x97: {  	[tilespmem:s19+$0xC200] =	vst.add.f32.msk $0xffff, v3  }
0x98: {  	s30 =	simm.s32 $0x0;
	s4 =	rddreg [dreg:$0x8]  }
0x99: {  	[hbm4b:s4+s30] =	stream.linear.scatter [tilespmem:s31], [sflag:$0x3], $0x6000, $0x38;
	[tilespmem:$0x18200] =	vst v63  }
0x9a: {  	_ =	swait.ge [sflag:s29], $0x6000  }
0x9b: {  	[sflag:s29] =	ssyncset.done $0x0  }
0x9c: {  	[sflag:s29] =	ssyncadd.s32 $0xFFFFA000  }
0x9d: {  	v3 =	vld [tilespmem:$0x100];
	_ =	sdelay $0x4  }
0x9e: {  	v4 =	vshrl.u32 v3, $0x3  }
0x9f: {  	v4 =	vmul.u32 $0x30, v4  }
0xa0: {  	v3 =	vand.u32 $0x7, v3  }
0xa1: {  	v3 =	vor.u32 v3, v4  }
0xa2: {  	v4 =	vperm.xlane v3, v0;
	_ =	sdelay $0x1  }
0xa3: {  	v4 =	vadd.s32 v1, v4;
	_ =	sdelay $0x3  }
0xa4: {  	v3 =	vperm.xlane v3, v2  }
0xa5: {  	[tilespmem:s31], [sflag:$0x1] =	stream.indirect_vreg.gather [hbm4b:s2+s30], $0x80, v4, vm0, $0xb8;
	[tilespmem:$0x18200] =	vst v63  }
0xa6: {  	s12 =	simm.s32 $0xCA00;
	v3 =	vadd.s32 v1, v3  }
0xa7: {  	[tilespmem:s12], [sflag:$0x1] =	stream.indirect_vreg.gather [hbm4b:s6+s30], $0x80, v4, vm0, $0xb8;
	[tilespmem:$0x18200] =	vst v63  }
0xa8: {  	s13 =	simm.s32 $0xD200  }
0xa9: {  	[tilespmem:s13], [sflag:$0x1] =	stream.indirect_vreg.gather [hbm4b:s7+s30], $0x80, v4, vm0, $0xb8;
	[tilespmem:$0x18200] =	vst v63  }
0xaa: {  	s14 =	simm.s32 $0xDA00  }
0xab: {  	[tilespmem:s14], [sflag:$0x1] =	stream.indirect_vreg.gather [hbm4b:s2+s30], $0x80, v3, vm0, $0xb8;
	[tilespmem:$0x18200] =	vst v63  }
0xac: {  	s16 =	simm.s32 $0xE200  }
0xad: {  	[tilespmem:s16], [sflag:$0x1] =	stream.indirect_vreg.gather [hbm4b:s6+s30], $0x80, v3, vm0, $0xb8;
	[tilespmem:$0x18200] =	vst v63  }
0xae: {  	s17 =	simm.s32 $0xEA00  }
0xaf: {  	[tilespmem:s17], [sflag:$0x1] =	stream.indirect_vreg.gather [hbm4b:s7+s30], $0x80, v3, vm0, $0xb8;
	[tilespmem:$0x18200] =	vst v63  }
0xb0: {  	v3 =	vld [tilespmem:$0x110];
	_ =	sdelay $0x4  }
0xb1: {  	v63 =	vshrl.u32 v3, $0x3  }
0xb2: {  	v4 =	vmul.u32 $0x30, v63  }
0xb3: {  	v3 =	vand.u32 $0x7, v3  }
0xb4: {  	v3 =	vor.u32 v3, v4  }
0xb5: {  	v4 =	vperm.xlane v3, v0;
	_ =	sdelay $0x1  }
0xb6: {  	v4 =	vadd.s32 v1, v4;
	_ =	sdelay $0x3  }
0xb7: {  	s18 =	simm.s32 $0xF200;
	v3 =	vperm.xlane v3, v2  }
0xb8: {  	[tilespmem:s18], [sflag:$0x1] =	stream.indirect_vreg.gather [hbm4b:s2+s30], $0x80, v4, vm0, $0xb8;
	[tilespmem:$0x18200] =	vst v63  }
0xb9: {  	s19 =	simm.s32 $0xFA00;
	v3 =	vadd.s32 v1, v3  }
0xba: {  	[tilespmem:s19], [sflag:$0x1] =	stream.indirect_vreg.gather [hbm4b:s6+s30], $0x80, v4, vm0, $0xb8;
	[tilespmem:$0x18200] =	vst v63  }
0xbb: {  	s20 =	simm.s32 $0x10200  }
0xbc: {  	[tilespmem:s20], [sflag:$0x1] =	stream.indirect_vreg.gather [hbm4b:s7+s30], $0x80, v4, vm0, $0xb8;
	[tilespmem:$0x18200] =	vst v63  }
0xbd: {  	s21 =	simm.s32 $0x10A00  }
0xbe: {  	[tilespmem:s21], [sflag:$0x1] =	stream.indirect_vreg.gather [hbm4b:s2+s30], $0x80, v3, vm0, $0xb8;
	[tilespmem:$0x18200] =	vst v63  }
0xbf: {  	s22 =	simm.s32 $0x11200  }
0xc0: {  	[tilespmem:s22], [sflag:$0x1] =	stream.indirect_vreg.gather [hbm4b:s6+s30], $0x80, v3, vm0, $0xb8;
	[tilespmem:$0x18200] =	vst v63  }
0xc1: {  	s23 =	simm.s32 $0x11A00  }
0xc2: {  	[tilespmem:s23], [sflag:$0x1] =	stream.indirect_vreg.gather [hbm4b:s7+s30], $0x80, v3, vm0, $0xb8;
	[tilespmem:$0x18200] =	vst v63  }
0xc3: {  	_ =	swait.ge [sflag:s28], $0x6000  }
0xc4: {  	[sflag:s28] =	ssyncset.done $0x0  }
0xc5: {  	s4 =	simm.s32 $0x0;
	[sflag:s28] =	ssyncadd.s32 $0xFFFFA000  }
.LBB2_6:
0xc6: {  	s5 =	sshrl.u32 s4, $0x3  }
0xc7: {  	s8 =	sshll.u32 s4, $0x7;
	s5 =	smul.u32 $0x1800, s5  }
0xc8: {  	s8 =	sand.u32 $0x380, s8  }
0xc9: {  	s10 =	simm.s32 $0x0;
	s8 =	sor.u32 s8, s5  }
0xca: {  	s19 =	sand.u32 $0x1C00, s30;
	s12 =	sand.u32 $0x40, s10;
	s5 =	sadd.s32 $0x200, s8  }
0xcb: {  	s13 =	sor.u32 $0x10, s12;
	s11 =	sadd.s32 s19, s5  }
0xcc: {  	s16 =	sor.u32 $0x20, s12;
	s14 =	sadd.s32 s13, s11  }
0xcd: {  	s17 =	sor.u32 $0x30, s12;
	s20 =	sadd.s32 s16, s11;
	v4 =	vld [tilespmem:s14+$0x0]  }
0xce: {  	s21 =	sadd.s32 s17, s11;
	v5 =	vld [tilespmem:s20+$0x0]  }
0xcf: {  	s8 =	sadd.s32 $0x12200, s8;
	v6 =	vld [tilespmem:s21+$0x0]  }
0xd0: {  	s11 =	sadd.s32 s12, s11;
	s14 =	sadd.s32 s19, s8  }
0xd1: {  	s10 =	simm.s32 $0x40;
	v3 =	vld [tilespmem:s11+$0x0];
	s11 =	simm.s32 $0x200;
	s13 =	sadd.s32 s13, s14  }
0xd2: {  	s18 =	sand.u32 $0x40, s10;
	s16 =	sadd.s32 s16, s14;
	s19 =	sand.u32 $0x1C00, s11;
	[tilespmem:s13+$0x0] =	vst.add.f32.msk $0xffff, v4  }
0xd3: {  	s20 =	sor.u32 $0x10, s18;
	s22 =	sadd.s32 s17, s14;
	s17 =	sadd.s32 s19, s5;
	[tilespmem:s16+$0x0] =	vst.add.f32.msk $0xffff, v5  }
0xd4: {  	s21 =	sor.u32 $0x20, s18;
	s23 =	sadd.s32 s20, s17;
	[tilespmem:s22+$0x0] =	vst.add.f32.msk $0xffff, v6  }
0xd5: {  	s22 =	sor.u32 $0x30, s18;
	v4 =	vld [tilespmem:s23+$0x0];
	s23 =	sadd.s32 s21, s17  }
0xd6: {  	s19 =	sadd.s32 s19, s8;
	v5 =	vld [tilespmem:s23+$0x0];
	s13 =	sadd.s32 s22, s17  }
0xd7: {  	s12 =	sadd.s32 s12, s14;
	s16 =	sadd.s32 s20, s19;
	s23 =	sadd.s32 s18, s17;
	v7 =	vld [tilespmem:s13+$0x0]  }
0xd8: {  	s17 =	sadd.s32 s18, s19;
	s14 =	sadd.s32 s22, s19;
	s13 =	sadd.s32 s21, s19;
	v6 =	vld [tilespmem:s23+$0x0]  }
.LBB2_7:
0xd9: {  	s10 =	sadd.s32 $0x40, s10;
	s11 =	sadd.s32 $0x200, s11;
	[tilespmem:s12+$0x0] =	vst.add.f32.msk $0xffff, v3;
	s12 =	smov.u32 s17  }
0xda: {  	s17 =	sand.u32 $0x40, s10;
	s18 =	sand.u32 $0x1C00, s11;
	p0 =	slt.u32 s10, $0x2C0;
	[tilespmem:s16+$0x0] =	vst.add.f32.msk $0xffff, v4  }
0xdb: {  	s19 =	sadd.s32 s18, s5;
	s16 =	sor.u32 $0x10, s17;
	s20 =	sor.u32 $0x30, s17;
	[tilespmem:s13+$0x0] =	vst.add.f32.msk $0xffff, v5  }
.Ltmp2:
0xdc: {  	s21 =	sor.u32 $0x20, s17;
	s13 =	sadd.s32 s16, s19;
	[tilespmem:s14+$0x0] =	vst.add.f32.msk $0xffff, v7;
	(pc) =	sbr.rel @p0 .LBB2_7-.Ltmp2, $4  }
0xdd: {  	s22 =	sadd.s32 s17, s19;
	s14 =	sadd.s32 s18, s8;
	v4 =	vld [tilespmem:s13+$0x0];
	s13 =	sadd.s32 s21, s19;
	v3 =	vmov v6  }
0xde: {  	s18 =	sadd.s32 s20, s19;
	s16 =	sadd.s32 s16, s14;
	v5 =	vld [tilespmem:s13+$0x0];
	s13 =	sadd.s32 s21, s14  }
0xdf: {  	s17 =	sadd.s32 s17, s14;
	s14 =	sadd.s32 s20, s14;
	v7 =	vld [tilespmem:s18+$0x0]  }
0xe0: {  	v6 =	vld [tilespmem:s22+$0x0]  }
0xe1: {  	s4 =	sadd.s32 $0x1, s4  }
0xe2: {  	p0 =	sne.s32 s4, $0x20  }
.Ltmp3:
0xe3: {  	[tilespmem:s12+$0x0] =	vst.add.f32.msk $0xffff, v3;
	(pc) =	sbr.rel @p0 .LBB2_6-.Ltmp3, $4  }
0xe4: {  	[tilespmem:s16+$0x0] =	vst.add.f32.msk $0xffff, v4  }
0xe5: {  	[tilespmem:s13+$0x0] =	vst.add.f32.msk $0xffff, v5  }
0xe6: {  	[tilespmem:s14+$0x0] =	vst.add.f32.msk $0xffff, v7  }
0xe7: {  	[tilespmem:s17+$0x0] =	vst.add.f32.msk $0xffff, v6  }
0xe8: {  	s30 =	simm.s32 $0x0;
	s4 =	rddreg [dreg:$0x9]  }
0xe9: {  	[hbm4b:s4+s30] =	stream.linear.scatter [tilespmem:s15], [sflag:$0x4], $0x6000, $0x38;
	[tilespmem:$0x18200] =	vst v63  }
0xea: {  	_ =	swait.ge [sflag:s0], $0x6000  }
0xeb: {  	[sflag:s0] =	ssyncset.done $0x0  }
0xec: {  	[sflag:s0] =	ssyncadd.s32 $0xFFFFA000  }
0xed: {  	v3 =	vld [tilespmem:$0x180];
	_ =	sdelay $0x4  }
0xee: {  	v4 =	vshrl.u32 v3, $0x3  }
0xef: {  	v4 =	vmul.u32 $0x30, v4  }
0xf0: {  	v3 =	vand.u32 $0x7, v3  }
0xf1: {  	v3 =	vor.u32 v3, v4  }
0xf2: {  	v4 =	vperm.xlane v3, v0;
	_ =	sdelay $0x1  }
0xf3: {  	v4 =	vadd.s32 v1, v4;
	_ =	sdelay $0x3  }
0xf4: {  	v3 =	vperm.xlane v3, v2  }
0xf5: {  	[tilespmem:s15], [sflag:$0x2] =	stream.indirect_vreg.gather [hbm4b:s2+s30], $0x80, v4, vm0, $0xb8;
	[tilespmem:$0x18200] =	vst v63  }
0xf6: {  	s16 =	simm.s32 $0x12A00;
	v3 =	vadd.s32 v1, v3  }
0xf7: {  	[tilespmem:s16], [sflag:$0x2] =	stream.indirect_vreg.gather [hbm4b:s6+s30], $0x80, v4, vm0, $0xb8;
	[tilespmem:$0x18200] =	vst v63  }
0xf8: {  	s17 =	simm.s32 $0x13200  }
0xf9: {  	[tilespmem:s17], [sflag:$0x2] =	stream.indirect_vreg.gather [hbm4b:s7+s30], $0x80, v4, vm0, $0xb8;
	[tilespmem:$0x18200] =	vst v63  }
0xfa: {  	s18 =	simm.s32 $0x13A00  }
0xfb: {  	[tilespmem:s18], [sflag:$0x2] =	stream.indirect_vreg.gather [hbm4b:s2+s30], $0x80, v3, vm0, $0xb8;
	[tilespmem:$0x18200] =	vst v63  }
0xfc: {  	s19 =	simm.s32 $0x14200  }
0xfd: {  	[tilespmem:s19], [sflag:$0x2] =	stream.indirect_vreg.gather [hbm4b:s6+s30], $0x80, v3, vm0, $0xb8;
	[tilespmem:$0x18200] =	vst v63  }
0xfe: {  	s20 =	simm.s32 $0x14A00  }
0xff: {  	[tilespmem:s20], [sflag:$0x2] =	stream.indirect_vreg.gather [hbm4b:s7+s30], $0x80, v3, vm0, $0xb8;
	[tilespmem:$0x18200] =	vst v63  }
0x100: {  	v3 =	vld [tilespmem:$0x190];
	_ =	sdelay $0x4  }
0x101: {  	v63 =	vshrl.u32 v3, $0x3  }
0x102: {  	v4 =	vmul.u32 $0x30, v63  }
0x103: {  	v3 =	vand.u32 $0x7, v3  }
0x104: {  	v3 =	vor.u32 v3, v4  }
0x105: {  	v4 =	vperm.xlane v3, v0;
	_ =	sdelay $0x1  }
0x106: {  	v4 =	vadd.s32 v1, v4;
	_ =	sdelay $0x3  }
0x107: {  	s21 =	simm.s32 $0x15200;
	v3 =	vperm.xlane v3, v2  }
0x108: {  	[tilespmem:s21], [sflag:$0x2] =	stream.indirect_vreg.gather [hbm4b:s2+s30], $0x80, v4, vm0, $0xb8;
	[tilespmem:$0x18200] =	vst v63  }
0x109: {  	s22 =	simm.s32 $0x15A00;
	v3 =	vadd.s32 v1, v3  }
0x10a: {  	[tilespmem:s22], [sflag:$0x2] =	stream.indirect_vreg.gather [hbm4b:s6+s30], $0x80, v4, vm0, $0xb8;
	[tilespmem:$0x18200] =	vst v63  }
0x10b: {  	s23 =	simm.s32 $0x16200  }
0x10c: {  	[tilespmem:s23], [sflag:$0x2] =	stream.indirect_vreg.gather [hbm4b:s7+s30], $0x80, v4, vm0, $0xb8;
	[tilespmem:$0x18200] =	vst v63  }
0x10d: {  	_ = 	snop  }
0x10e: {  	[tilespmem:s24], [sflag:$0x2] =	stream.indirect_vreg.gather [hbm4b:s2+s30], $0x80, v3, vm0, $0xb8;
	[tilespmem:$0x18200] =	vst v63  }
0x10f: {  	_ = 	snop  }
0x110: {  	[tilespmem:s25], [sflag:$0x2] =	stream.indirect_vreg.gather [hbm4b:s6+s30], $0x80, v3, vm0, $0xb8;
	[tilespmem:$0x18200] =	vst v63  }
0x111: {  	_ = 	snop  }
0x112: {  	[tilespmem:s26], [sflag:$0x2] =	stream.indirect_vreg.gather [hbm4b:s7+s30], $0x80, v3, vm0, $0xb8;
	[tilespmem:$0x18200] =	vst v63  }
0x113: {  	_ =	swait.ge [sflag:s9], $0x6000  }
0x114: {  	[sflag:s9] =	ssyncset.done $0x0  }
0x115: {  	s4 =	simm.s32 $0x0;
	[sflag:s9] =	ssyncadd.s32 $0xFFFFA000  }
.LBB2_10:
0x116: {  	s5 =	sshrl.u32 s4, $0x3;
	s8 =	sshll.u32 s4, $0x7  }
0x117: {  	s11 =	simm.s32 $0x0;
	s5 =	smul.u32 $0x1800, s5;
	s8 =	sand.u32 $0x380, s8  }
0x118: {  	s22 =	sand.u32 $0x1C00, s30;
	s13 =	sand.u32 $0x40, s11;
	s10 =	sor.u32 $0x30, s8  }
0x119: {  	s14 =	sadd.s32 s5, s22;
	s12 =	sor.u32 s10, s13  }
0x11a: {  	s11 =	sor.u32 $0x10, s8;
	s16 =	sor.u32 s8, s13;
	s17 =	sor.u32 s14, s12  }
0x11b: {  	s18 =	sor.u32 s11, s13;
	s19 =	sor.u32 s14, s16;
	v3 =	vld [tilespmem:s17+$0x200]  }
0x11c: {  	s12 =	sor.u32 $0x20, s8;
	s20 =	sor.u32 s14, s18;
	v5 =	vld [tilespmem:s19+$0x200]  }
0x11d: {  	s13 =	sor.u32 s12, s13;
	v6 =	vld [tilespmem:s20+$0x200]  }
0x11e: {  	s13 =	sor.u32 s14, s13  }
0x11f: {  	s16 =	simm.s32 $0x200;
	s14 =	simm.s32 $0x40;
	v4 =	vld [tilespmem:s13+$0x200]  }
0x120: {  	s23 =	sand.u32 $0x1C00, s16;
	s21 =	sand.u32 $0x40, s14;
	[tilespmem:s17+$0xC200] =	vst.add.f32.msk $0xffff, v3  }
0x121: {  	s22 =	sadd.s32 s5, s23;
	s18 =	sor.u32 s10, s21;
	[tilespmem:s19+$0xC200] =	vst.add.f32.msk $0xffff, v5  }
0x122: {  	s23 =	sor.u32 s8, s21;
	s18 =	sor.u32 s22, s18;
	[tilespmem:s20+$0xC200] =	vst.add.f32.msk $0xffff, v6  }
0x123: {  	s20 =	sor.u32 s11, s21;
	s19 =	sor.u32 s22, s23;
	v6 =	vld [tilespmem:s18+$0x200]  }
0x124: {  	s23 =	sor.u32 s12, s21;
	s17 =	sor.u32 s22, s20;
	v7 =	vld [tilespmem:s19+$0x200]  }
0x125: {  	s20 =	sor.u32 s22, s23;
	v5 =	vld [tilespmem:s17+$0x200]  }
0x126: {  	v3 =	vld [tilespmem:s20+$0x200]  }
.LBB2_11:
0x127: {  	s16 =	sadd.s32 $0x200, s16  }
0x128: {  	s14 =	sadd.s32 $0x40, s14;
	[tilespmem:s13+$0xC200] =	vst.add.f32.msk $0xffff, v4;
	s13 =	smov.u32 s20;
	s21 =	sand.u32 $0x1C00, s16  }
0x129: {  	s20 =	sand.u32 $0x40, s14;
	p0 =	slt.u32 s14, $0x2C0;
	[tilespmem:s18+$0xC200] =	vst.add.f32.msk $0xffff, v6;
	s21 =	sadd.s32 s5, s21  }
0x12a: {  	s22 =	sor.u32 s8, s20;
	s18 =	sor.u32 s10, s20;
	[tilespmem:s19+$0xC200] =	vst.add.f32.msk $0xffff, v7;
	s23 =	sor.u32 s11, s20  }
.Ltmp4:
0x12b: {  	s20 =	sor.u32 s12, s20;
	s18 =	sor.u32 s21, s18;
	[tilespmem:s17+$0xC200] =	vst.add.f32.msk $0xffff, v5;
	(pc) =	sbr.rel @p0 .LBB2_11-.Ltmp4, $4  }
0x12c: {  	s19 =	sor.u32 s21, s22;
	s17 =	sor.u32 s21, s23;
	s20 =	sor.u32 s21, s20;
	v6 =	vld [tilespmem:s18+$0x200];
	v4 =	vmov v3  }
0x12d: {  	v7 =	vld [tilespmem:s19+$0x200]  }
0x12e: {  	v5 =	vld [tilespmem:s17+$0x200]  }
0x12f: {  	v3 =	vld [tilespmem:s20+$0x200]  }
0x130: {  	s4 =	sadd.s32 $0x1, s4  }
0x131: {  	p0 =	sne.s32 s4, $0x20  }
.Ltmp5:
0x132: {  	[tilespmem:s13+$0xC200] =	vst.add.f32.msk $0xffff, v4;
	(pc) =	sbr.rel @p0 .LBB2_10-.Ltmp5, $4  }
0x133: {  	[tilespmem:s18+$0xC200] =	vst.add.f32.msk $0xffff, v6  }
0x134: {  	[tilespmem:s19+$0xC200] =	vst.add.f32.msk $0xffff, v7  }
0x135: {  	[tilespmem:s17+$0xC200] =	vst.add.f32.msk $0xffff, v5  }
0x136: {  	[tilespmem:s20+$0xC200] =	vst.add.f32.msk $0xffff, v3  }
0x137: {  	s30 =	simm.s32 $0x0;
	s4 =	rddreg [dreg:$0xa]  }
0x138: {  	[hbm4b:s4+s30] =	stream.linear.scatter [tilespmem:s31], [sflag:$0x3], $0x6000, $0x38;
	[tilespmem:$0x18200] =	vst v63  }
0x139: {  	_ =	swait.ge [sflag:s29], $0x6000  }
0x13a: {  	[sflag:s29] =	ssyncset.done $0x0  }
0x13b: {  	[sflag:s29] =	ssyncadd.s32 $0xFFFFA000  }
0x13c: {  	v3 =	vld [tilespmem:$0x20];
	_ =	sdelay $0x4  }
0x13d: {  	v4 =	vshrl.u32 v3, $0x3  }
0x13e: {  	v4 =	vmul.u32 $0x30, v4  }
0x13f: {  	v3 =	vand.u32 $0x7, v3  }
0x140: {  	v3 =	vor.u32 v3, v4  }
0x141: {  	v4 =	vperm.xlane v3, v0;
	_ =	sdelay $0x1  }
0x142: {  	v4 =	vadd.s32 v1, v4;
	_ =	sdelay $0x3  }
0x143: {  	v3 =	vperm.xlane v3, v2  }
0x144: {  	[tilespmem:s31], [sflag:$0x1] =	stream.indirect_vreg.gather [hbm4b:s2+s30], $0x80, v4, vm0, $0xb8;
	[tilespmem:$0x18200] =	vst v63  }
0x145: {  	s12 =	simm.s32 $0xCA00;
	v3 =	vadd.s32 v1, v3  }
0x146: {  	[tilespmem:s12], [sflag:$0x1] =	stream.indirect_vreg.gather [hbm4b:s6+s30], $0x80, v4, vm0, $0xb8;
	[tilespmem:$0x18200] =	vst v63  }
0x147: {  	s13 =	simm.s32 $0xD200  }
0x148: {  	[tilespmem:s13], [sflag:$0x1] =	stream.indirect_vreg.gather [hbm4b:s7+s30], $0x80, v4, vm0, $0xb8;
	[tilespmem:$0x18200] =	vst v63  }
0x149: {  	s14 =	simm.s32 $0xDA00  }
0x14a: {  	[tilespmem:s14], [sflag:$0x1] =	stream.indirect_vreg.gather [hbm4b:s2+s30], $0x80, v3, vm0, $0xb8;
	[tilespmem:$0x18200] =	vst v63  }
0x14b: {  	s16 =	simm.s32 $0xE200  }
0x14c: {  	[tilespmem:s16], [sflag:$0x1] =	stream.indirect_vreg.gather [hbm4b:s6+s30], $0x80, v3, vm0, $0xb8;
	[tilespmem:$0x18200] =	vst v63  }
0x14d: {  	s17 =	simm.s32 $0xEA00  }
0x14e: {  	[tilespmem:s17], [sflag:$0x1] =	stream.indirect_vreg.gather [hbm4b:s7+s30], $0x80, v3, vm0, $0xb8;
	[tilespmem:$0x18200] =	vst v63  }
0x14f: {  	v3 =	vld [tilespmem:$0x30];
	_ =	sdelay $0x4  }
0x150: {  	v63 =	vshrl.u32 v3, $0x3  }
0x151: {  	v4 =	vmul.u32 $0x30, v63  }
0x152: {  	v3 =	vand.u32 $0x7, v3  }
0x153: {  	v3 =	vor.u32 v3, v4  }
0x154: {  	v4 =	vperm.xlane v3, v0;
	_ =	sdelay $0x1  }
0x155: {  	v4 =	vadd.s32 v1, v4;
	_ =	sdelay $0x3  }
0x156: {  	s18 =	simm.s32 $0xF200;
	v3 =	vperm.xlane v3, v2  }
0x157: {  	[tilespmem:s18], [sflag:$0x1] =	stream.indirect_vreg.gather [hbm4b:s2+s30], $0x80, v4, vm0, $0xb8;
	[tilespmem:$0x18200] =	vst v63  }
0x158: {  	s19 =	simm.s32 $0xFA00;
	v3 =	vadd.s32 v1, v3  }
0x159: {  	[tilespmem:s19], [sflag:$0x1] =	stream.indirect_vreg.gather [hbm4b:s6+s30], $0x80, v4, vm0, $0xb8;
	[tilespmem:$0x18200] =	vst v63  }
0x15a: {  	s20 =	simm.s32 $0x10200  }
0x15b: {  	[tilespmem:s20], [sflag:$0x1] =	stream.indirect_vreg.gather [hbm4b:s7+s30], $0x80, v4, vm0, $0xb8;
	[tilespmem:$0x18200] =	vst v63  }
0x15c: {  	s21 =	simm.s32 $0x10A00  }
0x15d: {  	[tilespmem:s21], [sflag:$0x1] =	stream.indirect_vreg.gather [hbm4b:s2+s30], $0x80, v3, vm0, $0xb8;
	[tilespmem:$0x18200] =	vst v63  }
0x15e: {  	s22 =	simm.s32 $0x11200  }
0x15f: {  	[tilespmem:s22], [sflag:$0x1] =	stream.indirect_vreg.gather [hbm4b:s6+s30], $0x80, v3, vm0, $0xb8;
	[tilespmem:$0x18200] =	vst v63  }
0x160: {  	s23 =	simm.s32 $0x11A00  }
0x161: {  	[tilespmem:s23], [sflag:$0x1] =	stream.indirect_vreg.gather [hbm4b:s7+s30], $0x80, v3, vm0, $0xb8;
	[tilespmem:$0x18200] =	vst v63  }
0x162: {  	_ =	swait.ge [sflag:s28], $0x6000  }
0x163: {  	[sflag:s28] =	ssyncset.done $0x0  }
0x164: {  	s4 =	simm.s32 $0x0;
	[sflag:s28] =	ssyncadd.s32 $0xFFFFA000  }
.LBB2_14:
0x165: {  	s5 =	sshrl.u32 s4, $0x3  }
0x166: {  	s8 =	sshll.u32 s4, $0x7;
	s5 =	smul.u32 $0x1800, s5  }
0x167: {  	s8 =	sand.u32 $0x380, s8  }
0x168: {  	s10 =	simm.s32 $0x0;
	s8 =	sor.u32 s8, s5  }
0x169: {  	s19 =	sand.u32 $0x1C00, s30;
	s12 =	sand.u32 $0x40, s10;
	s5 =	sadd.s32 $0x200, s8  }
0x16a: {  	s13 =	sor.u32 $0x10, s12;
	s11 =	sadd.s32 s19, s5  }
0x16b: {  	s16 =	sor.u32 $0x20, s12;
	s14 =	sadd.s32 s13, s11  }
0x16c: {  	s17 =	sor.u32 $0x30, s12;
	s20 =	sadd.s32 s16, s11;
	v4 =	vld [tilespmem:s14+$0x0]  }
0x16d: {  	s21 =	sadd.s32 s17, s11;
	v5 =	vld [tilespmem:s20+$0x0]  }
0x16e: {  	s8 =	sadd.s32 $0x12200, s8;
	v6 =	vld [tilespmem:s21+$0x0]  }
0x16f: {  	s11 =	sadd.s32 s12, s11;
	s14 =	sadd.s32 s19, s8  }
0x170: {  	s10 =	simm.s32 $0x40;
	v3 =	vld [tilespmem:s11+$0x0];
	s11 =	simm.s32 $0x200;
	s13 =	sadd.s32 s13, s14  }
0x171: {  	s18 =	sand.u32 $0x40, s10;
	s16 =	sadd.s32 s16, s14;
	s19 =	sand.u32 $0x1C00, s11;
	[tilespmem:s13+$0x0] =	vst.add.f32.msk $0xffff, v4  }
0x172: {  	s20 =	sor.u32 $0x10, s18;
	s22 =	sadd.s32 s17, s14;
	s17 =	sadd.s32 s19, s5;
	[tilespmem:s16+$0x0] =	vst.add.f32.msk $0xffff, v5  }
0x173: {  	s21 =	sor.u32 $0x20, s18;
	s23 =	sadd.s32 s20, s17;
	[tilespmem:s22+$0x0] =	vst.add.f32.msk $0xffff, v6  }
0x174: {  	s22 =	sor.u32 $0x30, s18;
	v4 =	vld [tilespmem:s23+$0x0];
	s23 =	sadd.s32 s21, s17  }
0x175: {  	s19 =	sadd.s32 s19, s8;
	v5 =	vld [tilespmem:s23+$0x0];
	s13 =	sadd.s32 s22, s17  }
0x176: {  	s12 =	sadd.s32 s12, s14;
	s16 =	sadd.s32 s20, s19;
	s23 =	sadd.s32 s18, s17;
	v7 =	vld [tilespmem:s13+$0x0]  }
0x177: {  	s17 =	sadd.s32 s18, s19;
	s14 =	sadd.s32 s22, s19;
	s13 =	sadd.s32 s21, s19;
	v6 =	vld [tilespmem:s23+$0x0]  }
.LBB2_15:
0x178: {  	s10 =	sadd.s32 $0x40, s10;
	s11 =	sadd.s32 $0x200, s11;
	[tilespmem:s12+$0x0] =	vst.add.f32.msk $0xffff, v3;
	s12 =	smov.u32 s17  }
0x179: {  	s17 =	sand.u32 $0x40, s10;
	s18 =	sand.u32 $0x1C00, s11;
	p0 =	slt.u32 s10, $0x2C0;
	[tilespmem:s16+$0x0] =	vst.add.f32.msk $0xffff, v4  }
0x17a: {  	s19 =	sadd.s32 s18, s5;
	s16 =	sor.u32 $0x10, s17;
	s20 =	sor.u32 $0x30, s17;
	[tilespmem:s13+$0x0] =	vst.add.f32.msk $0xffff, v5  }
.Ltmp6:
0x17b: {  	s21 =	sor.u32 $0x20, s17;
	s13 =	sadd.s32 s16, s19;
	[tilespmem:s14+$0x0] =	vst.add.f32.msk $0xffff, v7;
	(pc) =	sbr.rel @p0 .LBB2_15-.Ltmp6, $4  }
0x17c: {  	s22 =	sadd.s32 s17, s19;
	s14 =	sadd.s32 s18, s8;
	v4 =	vld [tilespmem:s13+$0x0];
	s13 =	sadd.s32 s21, s19;
	v3 =	vmov v6  }
0x17d: {  	s18 =	sadd.s32 s20, s19;
	s16 =	sadd.s32 s16, s14;
	v5 =	vld [tilespmem:s13+$0x0];
	s13 =	sadd.s32 s21, s14  }
0x17e: {  	s17 =	sadd.s32 s17, s14;
	s14 =	sadd.s32 s20, s14;
	v7 =	vld [tilespmem:s18+$0x0]  }
0x17f: {  	v6 =	vld [tilespmem:s22+$0x0]  }
0x180: {  	s4 =	sadd.s32 $0x1, s4  }
0x181: {  	p0 =	sne.s32 s4, $0x20  }
.Ltmp7:
0x182: {  	[tilespmem:s12+$0x0] =	vst.add.f32.msk $0xffff, v3;
	(pc) =	sbr.rel @p0 .LBB2_14-.Ltmp7, $4  }
0x183: {  	[tilespmem:s16+$0x0] =	vst.add.f32.msk $0xffff, v4  }
0x184: {  	[tilespmem:s13+$0x0] =	vst.add.f32.msk $0xffff, v5  }
0x185: {  	[tilespmem:s14+$0x0] =	vst.add.f32.msk $0xffff, v7  }
0x186: {  	[tilespmem:s17+$0x0] =	vst.add.f32.msk $0xffff, v6  }
0x187: {  	s30 =	simm.s32 $0x0;
	s4 =	rddreg [dreg:$0xb];
	s13 =	simm.s32 $0x6  }
0x188: {  	[hbm4b:s4+s30] =	stream.linear.scatter [tilespmem:s15], [sflag:$0x4], $0x6000, $0x38;
	[tilespmem:$0x18200] =	vst v63  }
0x189: {  	_ =	swait.ge [sflag:s13], $0x6000  }
0x18a: {  	[sflag:s13] =	ssyncset.done $0x0  }
0x18b: {  	s5 =	simm.s32 $0x200;
	s14 =	rddreg [dreg:$0xc];
	[sflag:s13] =	ssyncadd.s32 $0xFFFFA000  }
0x18c: {  	[tilespmem:s5], [sflag:$0x5] =	stream.linear.gather [hbm4b:s14+s30], $0x6000, $0x38;
	[tilespmem:$0x18200] =	vst v63  }
0x18d: {  	_ =	swait.ge [sflag:s0], $0x6000  }
0x18e: {  	[sflag:s0] =	ssyncset.done $0x0  }
0x18f: {  	[sflag:s0] =	ssyncadd.s32 $0xFFFFA000  }
0x190: {  	v3 =	vld [tilespmem:$0xA0];
	_ =	sdelay $0x4  }
0x191: {  	v4 =	vshrl.u32 v3, $0x3  }
0x192: {  	v4 =	vmul.u32 $0x30, v4  }
0x193: {  	v3 =	vand.u32 $0x7, v3  }
0x194: {  	v3 =	vor.u32 v3, v4  }
0x195: {  	v4 =	vperm.xlane v3, v0;
	_ =	sdelay $0x1  }
0x196: {  	v4 =	vadd.s32 v1, v4;
	_ =	sdelay $0x3  }
0x197: {  	v3 =	vperm.xlane v3, v2  }
0x198: {  	[tilespmem:s15], [sflag:$0x2] =	stream.indirect_vreg.gather [hbm4b:s2+s30], $0x80, v4, vm0, $0xb8;
	[tilespmem:$0x18200] =	vst v63  }
0x199: {  	s16 =	simm.s32 $0x12A00;
	v3 =	vadd.s32 v1, v3  }
0x19a: {  	[tilespmem:s16], [sflag:$0x2] =	stream.indirect_vreg.gather [hbm4b:s6+s30], $0x80, v4, vm0, $0xb8;
	[tilespmem:$0x18200] =	vst v63  }
0x19b: {  	s17 =	simm.s32 $0x13200  }
0x19c: {  	[tilespmem:s17], [sflag:$0x2] =	stream.indirect_vreg.gather [hbm4b:s7+s30], $0x80, v4, vm0, $0xb8;
	[tilespmem:$0x18200] =	vst v63  }
0x19d: {  	s18 =	simm.s32 $0x13A00  }
0x19e: {  	[tilespmem:s18], [sflag:$0x2] =	stream.indirect_vreg.gather [hbm4b:s2+s30], $0x80, v3, vm0, $0xb8;
	[tilespmem:$0x18200] =	vst v63  }
0x19f: {  	s19 =	simm.s32 $0x14200  }
0x1a0: {  	[tilespmem:s19], [sflag:$0x2] =	stream.indirect_vreg.gather [hbm4b:s6+s30], $0x80, v3, vm0, $0xb8;
	[tilespmem:$0x18200] =	vst v63  }
0x1a1: {  	s20 =	simm.s32 $0x14A00  }
0x1a2: {  	[tilespmem:s20], [sflag:$0x2] =	stream.indirect_vreg.gather [hbm4b:s7+s30], $0x80, v3, vm0, $0xb8;
	[tilespmem:$0x18200] =	vst v63  }
0x1a3: {  	v3 =	vld [tilespmem:$0xB0];
	_ =	sdelay $0x4  }
0x1a4: {  	v63 =	vshrl.u32 v3, $0x3  }
0x1a5: {  	v4 =	vmul.u32 $0x30, v63  }
0x1a6: {  	v3 =	vand.u32 $0x7, v3  }
0x1a7: {  	v3 =	vor.u32 v3, v4  }
0x1a8: {  	v4 =	vperm.xlane v3, v0;
	_ =	sdelay $0x1  }
0x1a9: {  	v4 =	vadd.s32 v1, v4;
	_ =	sdelay $0x3  }
0x1aa: {  	s21 =	simm.s32 $0x15200;
	v3 =	vperm.xlane v3, v2  }
0x1ab: {  	[tilespmem:s21], [sflag:$0x2] =	stream.indirect_vreg.gather [hbm4b:s2+s30], $0x80, v4, vm0, $0xb8;
	[tilespmem:$0x18200] =	vst v63  }
0x1ac: {  	s22 =	simm.s32 $0x15A00;
	v3 =	vadd.s32 v1, v3  }
0x1ad: {  	[tilespmem:s22], [sflag:$0x2] =	stream.indirect_vreg.gather [hbm4b:s6+s30], $0x80, v4, vm0, $0xb8;
	[tilespmem:$0x18200] =	vst v63  }
0x1ae: {  	s23 =	simm.s32 $0x16200  }
0x1af: {  	[tilespmem:s23], [sflag:$0x2] =	stream.indirect_vreg.gather [hbm4b:s7+s30], $0x80, v4, vm0, $0xb8;
	[tilespmem:$0x18200] =	vst v63  }
0x1b0: {  	_ = 	snop  }
0x1b1: {  	[tilespmem:s24], [sflag:$0x2] =	stream.indirect_vreg.gather [hbm4b:s2+s30], $0x80, v3, vm0, $0xb8;
	[tilespmem:$0x18200] =	vst v63  }
0x1b2: {  	_ = 	snop  }
0x1b3: {  	[tilespmem:s25], [sflag:$0x2] =	stream.indirect_vreg.gather [hbm4b:s6+s30], $0x80, v3, vm0, $0xb8;
	[tilespmem:$0x18200] =	vst v63  }
0x1b4: {  	_ = 	snop  }
0x1b5: {  	[tilespmem:s26], [sflag:$0x2] =	stream.indirect_vreg.gather [hbm4b:s7+s30], $0x80, v3, vm0, $0xb8;
	[tilespmem:$0x18200] =	vst v63  }
0x1b6: {  	_ =	swait.ge [sflag:s9], $0x6000  }
0x1b7: {  	[sflag:s9] =	ssyncset.done $0x0  }
0x1b8: {  	s4 =	simm.s32 $0x0;
	[sflag:s9] =	ssyncadd.s32 $0xFFFFA000  }
.LBB2_18:
0x1b9: {  	s5 =	sshrl.u32 s4, $0x3  }
0x1ba: {  	s8 =	sshll.u32 s4, $0x7;
	s5 =	smul.u32 $0x1800, s5  }
0x1bb: {  	s8 =	sand.u32 $0x380, s8  }
0x1bc: {  	s10 =	simm.s32 $0x0;
	s8 =	sor.u32 s8, s5  }
0x1bd: {  	s19 =	sand.u32 $0x1C00, s30;
	s12 =	sand.u32 $0x40, s10;
	s5 =	sadd.s32 $0x6200, s8  }
0x1be: {  	s13 =	sor.u32 $0x10, s12;
	s11 =	sadd.s32 s19, s5  }
0x1bf: {  	s16 =	sor.u32 $0x20, s12;
	s14 =	sadd.s32 s13, s11  }
0x1c0: {  	s17 =	sor.u32 $0x30, s12;
	s20 =	sadd.s32 s16, s11;
	v4 =	vld [tilespmem:s14+$0x0]  }
0x1c1: {  	s21 =	sadd.s32 s17, s11;
	v5 =	vld [tilespmem:s20+$0x0]  }
0x1c2: {  	s8 =	sadd.s32 $0xC200, s8;
	v6 =	vld [tilespmem:s21+$0x0]  }
0x1c3: {  	s11 =	sadd.s32 s12, s11;
	s14 =	sadd.s32 s19, s8  }
0x1c4: {  	s10 =	simm.s32 $0x40;
	v3 =	vld [tilespmem:s11+$0x0];
	s11 =	simm.s32 $0x200;
	s13 =	sadd.s32 s13, s14  }
0x1c5: {  	s18 =	sand.u32 $0x40, s10;
	s16 =	sadd.s32 s16, s14;
	s19 =	sand.u32 $0x1C00, s11;
	[tilespmem:s13+$0x0] =	vst.add.f32.msk $0xffff, v4  }
0x1c6: {  	s20 =	sor.u32 $0x10, s18;
	s22 =	sadd.s32 s17, s14;
	s17 =	sadd.s32 s19, s5;
	[tilespmem:s16+$0x0] =	vst.add.f32.msk $0xffff, v5  }
0x1c7: {  	s21 =	sor.u32 $0x20, s18;
	s23 =	sadd.s32 s20, s17;
	[tilespmem:s22+$0x0] =	vst.add.f32.msk $0xffff, v6  }
0x1c8: {  	s22 =	sor.u32 $0x30, s18;
	v4 =	vld [tilespmem:s23+$0x0];
	s23 =	sadd.s32 s21, s17  }
0x1c9: {  	s19 =	sadd.s32 s19, s8;
	v5 =	vld [tilespmem:s23+$0x0];
	s13 =	sadd.s32 s22, s17  }
0x1ca: {  	s12 =	sadd.s32 s12, s14;
	s16 =	sadd.s32 s20, s19;
	s23 =	sadd.s32 s18, s17;
	v7 =	vld [tilespmem:s13+$0x0]  }
0x1cb: {  	s17 =	sadd.s32 s18, s19;
	s14 =	sadd.s32 s22, s19;
	s13 =	sadd.s32 s21, s19;
	v6 =	vld [tilespmem:s23+$0x0]  }
.LBB2_19:
0x1cc: {  	s10 =	sadd.s32 $0x40, s10;
	s11 =	sadd.s32 $0x200, s11;
	[tilespmem:s12+$0x0] =	vst.add.f32.msk $0xffff, v3;
	s12 =	smov.u32 s17  }
0x1cd: {  	s17 =	sand.u32 $0x40, s10;
	s18 =	sand.u32 $0x1C00, s11;
	p0 =	slt.u32 s10, $0x2C0;
	[tilespmem:s16+$0x0] =	vst.add.f32.msk $0xffff, v4  }
0x1ce: {  	s19 =	sadd.s32 s18, s5;
	s16 =	sor.u32 $0x10, s17;
	s20 =	sor.u32 $0x30, s17;
	[tilespmem:s13+$0x0] =	vst.add.f32.msk $0xffff, v5  }
.Ltmp8:
0x1cf: {  	s21 =	sor.u32 $0x20, s17;
	s13 =	sadd.s32 s16, s19;
	[tilespmem:s14+$0x0] =	vst.add.f32.msk $0xffff, v7;
	(pc) =	sbr.rel @p0 .LBB2_19-.Ltmp8, $4  }
0x1d0: {  	s22 =	sadd.s32 s17, s19;
	s14 =	sadd.s32 s18, s8;
	v4 =	vld [tilespmem:s13+$0x0];
	s13 =	sadd.s32 s21, s19;
	v3 =	vmov v6  }
0x1d1: {  	s18 =	sadd.s32 s20, s19;
	s16 =	sadd.s32 s16, s14;
	v5 =	vld [tilespmem:s13+$0x0];
	s13 =	sadd.s32 s21, s14  }
0x1d2: {  	s17 =	sadd.s32 s17, s14;
	s14 =	sadd.s32 s20, s14;
	v7 =	vld [tilespmem:s18+$0x0]  }
0x1d3: {  	v6 =	vld [tilespmem:s22+$0x0]  }
0x1d4: {  	s4 =	sadd.s32 $0x1, s4  }
0x1d5: {  	p0 =	sne.s32 s4, $0x20  }
.Ltmp9:
0x1d6: {  	[tilespmem:s12+$0x0] =	vst.add.f32.msk $0xffff, v3;
	(pc) =	sbr.rel @p0 .LBB2_18-.Ltmp9, $4  }
0x1d7: {  	[tilespmem:s16+$0x0] =	vst.add.f32.msk $0xffff, v4  }
0x1d8: {  	[tilespmem:s13+$0x0] =	vst.add.f32.msk $0xffff, v5  }
0x1d9: {  	[tilespmem:s14+$0x0] =	vst.add.f32.msk $0xffff, v7  }
0x1da: {  	[tilespmem:s17+$0x0] =	vst.add.f32.msk $0xffff, v6  }
0x1db: {  	s30 =	simm.s32 $0x0;
	s4 =	rddreg [dreg:$0xd]  }
0x1dc: {  	[hbm4b:s4+s30] =	stream.linear.scatter [tilespmem:s31], [sflag:$0x3], $0x6000, $0x38;
	[tilespmem:$0x18200] =	vst v63  }
0x1dd: {  	_ =	swait.ge [sflag:s29], $0x6000  }
0x1de: {  	[sflag:s29] =	ssyncset.done $0x0  }
0x1df: {  	[sflag:s29] =	ssyncadd.s32 $0xFFFFA000  }
0x1e0: {  	v3 =	vld [tilespmem:$0x120];
	_ =	sdelay $0x4  }
0x1e1: {  	v4 =	vshrl.u32 v3, $0x3  }
0x1e2: {  	v4 =	vmul.u32 $0x30, v4  }
0x1e3: {  	v3 =	vand.u32 $0x7, v3  }
0x1e4: {  	v3 =	vor.u32 v3, v4  }
0x1e5: {  	v4 =	vperm.xlane v3, v0;
	_ =	sdelay $0x1  }
0x1e6: {  	v4 =	vadd.s32 v1, v4;
	_ =	sdelay $0x3  }
0x1e7: {  	v3 =	vperm.xlane v3, v2  }
0x1e8: {  	[tilespmem:s31], [sflag:$0x1] =	stream.indirect_vreg.gather [hbm4b:s2+s30], $0x80, v4, vm0, $0xb8;
	[tilespmem:$0x18200] =	vst v63  }
0x1e9: {  	s12 =	simm.s32 $0xCA00;
	v3 =	vadd.s32 v1, v3  }
0x1ea: {  	[tilespmem:s12], [sflag:$0x1] =	stream.indirect_vreg.gather [hbm4b:s6+s30], $0x80, v4, vm0, $0xb8;
	[tilespmem:$0x18200] =	vst v63  }
0x1eb: {  	s13 =	simm.s32 $0xD200  }
0x1ec: {  	[tilespmem:s13], [sflag:$0x1] =	stream.indirect_vreg.gather [hbm4b:s7+s30], $0x80, v4, vm0, $0xb8;
	[tilespmem:$0x18200] =	vst v63  }
0x1ed: {  	s14 =	simm.s32 $0xDA00  }
0x1ee: {  	[tilespmem:s14], [sflag:$0x1] =	stream.indirect_vreg.gather [hbm4b:s2+s30], $0x80, v3, vm0, $0xb8;
	[tilespmem:$0x18200] =	vst v63  }
0x1ef: {  	s16 =	simm.s32 $0xE200  }
0x1f0: {  	[tilespmem:s16], [sflag:$0x1] =	stream.indirect_vreg.gather [hbm4b:s6+s30], $0x80, v3, vm0, $0xb8;
	[tilespmem:$0x18200] =	vst v63  }
0x1f1: {  	s17 =	simm.s32 $0xEA00  }
0x1f2: {  	[tilespmem:s17], [sflag:$0x1] =	stream.indirect_vreg.gather [hbm4b:s7+s30], $0x80, v3, vm0, $0xb8;
	[tilespmem:$0x18200] =	vst v63  }
0x1f3: {  	v3 =	vld [tilespmem:$0x130];
	_ =	sdelay $0x4  }
0x1f4: {  	v63 =	vshrl.u32 v3, $0x3  }
0x1f5: {  	v4 =	vmul.u32 $0x30, v63  }
0x1f6: {  	v3 =	vand.u32 $0x7, v3  }
0x1f7: {  	v3 =	vor.u32 v3, v4  }
0x1f8: {  	v4 =	vperm.xlane v3, v0;
	_ =	sdelay $0x1  }
0x1f9: {  	v4 =	vadd.s32 v1, v4;
	_ =	sdelay $0x3  }
0x1fa: {  	s18 =	simm.s32 $0xF200;
	v3 =	vperm.xlane v3, v2  }
0x1fb: {  	[tilespmem:s18], [sflag:$0x1] =	stream.indirect_vreg.gather [hbm4b:s2+s30], $0x80, v4, vm0, $0xb8;
	[tilespmem:$0x18200] =	vst v63  }
0x1fc: {  	s19 =	simm.s32 $0xFA00;
	v3 =	vadd.s32 v1, v3  }
0x1fd: {  	[tilespmem:s19], [sflag:$0x1] =	stream.indirect_vreg.gather [hbm4b:s6+s30], $0x80, v4, vm0, $0xb8;
	[tilespmem:$0x18200] =	vst v63  }
0x1fe: {  	s20 =	simm.s32 $0x10200  }
0x1ff: {  	[tilespmem:s20], [sflag:$0x1] =	stream.indirect_vreg.gather [hbm4b:s7+s30], $0x80, v4, vm0, $0xb8;
	[tilespmem:$0x18200] =	vst v63  }
0x200: {  	s21 =	simm.s32 $0x10A00  }
0x201: {  	[tilespmem:s21], [sflag:$0x1] =	stream.indirect_vreg.gather [hbm4b:s2+s30], $0x80, v3, vm0, $0xb8;
	[tilespmem:$0x18200] =	vst v63  }
0x202: {  	s22 =	simm.s32 $0x11200  }
0x203: {  	[tilespmem:s22], [sflag:$0x1] =	stream.indirect_vreg.gather [hbm4b:s6+s30], $0x80, v3, vm0, $0xb8;
	[tilespmem:$0x18200] =	vst v63  }
0x204: {  	s23 =	simm.s32 $0x11A00  }
0x205: {  	[tilespmem:s23], [sflag:$0x1] =	stream.indirect_vreg.gather [hbm4b:s7+s30], $0x80, v3, vm0, $0xb8;
	[tilespmem:$0x18200] =	vst v63  }
0x206: {  	_ =	swait.ge [sflag:s28], $0x6000  }
0x207: {  	[sflag:s28] =	ssyncset.done $0x0  }
0x208: {  	s4 =	simm.s32 $0x0;
	[sflag:s28] =	ssyncadd.s32 $0xFFFFA000  }
.LBB2_22:
0x209: {  	s5 =	sshrl.u32 s4, $0x3  }
0x20a: {  	s8 =	sshll.u32 s4, $0x7;
	s5 =	smul.u32 $0x1800, s5  }
0x20b: {  	s11 =	simm.s32 $0x0;
	s22 =	sand.u32 $0x1C00, s30;
	s8 =	sand.u32 $0x380, s8  }
0x20c: {  	s13 =	sand.u32 $0x40, s11;
	s10 =	sor.u32 $0x30, s8;
	s5 =	sadd.s32 $0x6000, s5  }
0x20d: {  	s12 =	sor.u32 s10, s13;
	s14 =	sadd.s32 s22, s5  }
0x20e: {  	s11 =	sor.u32 $0x10, s8;
	s16 =	sor.u32 s8, s13;
	s17 =	sor.u32 s14, s12  }
0x20f: {  	s18 =	sor.u32 s11, s13;
	s19 =	sor.u32 s14, s16;
	v3 =	vld [tilespmem:s17+$0x200]  }
0x210: {  	s12 =	sor.u32 $0x20, s8;
	s20 =	sor.u32 s14, s18;
	v5 =	vld [tilespmem:s19+$0x200]  }
0x211: {  	s13 =	sor.u32 s12, s13;
	v6 =	vld [tilespmem:s20+$0x200]  }
0x212: {  	s13 =	sor.u32 s14, s13  }
0x213: {  	s16 =	simm.s32 $0x200;
	s14 =	simm.s32 $0x40;
	v4 =	vld [tilespmem:s13+$0x200]  }
0x214: {  	s23 =	sand.u32 $0x1C00, s16;
	s21 =	sand.u32 $0x40, s14;
	[tilespmem:s17+$0xC200] =	vst.add.f32.msk $0xffff, v3  }
0x215: {  	s22 =	sadd.s32 s23, s5;
	s18 =	sor.u32 s10, s21;
	[tilespmem:s19+$0xC200] =	vst.add.f32.msk $0xffff, v5  }
0x216: {  	s23 =	sor.u32 s8, s21;
	s18 =	sor.u32 s22, s18;
	[tilespmem:s20+$0xC200] =	vst.add.f32.msk $0xffff, v6  }
0x217: {  	s20 =	sor.u32 s11, s21;
	s19 =	sor.u32 s22, s23;
	v6 =	vld [tilespmem:s18+$0x200]  }
0x218: {  	s23 =	sor.u32 s12, s21;
	s17 =	sor.u32 s22, s20;
	v7 =	vld [tilespmem:s19+$0x200]  }
0x219: {  	s20 =	sor.u32 s22, s23;
	v5 =	vld [tilespmem:s17+$0x200]  }
0x21a: {  	v3 =	vld [tilespmem:s20+$0x200]  }
.LBB2_23:
0x21b: {  	s16 =	sadd.s32 $0x200, s16  }
0x21c: {  	s14 =	sadd.s32 $0x40, s14;
	[tilespmem:s13+$0xC200] =	vst.add.f32.msk $0xffff, v4;
	s13 =	smov.u32 s20;
	s21 =	sand.u32 $0x1C00, s16  }
0x21d: {  	s20 =	sand.u32 $0x40, s14;
	p0 =	slt.u32 s14, $0x2C0;
	[tilespmem:s18+$0xC200] =	vst.add.f32.msk $0xffff, v6;
	s21 =	sadd.s32 s21, s5  }
0x21e: {  	s22 =	sor.u32 s8, s20;
	s18 =	sor.u32 s10, s20;
	[tilespmem:s19+$0xC200] =	vst.add.f32.msk $0xffff, v7;
	s23 =	sor.u32 s11, s20  }
.Ltmp10:
0x21f: {  	s20 =	sor.u32 s12, s20;
	s18 =	sor.u32 s21, s18;
	[tilespmem:s17+$0xC200] =	vst.add.f32.msk $0xffff, v5;
	(pc) =	sbr.rel @p0 .LBB2_23-.Ltmp10, $4  }
0x220: {  	s19 =	sor.u32 s21, s22;
	s17 =	sor.u32 s21, s23;
	s20 =	sor.u32 s21, s20;
	v6 =	vld [tilespmem:s18+$0x200];
	v4 =	vmov v3  }
0x221: {  	v7 =	vld [tilespmem:s19+$0x200]  }
0x222: {  	v5 =	vld [tilespmem:s17+$0x200]  }
0x223: {  	v3 =	vld [tilespmem:s20+$0x200]  }
0x224: {  	s4 =	sadd.s32 $0x1, s4  }
0x225: {  	p0 =	sne.s32 s4, $0x20  }
.Ltmp11:
0x226: {  	[tilespmem:s13+$0xC200] =	vst.add.f32.msk $0xffff, v4;
	(pc) =	sbr.rel @p0 .LBB2_22-.Ltmp11, $4  }
0x227: {  	[tilespmem:s18+$0xC200] =	vst.add.f32.msk $0xffff, v6  }
0x228: {  	[tilespmem:s19+$0xC200] =	vst.add.f32.msk $0xffff, v7  }
0x229: {  	[tilespmem:s17+$0xC200] =	vst.add.f32.msk $0xffff, v5  }
0x22a: {  	[tilespmem:s20+$0xC200] =	vst.add.f32.msk $0xffff, v3  }
0x22b: {  	s30 =	simm.s32 $0x0;
	s4 =	rddreg [dreg:$0xe]  }
0x22c: {  	[hbm4b:s4+s30] =	stream.linear.scatter [tilespmem:s15], [sflag:$0x4], $0x6000, $0x38;
	[tilespmem:$0x18200] =	vst v63  }
0x22d: {  	_ =	swait.ge [sflag:s0], $0x6000  }
0x22e: {  	[sflag:s0] =	ssyncset.done $0x0  }
0x22f: {  	[sflag:s0] =	ssyncadd.s32 $0xFFFFA000  }
0x230: {  	v3 =	vld [tilespmem:$0x1A0];
	_ =	sdelay $0x4  }
0x231: {  	v4 =	vshrl.u32 v3, $0x3  }
0x232: {  	v4 =	vmul.u32 $0x30, v4  }
0x233: {  	v3 =	vand.u32 $0x7, v3  }
0x234: {  	v3 =	vor.u32 v3, v4  }
0x235: {  	v4 =	vperm.xlane v3, v0;
	_ =	sdelay $0x1  }
0x236: {  	v4 =	vadd.s32 v1, v4;
	_ =	sdelay $0x3  }
0x237: {  	v3 =	vperm.xlane v3, v2  }
0x238: {  	[tilespmem:s15], [sflag:$0x2] =	stream.indirect_vreg.gather [hbm4b:s2+s30], $0x80, v4, vm0, $0xb8;
	[tilespmem:$0x18200] =	vst v63  }
0x239: {  	s16 =	simm.s32 $0x12A00;
	v3 =	vadd.s32 v1, v3  }
0x23a: {  	[tilespmem:s16], [sflag:$0x2] =	stream.indirect_vreg.gather [hbm4b:s6+s30], $0x80, v4, vm0, $0xb8;
	[tilespmem:$0x18200] =	vst v63  }
0x23b: {  	s17 =	simm.s32 $0x13200  }
0x23c: {  	[tilespmem:s17], [sflag:$0x2] =	stream.indirect_vreg.gather [hbm4b:s7+s30], $0x80, v4, vm0, $0xb8;
	[tilespmem:$0x18200] =	vst v63  }
0x23d: {  	s18 =	simm.s32 $0x13A00  }
0x23e: {  	[tilespmem:s18], [sflag:$0x2] =	stream.indirect_vreg.gather [hbm4b:s2+s30], $0x80, v3, vm0, $0xb8;
	[tilespmem:$0x18200] =	vst v63  }
0x23f: {  	s19 =	simm.s32 $0x14200  }
0x240: {  	[tilespmem:s19], [sflag:$0x2] =	stream.indirect_vreg.gather [hbm4b:s6+s30], $0x80, v3, vm0, $0xb8;
	[tilespmem:$0x18200] =	vst v63  }
0x241: {  	s20 =	simm.s32 $0x14A00  }
0x242: {  	[tilespmem:s20], [sflag:$0x2] =	stream.indirect_vreg.gather [hbm4b:s7+s30], $0x80, v3, vm0, $0xb8;
	[tilespmem:$0x18200] =	vst v63  }
0x243: {  	v3 =	vld [tilespmem:$0x1B0];
	_ =	sdelay $0x4  }
0x244: {  	v63 =	vshrl.u32 v3, $0x3  }
0x245: {  	v4 =	vmul.u32 $0x30, v63  }
0x246: {  	v3 =	vand.u32 $0x7, v3  }
0x247: {  	v3 =	vor.u32 v3, v4  }
0x248: {  	v4 =	vperm.xlane v3, v0;
	_ =	sdelay $0x1  }
0x249: {  	v4 =	vadd.s32 v1, v4;
	_ =	sdelay $0x3  }
0x24a: {  	s21 =	simm.s32 $0x15200;
	v3 =	vperm.xlane v3, v2  }
0x24b: {  	[tilespmem:s21], [sflag:$0x2] =	stream.indirect_vreg.gather [hbm4b:s2+s30], $0x80, v4, vm0, $0xb8;
	[tilespmem:$0x18200] =	vst v63  }
0x24c: {  	s22 =	simm.s32 $0x15A00;
	v3 =	vadd.s32 v1, v3  }
0x24d: {  	[tilespmem:s22], [sflag:$0x2] =	stream.indirect_vreg.gather [hbm4b:s6+s30], $0x80, v4, vm0, $0xb8;
	[tilespmem:$0x18200] =	vst v63  }
0x24e: {  	s23 =	simm.s32 $0x16200  }
0x24f: {  	[tilespmem:s23], [sflag:$0x2] =	stream.indirect_vreg.gather [hbm4b:s7+s30], $0x80, v4, vm0, $0xb8;
	[tilespmem:$0x18200] =	vst v63  }
0x250: {  	_ = 	snop  }
0x251: {  	[tilespmem:s24], [sflag:$0x2] =	stream.indirect_vreg.gather [hbm4b:s2+s30], $0x80, v3, vm0, $0xb8;
	[tilespmem:$0x18200] =	vst v63  }
0x252: {  	_ = 	snop  }
0x253: {  	[tilespmem:s25], [sflag:$0x2] =	stream.indirect_vreg.gather [hbm4b:s6+s30], $0x80, v3, vm0, $0xb8;
	[tilespmem:$0x18200] =	vst v63  }
0x254: {  	_ = 	snop  }
0x255: {  	[tilespmem:s26], [sflag:$0x2] =	stream.indirect_vreg.gather [hbm4b:s7+s30], $0x80, v3, vm0, $0xb8;
	[tilespmem:$0x18200] =	vst v63  }
0x256: {  	_ =	swait.ge [sflag:s9], $0x6000  }
0x257: {  	[sflag:s9] =	ssyncset.done $0x0  }
0x258: {  	s4 =	simm.s32 $0x0;
	[sflag:s9] =	ssyncadd.s32 $0xFFFFA000  }
.LBB2_26:
0x259: {  	s5 =	sshrl.u32 s4, $0x3  }
0x25a: {  	s8 =	sshll.u32 s4, $0x7;
	s5 =	smul.u32 $0x1800, s5  }
0x25b: {  	s8 =	sand.u32 $0x380, s8  }
0x25c: {  	s10 =	simm.s32 $0x0;
	s8 =	sor.u32 s8, s5  }
0x25d: {  	s19 =	sand.u32 $0x1C00, s30;
	s12 =	sand.u32 $0x40, s10;
	s5 =	sadd.s32 $0x6200, s8  }
0x25e: {  	s13 =	sor.u32 $0x10, s12;
	s11 =	sadd.s32 s19, s5  }
0x25f: {  	s16 =	sor.u32 $0x20, s12;
	s14 =	sadd.s32 s13, s11  }
0x260: {  	s17 =	sor.u32 $0x30, s12;
	s20 =	sadd.s32 s16, s11;
	v4 =	vld [tilespmem:s14+$0x0]  }
0x261: {  	s21 =	sadd.s32 s17, s11;
	v5 =	vld [tilespmem:s20+$0x0]  }
0x262: {  	s8 =	sadd.s32 $0xC200, s8;
	v6 =	vld [tilespmem:s21+$0x0]  }
0x263: {  	s11 =	sadd.s32 s12, s11;
	s14 =	sadd.s32 s19, s8  }
0x264: {  	s10 =	simm.s32 $0x40;
	v3 =	vld [tilespmem:s11+$0x0];
	s11 =	simm.s32 $0x200;
	s13 =	sadd.s32 s13, s14  }
0x265: {  	s18 =	sand.u32 $0x40, s10;
	s16 =	sadd.s32 s16, s14;
	s19 =	sand.u32 $0x1C00, s11;
	[tilespmem:s13+$0x0] =	vst.add.f32.msk $0xffff, v4  }
0x266: {  	s20 =	sor.u32 $0x10, s18;
	s22 =	sadd.s32 s17, s14;
	s17 =	sadd.s32 s19, s5;
	[tilespmem:s16+$0x0] =	vst.add.f32.msk $0xffff, v5  }
0x267: {  	s21 =	sor.u32 $0x20, s18;
	s23 =	sadd.s32 s20, s17;
	[tilespmem:s22+$0x0] =	vst.add.f32.msk $0xffff, v6  }
0x268: {  	s22 =	sor.u32 $0x30, s18;
	v4 =	vld [tilespmem:s23+$0x0];
	s23 =	sadd.s32 s21, s17  }
0x269: {  	s19 =	sadd.s32 s19, s8;
	v5 =	vld [tilespmem:s23+$0x0];
	s13 =	sadd.s32 s22, s17  }
0x26a: {  	s12 =	sadd.s32 s12, s14;
	s16 =	sadd.s32 s20, s19;
	s23 =	sadd.s32 s18, s17;
	v7 =	vld [tilespmem:s13+$0x0]  }
0x26b: {  	s17 =	sadd.s32 s18, s19;
	s14 =	sadd.s32 s22, s19;
	s13 =	sadd.s32 s21, s19;
	v6 =	vld [tilespmem:s23+$0x0]  }
.LBB2_27:
0x26c: {  	s10 =	sadd.s32 $0x40, s10;
	s11 =	sadd.s32 $0x200, s11;
	[tilespmem:s12+$0x0] =	vst.add.f32.msk $0xffff, v3;
	s12 =	smov.u32 s17  }
0x26d: {  	s17 =	sand.u32 $0x40, s10;
	s18 =	sand.u32 $0x1C00, s11;
	p0 =	slt.u32 s10, $0x2C0;
	[tilespmem:s16+$0x0] =	vst.add.f32.msk $0xffff, v4  }
0x26e: {  	s19 =	sadd.s32 s18, s5;
	s16 =	sor.u32 $0x10, s17;
	s20 =	sor.u32 $0x30, s17;
	[tilespmem:s13+$0x0] =	vst.add.f32.msk $0xffff, v5  }
.Ltmp12:
0x26f: {  	s21 =	sor.u32 $0x20, s17;
	s13 =	sadd.s32 s16, s19;
	[tilespmem:s14+$0x0] =	vst.add.f32.msk $0xffff, v7;
	(pc) =	sbr.rel @p0 .LBB2_27-.Ltmp12, $4  }
0x270: {  	s22 =	sadd.s32 s17, s19;
	s14 =	sadd.s32 s18, s8;
	v4 =	vld [tilespmem:s13+$0x0];
	s13 =	sadd.s32 s21, s19;
	v3 =	vmov v6  }
0x271: {  	s18 =	sadd.s32 s20, s19;
	s16 =	sadd.s32 s16, s14;
	v5 =	vld [tilespmem:s13+$0x0];
	s13 =	sadd.s32 s21, s14  }
0x272: {  	s17 =	sadd.s32 s17, s14;
	s14 =	sadd.s32 s20, s14;
	v7 =	vld [tilespmem:s18+$0x0]  }
0x273: {  	v6 =	vld [tilespmem:s22+$0x0]  }
0x274: {  	s4 =	sadd.s32 $0x1, s4  }
0x275: {  	p0 =	sne.s32 s4, $0x20  }
.Ltmp13:
0x276: {  	[tilespmem:s12+$0x0] =	vst.add.f32.msk $0xffff, v3;
	(pc) =	sbr.rel @p0 .LBB2_26-.Ltmp13, $4  }
0x277: {  	[tilespmem:s16+$0x0] =	vst.add.f32.msk $0xffff, v4  }
0x278: {  	[tilespmem:s13+$0x0] =	vst.add.f32.msk $0xffff, v5  }
0x279: {  	[tilespmem:s14+$0x0] =	vst.add.f32.msk $0xffff, v7  }
0x27a: {  	[tilespmem:s17+$0x0] =	vst.add.f32.msk $0xffff, v6  }
0x27b: {  	s30 =	simm.s32 $0x0;
	s4 =	rddreg [dreg:$0xf]  }
0x27c: {  	[hbm4b:s4+s30] =	stream.linear.scatter [tilespmem:s31], [sflag:$0x3], $0x6000, $0x38;
	[tilespmem:$0x18200] =	vst v63  }
0x27d: {  	_ =	swait.ge [sflag:s29], $0x6000  }
0x27e: {  	[sflag:s29] =	ssyncset.done $0x0  }
0x27f: {  	[sflag:s29] =	ssyncadd.s32 $0xFFFFA000  }
0x280: {  	v3 =	vld [tilespmem:$0x40];
	_ =	sdelay $0x4  }
0x281: {  	v4 =	vshrl.u32 v3, $0x3  }
0x282: {  	v4 =	vmul.u32 $0x30, v4  }
0x283: {  	v3 =	vand.u32 $0x7, v3  }
0x284: {  	v3 =	vor.u32 v3, v4  }
0x285: {  	v4 =	vperm.xlane v3, v0;
	_ =	sdelay $0x1  }
0x286: {  	v4 =	vadd.s32 v1, v4;
	_ =	sdelay $0x3  }
0x287: {  	v3 =	vperm.xlane v3, v2  }
0x288: {  	[tilespmem:s31], [sflag:$0x1] =	stream.indirect_vreg.gather [hbm4b:s2+s30], $0x80, v4, vm0, $0xb8;
	[tilespmem:$0x18200] =	vst v63  }
0x289: {  	s12 =	simm.s32 $0xCA00;
	v3 =	vadd.s32 v1, v3  }
0x28a: {  	[tilespmem:s12], [sflag:$0x1] =	stream.indirect_vreg.gather [hbm4b:s6+s30], $0x80, v4, vm0, $0xb8;
	[tilespmem:$0x18200] =	vst v63  }
0x28b: {  	s13 =	simm.s32 $0xD200  }
0x28c: {  	[tilespmem:s13], [sflag:$0x1] =	stream.indirect_vreg.gather [hbm4b:s7+s30], $0x80, v4, vm0, $0xb8;
	[tilespmem:$0x18200] =	vst v63  }
0x28d: {  	s14 =	simm.s32 $0xDA00  }
0x28e: {  	[tilespmem:s14], [sflag:$0x1] =	stream.indirect_vreg.gather [hbm4b:s2+s30], $0x80, v3, vm0, $0xb8;
	[tilespmem:$0x18200] =	vst v63  }
0x28f: {  	s16 =	simm.s32 $0xE200  }
0x290: {  	[tilespmem:s16], [sflag:$0x1] =	stream.indirect_vreg.gather [hbm4b:s6+s30], $0x80, v3, vm0, $0xb8;
	[tilespmem:$0x18200] =	vst v63  }
0x291: {  	s17 =	simm.s32 $0xEA00  }
0x292: {  	[tilespmem:s17], [sflag:$0x1] =	stream.indirect_vreg.gather [hbm4b:s7+s30], $0x80, v3, vm0, $0xb8;
	[tilespmem:$0x18200] =	vst v63  }
0x293: {  	v3 =	vld [tilespmem:$0x50];
	_ =	sdelay $0x4  }
0x294: {  	v63 =	vshrl.u32 v3, $0x3  }
0x295: {  	v4 =	vmul.u32 $0x30, v63  }
0x296: {  	v3 =	vand.u32 $0x7, v3  }
0x297: {  	v3 =	vor.u32 v3, v4  }
0x298: {  	v4 =	vperm.xlane v3, v0;
	_ =	sdelay $0x1  }
0x299: {  	v4 =	vadd.s32 v1, v4;
	_ =	sdelay $0x3  }
0x29a: {  	s18 =	simm.s32 $0xF200;
	v3 =	vperm.xlane v3, v2  }
0x29b: {  	[tilespmem:s18], [sflag:$0x1] =	stream.indirect_vreg.gather [hbm4b:s2+s30], $0x80, v4, vm0, $0xb8;
	[tilespmem:$0x18200] =	vst v63  }
0x29c: {  	s19 =	simm.s32 $0xFA00;
	v3 =	vadd.s32 v1, v3  }
0x29d: {  	[tilespmem:s19], [sflag:$0x1] =	stream.indirect_vreg.gather [hbm4b:s6+s30], $0x80, v4, vm0, $0xb8;
	[tilespmem:$0x18200] =	vst v63  }
0x29e: {  	s20 =	simm.s32 $0x10200  }
0x29f: {  	[tilespmem:s20], [sflag:$0x1] =	stream.indirect_vreg.gather [hbm4b:s7+s30], $0x80, v4, vm0, $0xb8;
	[tilespmem:$0x18200] =	vst v63  }
0x2a0: {  	s21 =	simm.s32 $0x10A00  }
0x2a1: {  	[tilespmem:s21], [sflag:$0x1] =	stream.indirect_vreg.gather [hbm4b:s2+s30], $0x80, v3, vm0, $0xb8;
	[tilespmem:$0x18200] =	vst v63  }
0x2a2: {  	s22 =	simm.s32 $0x11200  }
0x2a3: {  	[tilespmem:s22], [sflag:$0x1] =	stream.indirect_vreg.gather [hbm4b:s6+s30], $0x80, v3, vm0, $0xb8;
	[tilespmem:$0x18200] =	vst v63  }
0x2a4: {  	s23 =	simm.s32 $0x11A00  }
0x2a5: {  	[tilespmem:s23], [sflag:$0x1] =	stream.indirect_vreg.gather [hbm4b:s7+s30], $0x80, v3, vm0, $0xb8;
	[tilespmem:$0x18200] =	vst v63  }
0x2a6: {  	_ =	swait.ge [sflag:s28], $0x6000  }
0x2a7: {  	[sflag:s28] =	ssyncset.done $0x0  }
0x2a8: {  	s4 =	simm.s32 $0x0;
	[sflag:s28] =	ssyncadd.s32 $0xFFFFA000  }
.LBB2_30:
0x2a9: {  	s5 =	sshrl.u32 s4, $0x3  }
0x2aa: {  	s8 =	sshll.u32 s4, $0x7;
	s5 =	smul.u32 $0x1800, s5  }
0x2ab: {  	s11 =	simm.s32 $0x0;
	s22 =	sand.u32 $0x1C00, s30;
	s8 =	sand.u32 $0x380, s8  }
0x2ac: {  	s13 =	sand.u32 $0x40, s11;
	s10 =	sor.u32 $0x30, s8;
	s5 =	sadd.s32 $0x6000, s5  }
0x2ad: {  	s12 =	sor.u32 s10, s13;
	s14 =	sadd.s32 s22, s5  }
0x2ae: {  	s11 =	sor.u32 $0x10, s8;
	s16 =	sor.u32 s8, s13;
	s17 =	sor.u32 s14, s12  }
0x2af: {  	s18 =	sor.u32 s11, s13;
	s19 =	sor.u32 s14, s16;
	v3 =	vld [tilespmem:s17+$0x200]  }
0x2b0: {  	s12 =	sor.u32 $0x20, s8;
	s20 =	sor.u32 s14, s18;
	v5 =	vld [tilespmem:s19+$0x200]  }
0x2b1: {  	s13 =	sor.u32 s12, s13;
	v6 =	vld [tilespmem:s20+$0x200]  }
0x2b2: {  	s13 =	sor.u32 s14, s13  }
0x2b3: {  	s16 =	simm.s32 $0x200;
	s14 =	simm.s32 $0x40;
	v4 =	vld [tilespmem:s13+$0x200]  }
0x2b4: {  	s23 =	sand.u32 $0x1C00, s16;
	s21 =	sand.u32 $0x40, s14;
	[tilespmem:s17+$0xC200] =	vst.add.f32.msk $0xffff, v3  }
0x2b5: {  	s22 =	sadd.s32 s23, s5;
	s18 =	sor.u32 s10, s21;
	[tilespmem:s19+$0xC200] =	vst.add.f32.msk $0xffff, v5  }
0x2b6: {  	s23 =	sor.u32 s8, s21;
	s18 =	sor.u32 s22, s18;
	[tilespmem:s20+$0xC200] =	vst.add.f32.msk $0xffff, v6  }
0x2b7: {  	s20 =	sor.u32 s11, s21;
	s19 =	sor.u32 s22, s23;
	v6 =	vld [tilespmem:s18+$0x200]  }
0x2b8: {  	s23 =	sor.u32 s12, s21;
	s17 =	sor.u32 s22, s20;
	v7 =	vld [tilespmem:s19+$0x200]  }
0x2b9: {  	s20 =	sor.u32 s22, s23;
	v5 =	vld [tilespmem:s17+$0x200]  }
0x2ba: {  	v3 =	vld [tilespmem:s20+$0x200]  }
.LBB2_31:
0x2bb: {  	s16 =	sadd.s32 $0x200, s16  }
0x2bc: {  	s14 =	sadd.s32 $0x40, s14;
	[tilespmem:s13+$0xC200] =	vst.add.f32.msk $0xffff, v4;
	s13 =	smov.u32 s20;
	s21 =	sand.u32 $0x1C00, s16  }
0x2bd: {  	s20 =	sand.u32 $0x40, s14;
	p0 =	slt.u32 s14, $0x2C0;
	[tilespmem:s18+$0xC200] =	vst.add.f32.msk $0xffff, v6;
	s21 =	sadd.s32 s21, s5  }
0x2be: {  	s22 =	sor.u32 s8, s20;
	s18 =	sor.u32 s10, s20;
	[tilespmem:s19+$0xC200] =	vst.add.f32.msk $0xffff, v7;
	s23 =	sor.u32 s11, s20  }
.Ltmp14:
0x2bf: {  	s20 =	sor.u32 s12, s20;
	s18 =	sor.u32 s21, s18;
	[tilespmem:s17+$0xC200] =	vst.add.f32.msk $0xffff, v5;
	(pc) =	sbr.rel @p0 .LBB2_31-.Ltmp14, $4  }
0x2c0: {  	s19 =	sor.u32 s21, s22;
	s17 =	sor.u32 s21, s23;
	s20 =	sor.u32 s21, s20;
	v6 =	vld [tilespmem:s18+$0x200];
	v4 =	vmov v3  }
0x2c1: {  	v7 =	vld [tilespmem:s19+$0x200]  }
0x2c2: {  	v5 =	vld [tilespmem:s17+$0x200]  }
0x2c3: {  	v3 =	vld [tilespmem:s20+$0x200]  }
0x2c4: {  	s4 =	sadd.s32 $0x1, s4  }
0x2c5: {  	p0 =	sne.s32 s4, $0x20  }
.Ltmp15:
0x2c6: {  	[tilespmem:s13+$0xC200] =	vst.add.f32.msk $0xffff, v4;
	(pc) =	sbr.rel @p0 .LBB2_30-.Ltmp15, $4  }
0x2c7: {  	[tilespmem:s18+$0xC200] =	vst.add.f32.msk $0xffff, v6  }
0x2c8: {  	[tilespmem:s19+$0xC200] =	vst.add.f32.msk $0xffff, v7  }
0x2c9: {  	[tilespmem:s17+$0xC200] =	vst.add.f32.msk $0xffff, v5  }
0x2ca: {  	[tilespmem:s20+$0xC200] =	vst.add.f32.msk $0xffff, v3  }
0x2cb: {  	s30 =	simm.s32 $0x0;
	s4 =	rddreg [dreg:$0x10];
	s13 =	simm.s32 $0x5  }
0x2cc: {  	[hbm4b:s4+s30] =	stream.linear.scatter [tilespmem:s15], [sflag:$0x4], $0x6000, $0x38;
	[tilespmem:$0x18200] =	vst v63  }
0x2cd: {  	_ =	swait.ge [sflag:s13], $0x6000  }
0x2ce: {  	[sflag:s13] =	ssyncset.done $0x0  }
0x2cf: {  	s5 =	simm.s32 $0x6200;
	s14 =	rddreg [dreg:$0x11];
	[sflag:s13] =	ssyncadd.s32 $0xFFFFA000  }
0x2d0: {  	[tilespmem:s5], [sflag:$0x6] =	stream.linear.gather [hbm4b:s14+s30], $0x6000, $0x38;
	[tilespmem:$0x18200] =	vst v63  }
0x2d1: {  	_ =	swait.ge [sflag:s0], $0x6000  }
0x2d2: {  	[sflag:s0] =	ssyncset.done $0x0  }
0x2d3: {  	[sflag:s0] =	ssyncadd.s32 $0xFFFFA000  }
0x2d4: {  	v3 =	vld [tilespmem:$0xC0];
	_ =	sdelay $0x4  }
0x2d5: {  	v4 =	vshrl.u32 v3, $0x3  }
0x2d6: {  	v4 =	vmul.u32 $0x30, v4  }
0x2d7: {  	v3 =	vand.u32 $0x7, v3  }
0x2d8: {  	v3 =	vor.u32 v3, v4  }
0x2d9: {  	v4 =	vperm.xlane v3, v0;
	_ =	sdelay $0x1  }
0x2da: {  	v4 =	vadd.s32 v1, v4;
	_ =	sdelay $0x3  }
0x2db: {  	v3 =	vperm.xlane v3, v2  }
0x2dc: {  	[tilespmem:s15], [sflag:$0x2] =	stream.indirect_vreg.gather [hbm4b:s2+s30], $0x80, v4, vm0, $0xb8;
	[tilespmem:$0x18200] =	vst v63  }
0x2dd: {  	s16 =	simm.s32 $0x12A00;
	v3 =	vadd.s32 v1, v3  }
0x2de: {  	[tilespmem:s16], [sflag:$0x2] =	stream.indirect_vreg.gather [hbm4b:s6+s30], $0x80, v4, vm0, $0xb8;
	[tilespmem:$0x18200] =	vst v63  }
0x2df: {  	s17 =	simm.s32 $0x13200  }
0x2e0: {  	[tilespmem:s17], [sflag:$0x2] =	stream.indirect_vreg.gather [hbm4b:s7+s30], $0x80, v4, vm0, $0xb8;
	[tilespmem:$0x18200] =	vst v63  }
0x2e1: {  	s18 =	simm.s32 $0x13A00  }
0x2e2: {  	[tilespmem:s18], [sflag:$0x2] =	stream.indirect_vreg.gather [hbm4b:s2+s30], $0x80, v3, vm0, $0xb8;
	[tilespmem:$0x18200] =	vst v63  }
0x2e3: {  	s19 =	simm.s32 $0x14200  }
0x2e4: {  	[tilespmem:s19], [sflag:$0x2] =	stream.indirect_vreg.gather [hbm4b:s6+s30], $0x80, v3, vm0, $0xb8;
	[tilespmem:$0x18200] =	vst v63  }
0x2e5: {  	s20 =	simm.s32 $0x14A00  }
0x2e6: {  	[tilespmem:s20], [sflag:$0x2] =	stream.indirect_vreg.gather [hbm4b:s7+s30], $0x80, v3, vm0, $0xb8;
	[tilespmem:$0x18200] =	vst v63  }
0x2e7: {  	v3 =	vld [tilespmem:$0xD0];
	_ =	sdelay $0x4  }
0x2e8: {  	v63 =	vshrl.u32 v3, $0x3  }
0x2e9: {  	v4 =	vmul.u32 $0x30, v63  }
0x2ea: {  	v3 =	vand.u32 $0x7, v3  }
0x2eb: {  	v3 =	vor.u32 v3, v4  }
0x2ec: {  	v4 =	vperm.xlane v3, v0;
	_ =	sdelay $0x1  }
0x2ed: {  	v4 =	vadd.s32 v1, v4;
	_ =	sdelay $0x3  }
0x2ee: {  	s21 =	simm.s32 $0x15200;
	v3 =	vperm.xlane v3, v2  }
0x2ef: {  	[tilespmem:s21], [sflag:$0x2] =	stream.indirect_vreg.gather [hbm4b:s2+s30], $0x80, v4, vm0, $0xb8;
	[tilespmem:$0x18200] =	vst v63  }
0x2f0: {  	s22 =	simm.s32 $0x15A00;
	v3 =	vadd.s32 v1, v3  }
0x2f1: {  	[tilespmem:s22], [sflag:$0x2] =	stream.indirect_vreg.gather [hbm4b:s6+s30], $0x80, v4, vm0, $0xb8;
	[tilespmem:$0x18200] =	vst v63  }
0x2f2: {  	s23 =	simm.s32 $0x16200  }
0x2f3: {  	[tilespmem:s23], [sflag:$0x2] =	stream.indirect_vreg.gather [hbm4b:s7+s30], $0x80, v4, vm0, $0xb8;
	[tilespmem:$0x18200] =	vst v63  }
0x2f4: {  	_ = 	snop  }
0x2f5: {  	[tilespmem:s24], [sflag:$0x2] =	stream.indirect_vreg.gather [hbm4b:s2+s30], $0x80, v3, vm0, $0xb8;
	[tilespmem:$0x18200] =	vst v63  }
0x2f6: {  	_ = 	snop  }
0x2f7: {  	[tilespmem:s25], [sflag:$0x2] =	stream.indirect_vreg.gather [hbm4b:s6+s30], $0x80, v3, vm0, $0xb8;
	[tilespmem:$0x18200] =	vst v63  }
0x2f8: {  	_ = 	snop  }
0x2f9: {  	[tilespmem:s26], [sflag:$0x2] =	stream.indirect_vreg.gather [hbm4b:s7+s30], $0x80, v3, vm0, $0xb8;
	[tilespmem:$0x18200] =	vst v63  }
0x2fa: {  	_ =	swait.ge [sflag:s9], $0x6000  }
0x2fb: {  	[sflag:s9] =	ssyncset.done $0x0  }
0x2fc: {  	s4 =	simm.s32 $0x0;
	[sflag:s9] =	ssyncadd.s32 $0xFFFFA000  }
.LBB2_34:
0x2fd: {  	s5 =	sshrl.u32 s4, $0x3;
	s8 =	sshll.u32 s4, $0x7  }
0x2fe: {  	s11 =	simm.s32 $0x0;
	s5 =	smul.u32 $0x1800, s5;
	s8 =	sand.u32 $0x380, s8  }
0x2ff: {  	s22 =	sand.u32 $0x1C00, s30;
	s13 =	sand.u32 $0x40, s11;
	s10 =	sor.u32 $0x30, s8  }
0x300: {  	s14 =	sadd.s32 s5, s22;
	s12 =	sor.u32 s10, s13  }
0x301: {  	s11 =	sor.u32 $0x10, s8;
	s16 =	sor.u32 s8, s13;
	s17 =	sor.u32 s14, s12  }
0x302: {  	s18 =	sor.u32 s11, s13;
	s19 =	sor.u32 s14, s16;
	v3 =	vld [tilespmem:s17+$0x200]  }
0x303: {  	s12 =	sor.u32 $0x20, s8;
	s20 =	sor.u32 s14, s18;
	v5 =	vld [tilespmem:s19+$0x200]  }
0x304: {  	s13 =	sor.u32 s12, s13;
	v6 =	vld [tilespmem:s20+$0x200]  }
0x305: {  	s13 =	sor.u32 s14, s13  }
0x306: {  	s16 =	simm.s32 $0x200;
	s14 =	simm.s32 $0x40;
	v4 =	vld [tilespmem:s13+$0x200]  }
0x307: {  	s23 =	sand.u32 $0x1C00, s16;
	s21 =	sand.u32 $0x40, s14;
	[tilespmem:s17+$0xC200] =	vst.add.f32.msk $0xffff, v3  }
0x308: {  	s22 =	sadd.s32 s5, s23;
	s18 =	sor.u32 s10, s21;
	[tilespmem:s19+$0xC200] =	vst.add.f32.msk $0xffff, v5  }
0x309: {  	s23 =	sor.u32 s8, s21;
	s18 =	sor.u32 s22, s18;
	[tilespmem:s20+$0xC200] =	vst.add.f32.msk $0xffff, v6  }
0x30a: {  	s20 =	sor.u32 s11, s21;
	s19 =	sor.u32 s22, s23;
	v6 =	vld [tilespmem:s18+$0x200]  }
0x30b: {  	s23 =	sor.u32 s12, s21;
	s17 =	sor.u32 s22, s20;
	v7 =	vld [tilespmem:s19+$0x200]  }
0x30c: {  	s20 =	sor.u32 s22, s23;
	v5 =	vld [tilespmem:s17+$0x200]  }
0x30d: {  	v3 =	vld [tilespmem:s20+$0x200]  }
.LBB2_35:
0x30e: {  	s16 =	sadd.s32 $0x200, s16  }
0x30f: {  	s14 =	sadd.s32 $0x40, s14;
	[tilespmem:s13+$0xC200] =	vst.add.f32.msk $0xffff, v4;
	s13 =	smov.u32 s20;
	s21 =	sand.u32 $0x1C00, s16  }
0x310: {  	s20 =	sand.u32 $0x40, s14;
	p0 =	slt.u32 s14, $0x2C0;
	[tilespmem:s18+$0xC200] =	vst.add.f32.msk $0xffff, v6;
	s21 =	sadd.s32 s5, s21  }
0x311: {  	s22 =	sor.u32 s8, s20;
	s18 =	sor.u32 s10, s20;
	[tilespmem:s19+$0xC200] =	vst.add.f32.msk $0xffff, v7;
	s23 =	sor.u32 s11, s20  }
.Ltmp16:
0x312: {  	s20 =	sor.u32 s12, s20;
	s18 =	sor.u32 s21, s18;
	[tilespmem:s17+$0xC200] =	vst.add.f32.msk $0xffff, v5;
	(pc) =	sbr.rel @p0 .LBB2_35-.Ltmp16, $4  }
0x313: {  	s19 =	sor.u32 s21, s22;
	s17 =	sor.u32 s21, s23;
	s20 =	sor.u32 s21, s20;
	v6 =	vld [tilespmem:s18+$0x200];
	v4 =	vmov v3  }
0x314: {  	v7 =	vld [tilespmem:s19+$0x200]  }
0x315: {  	v5 =	vld [tilespmem:s17+$0x200]  }
0x316: {  	v3 =	vld [tilespmem:s20+$0x200]  }
0x317: {  	s4 =	sadd.s32 $0x1, s4  }
0x318: {  	p0 =	sne.s32 s4, $0x20  }
.Ltmp17:
0x319: {  	[tilespmem:s13+$0xC200] =	vst.add.f32.msk $0xffff, v4;
	(pc) =	sbr.rel @p0 .LBB2_34-.Ltmp17, $4  }
0x31a: {  	[tilespmem:s18+$0xC200] =	vst.add.f32.msk $0xffff, v6  }
0x31b: {  	[tilespmem:s19+$0xC200] =	vst.add.f32.msk $0xffff, v7  }
0x31c: {  	[tilespmem:s17+$0xC200] =	vst.add.f32.msk $0xffff, v5  }
0x31d: {  	[tilespmem:s20+$0xC200] =	vst.add.f32.msk $0xffff, v3  }
0x31e: {  	s30 =	simm.s32 $0x0;
	s4 =	rddreg [dreg:$0x12]  }
0x31f: {  	[hbm4b:s4+s30] =	stream.linear.scatter [tilespmem:s31], [sflag:$0x3], $0x6000, $0x38;
	[tilespmem:$0x18200] =	vst v63  }
0x320: {  	_ =	swait.ge [sflag:s29], $0x6000  }
0x321: {  	[sflag:s29] =	ssyncset.done $0x0  }
0x322: {  	[sflag:s29] =	ssyncadd.s32 $0xFFFFA000  }
0x323: {  	v3 =	vld [tilespmem:$0x140];
	_ =	sdelay $0x4  }
0x324: {  	v4 =	vshrl.u32 v3, $0x3  }
0x325: {  	v4 =	vmul.u32 $0x30, v4  }
0x326: {  	v3 =	vand.u32 $0x7, v3  }
0x327: {  	v3 =	vor.u32 v3, v4  }
0x328: {  	v4 =	vperm.xlane v3, v0;
	_ =	sdelay $0x1  }
0x329: {  	v4 =	vadd.s32 v1, v4;
	_ =	sdelay $0x3  }
0x32a: {  	v3 =	vperm.xlane v3, v2  }
0x32b: {  	[tilespmem:s31], [sflag:$0x1] =	stream.indirect_vreg.gather [hbm4b:s2+s30], $0x80, v4, vm0, $0xb8;
	[tilespmem:$0x18200] =	vst v63  }
0x32c: {  	s12 =	simm.s32 $0xCA00;
	v3 =	vadd.s32 v1, v3  }
0x32d: {  	[tilespmem:s12], [sflag:$0x1] =	stream.indirect_vreg.gather [hbm4b:s6+s30], $0x80, v4, vm0, $0xb8;
	[tilespmem:$0x18200] =	vst v63  }
0x32e: {  	s13 =	simm.s32 $0xD200  }
0x32f: {  	[tilespmem:s13], [sflag:$0x1] =	stream.indirect_vreg.gather [hbm4b:s7+s30], $0x80, v4, vm0, $0xb8;
	[tilespmem:$0x18200] =	vst v63  }
0x330: {  	s14 =	simm.s32 $0xDA00  }
0x331: {  	[tilespmem:s14], [sflag:$0x1] =	stream.indirect_vreg.gather [hbm4b:s2+s30], $0x80, v3, vm0, $0xb8;
	[tilespmem:$0x18200] =	vst v63  }
0x332: {  	s16 =	simm.s32 $0xE200  }
0x333: {  	[tilespmem:s16], [sflag:$0x1] =	stream.indirect_vreg.gather [hbm4b:s6+s30], $0x80, v3, vm0, $0xb8;
	[tilespmem:$0x18200] =	vst v63  }
0x334: {  	s17 =	simm.s32 $0xEA00  }
0x335: {  	[tilespmem:s17], [sflag:$0x1] =	stream.indirect_vreg.gather [hbm4b:s7+s30], $0x80, v3, vm0, $0xb8;
	[tilespmem:$0x18200] =	vst v63  }
0x336: {  	v3 =	vld [tilespmem:$0x150];
	_ =	sdelay $0x4  }
0x337: {  	v63 =	vshrl.u32 v3, $0x3  }
0x338: {  	v4 =	vmul.u32 $0x30, v63  }
0x339: {  	v3 =	vand.u32 $0x7, v3  }
0x33a: {  	v3 =	vor.u32 v3, v4  }
0x33b: {  	v4 =	vperm.xlane v3, v0;
	_ =	sdelay $0x1  }
0x33c: {  	v4 =	vadd.s32 v1, v4;
	_ =	sdelay $0x3  }
0x33d: {  	s18 =	simm.s32 $0xF200;
	v3 =	vperm.xlane v3, v2  }
0x33e: {  	[tilespmem:s18], [sflag:$0x1] =	stream.indirect_vreg.gather [hbm4b:s2+s30], $0x80, v4, vm0, $0xb8;
	[tilespmem:$0x18200] =	vst v63  }
0x33f: {  	s19 =	simm.s32 $0xFA00;
	v3 =	vadd.s32 v1, v3  }
0x340: {  	[tilespmem:s19], [sflag:$0x1] =	stream.indirect_vreg.gather [hbm4b:s6+s30], $0x80, v4, vm0, $0xb8;
	[tilespmem:$0x18200] =	vst v63  }
0x341: {  	s20 =	simm.s32 $0x10200  }
0x342: {  	[tilespmem:s20], [sflag:$0x1] =	stream.indirect_vreg.gather [hbm4b:s7+s30], $0x80, v4, vm0, $0xb8;
	[tilespmem:$0x18200] =	vst v63  }
0x343: {  	s21 =	simm.s32 $0x10A00  }
0x344: {  	[tilespmem:s21], [sflag:$0x1] =	stream.indirect_vreg.gather [hbm4b:s2+s30], $0x80, v3, vm0, $0xb8;
	[tilespmem:$0x18200] =	vst v63  }
0x345: {  	s22 =	simm.s32 $0x11200  }
0x346: {  	[tilespmem:s22], [sflag:$0x1] =	stream.indirect_vreg.gather [hbm4b:s6+s30], $0x80, v3, vm0, $0xb8;
	[tilespmem:$0x18200] =	vst v63  }
0x347: {  	s23 =	simm.s32 $0x11A00  }
0x348: {  	[tilespmem:s23], [sflag:$0x1] =	stream.indirect_vreg.gather [hbm4b:s7+s30], $0x80, v3, vm0, $0xb8;
	[tilespmem:$0x18200] =	vst v63  }
0x349: {  	_ =	swait.ge [sflag:s28], $0x6000  }
0x34a: {  	[sflag:s28] =	ssyncset.done $0x0  }
0x34b: {  	s4 =	simm.s32 $0x0;
	[sflag:s28] =	ssyncadd.s32 $0xFFFFA000  }
.LBB2_38:
0x34c: {  	s5 =	sshrl.u32 s4, $0x3  }
0x34d: {  	s8 =	sshll.u32 s4, $0x7;
	s5 =	smul.u32 $0x1800, s5  }
0x34e: {  	s8 =	sand.u32 $0x380, s8  }
0x34f: {  	s10 =	simm.s32 $0x0;
	s8 =	sor.u32 s8, s5  }
0x350: {  	s19 =	sand.u32 $0x1C00, s30;
	s12 =	sand.u32 $0x40, s10;
	s5 =	sadd.s32 $0x200, s8  }
0x351: {  	s13 =	sor.u32 $0x10, s12;
	s11 =	sadd.s32 s19, s5  }
0x352: {  	s16 =	sor.u32 $0x20, s12;
	s14 =	sadd.s32 s13, s11  }
0x353: {  	s17 =	sor.u32 $0x30, s12;
	s20 =	sadd.s32 s16, s11;
	v4 =	vld [tilespmem:s14+$0x0]  }
0x354: {  	s21 =	sadd.s32 s17, s11;
	v5 =	vld [tilespmem:s20+$0x0]  }
0x355: {  	s8 =	sadd.s32 $0x12200, s8;
	v6 =	vld [tilespmem:s21+$0x0]  }
0x356: {  	s11 =	sadd.s32 s12, s11;
	s14 =	sadd.s32 s19, s8  }
0x357: {  	s10 =	simm.s32 $0x40;
	v3 =	vld [tilespmem:s11+$0x0];
	s11 =	simm.s32 $0x200;
	s13 =	sadd.s32 s13, s14  }
0x358: {  	s18 =	sand.u32 $0x40, s10;
	s16 =	sadd.s32 s16, s14;
	s19 =	sand.u32 $0x1C00, s11;
	[tilespmem:s13+$0x0] =	vst.add.f32.msk $0xffff, v4  }
0x359: {  	s20 =	sor.u32 $0x10, s18;
	s22 =	sadd.s32 s17, s14;
	s17 =	sadd.s32 s19, s5;
	[tilespmem:s16+$0x0] =	vst.add.f32.msk $0xffff, v5  }
0x35a: {  	s21 =	sor.u32 $0x20, s18;
	s23 =	sadd.s32 s20, s17;
	[tilespmem:s22+$0x0] =	vst.add.f32.msk $0xffff, v6  }
0x35b: {  	s22 =	sor.u32 $0x30, s18;
	v4 =	vld [tilespmem:s23+$0x0];
	s23 =	sadd.s32 s21, s17  }
0x35c: {  	s19 =	sadd.s32 s19, s8;
	v5 =	vld [tilespmem:s23+$0x0];
	s13 =	sadd.s32 s22, s17  }
0x35d: {  	s12 =	sadd.s32 s12, s14;
	s16 =	sadd.s32 s20, s19;
	s23 =	sadd.s32 s18, s17;
	v7 =	vld [tilespmem:s13+$0x0]  }
0x35e: {  	s17 =	sadd.s32 s18, s19;
	s14 =	sadd.s32 s22, s19;
	s13 =	sadd.s32 s21, s19;
	v6 =	vld [tilespmem:s23+$0x0]  }
.LBB2_39:
0x35f: {  	s10 =	sadd.s32 $0x40, s10;
	s11 =	sadd.s32 $0x200, s11;
	[tilespmem:s12+$0x0] =	vst.add.f32.msk $0xffff, v3;
	s12 =	smov.u32 s17  }
0x360: {  	s17 =	sand.u32 $0x40, s10;
	s18 =	sand.u32 $0x1C00, s11;
	p0 =	slt.u32 s10, $0x2C0;
	[tilespmem:s16+$0x0] =	vst.add.f32.msk $0xffff, v4  }
0x361: {  	s19 =	sadd.s32 s18, s5;
	s16 =	sor.u32 $0x10, s17;
	s20 =	sor.u32 $0x30, s17;
	[tilespmem:s13+$0x0] =	vst.add.f32.msk $0xffff, v5  }
.Ltmp18:
0x362: {  	s21 =	sor.u32 $0x20, s17;
	s13 =	sadd.s32 s16, s19;
	[tilespmem:s14+$0x0] =	vst.add.f32.msk $0xffff, v7;
	(pc) =	sbr.rel @p0 .LBB2_39-.Ltmp18, $4  }
0x363: {  	s22 =	sadd.s32 s17, s19;
	s14 =	sadd.s32 s18, s8;
	v4 =	vld [tilespmem:s13+$0x0];
	s13 =	sadd.s32 s21, s19;
	v3 =	vmov v6  }
0x364: {  	s18 =	sadd.s32 s20, s19;
	s16 =	sadd.s32 s16, s14;
	v5 =	vld [tilespmem:s13+$0x0];
	s13 =	sadd.s32 s21, s14  }
0x365: {  	s17 =	sadd.s32 s17, s14;
	s14 =	sadd.s32 s20, s14;
	v7 =	vld [tilespmem:s18+$0x0]  }
0x366: {  	v6 =	vld [tilespmem:s22+$0x0]  }
0x367: {  	s4 =	sadd.s32 $0x1, s4  }
0x368: {  	p0 =	sne.s32 s4, $0x20  }
.Ltmp19:
0x369: {  	[tilespmem:s12+$0x0] =	vst.add.f32.msk $0xffff, v3;
	(pc) =	sbr.rel @p0 .LBB2_38-.Ltmp19, $4  }
0x36a: {  	[tilespmem:s16+$0x0] =	vst.add.f32.msk $0xffff, v4  }
0x36b: {  	[tilespmem:s13+$0x0] =	vst.add.f32.msk $0xffff, v5  }
0x36c: {  	[tilespmem:s14+$0x0] =	vst.add.f32.msk $0xffff, v7  }
0x36d: {  	[tilespmem:s17+$0x0] =	vst.add.f32.msk $0xffff, v6  }
0x36e: {  	s30 =	simm.s32 $0x0;
	s4 =	rddreg [dreg:$0x13]  }
0x36f: {  	[hbm4b:s4+s30] =	stream.linear.scatter [tilespmem:s15], [sflag:$0x4], $0x6000, $0x38;
	[tilespmem:$0x18200] =	vst v63  }
0x370: {  	_ =	swait.ge [sflag:s0], $0x6000  }
0x371: {  	[sflag:s0] =	ssyncset.done $0x0  }
0x372: {  	[sflag:s0] =	ssyncadd.s32 $0xFFFFA000  }
0x373: {  	v3 =	vld [tilespmem:$0x1C0];
	_ =	sdelay $0x4  }
0x374: {  	v4 =	vshrl.u32 v3, $0x3  }
0x375: {  	v4 =	vmul.u32 $0x30, v4  }
0x376: {  	v3 =	vand.u32 $0x7, v3  }
0x377: {  	v3 =	vor.u32 v3, v4  }
0x378: {  	v4 =	vperm.xlane v3, v0;
	_ =	sdelay $0x1  }
0x379: {  	v4 =	vadd.s32 v1, v4;
	_ =	sdelay $0x3  }
0x37a: {  	v3 =	vperm.xlane v3, v2  }
0x37b: {  	[tilespmem:s15], [sflag:$0x2] =	stream.indirect_vreg.gather [hbm4b:s2+s30], $0x80, v4, vm0, $0xb8;
	[tilespmem:$0x18200] =	vst v63  }
0x37c: {  	s16 =	simm.s32 $0x12A00;
	v3 =	vadd.s32 v1, v3  }
0x37d: {  	[tilespmem:s16], [sflag:$0x2] =	stream.indirect_vreg.gather [hbm4b:s6+s30], $0x80, v4, vm0, $0xb8;
	[tilespmem:$0x18200] =	vst v63  }
0x37e: {  	s17 =	simm.s32 $0x13200  }
0x37f: {  	[tilespmem:s17], [sflag:$0x2] =	stream.indirect_vreg.gather [hbm4b:s7+s30], $0x80, v4, vm0, $0xb8;
	[tilespmem:$0x18200] =	vst v63  }
0x380: {  	s18 =	simm.s32 $0x13A00  }
0x381: {  	[tilespmem:s18], [sflag:$0x2] =	stream.indirect_vreg.gather [hbm4b:s2+s30], $0x80, v3, vm0, $0xb8;
	[tilespmem:$0x18200] =	vst v63  }
0x382: {  	s19 =	simm.s32 $0x14200  }
0x383: {  	[tilespmem:s19], [sflag:$0x2] =	stream.indirect_vreg.gather [hbm4b:s6+s30], $0x80, v3, vm0, $0xb8;
	[tilespmem:$0x18200] =	vst v63  }
0x384: {  	s20 =	simm.s32 $0x14A00  }
0x385: {  	[tilespmem:s20], [sflag:$0x2] =	stream.indirect_vreg.gather [hbm4b:s7+s30], $0x80, v3, vm0, $0xb8;
	[tilespmem:$0x18200] =	vst v63  }
0x386: {  	v3 =	vld [tilespmem:$0x1D0];
	_ =	sdelay $0x4  }
0x387: {  	v63 =	vshrl.u32 v3, $0x3  }
0x388: {  	v4 =	vmul.u32 $0x30, v63  }
0x389: {  	v3 =	vand.u32 $0x7, v3  }
0x38a: {  	v3 =	vor.u32 v3, v4  }
0x38b: {  	v4 =	vperm.xlane v3, v0;
	_ =	sdelay $0x1  }
0x38c: {  	v4 =	vadd.s32 v1, v4;
	_ =	sdelay $0x3  }
0x38d: {  	s21 =	simm.s32 $0x15200;
	v3 =	vperm.xlane v3, v2  }
0x38e: {  	[tilespmem:s21], [sflag:$0x2] =	stream.indirect_vreg.gather [hbm4b:s2+s30], $0x80, v4, vm0, $0xb8;
	[tilespmem:$0x18200] =	vst v63  }
0x38f: {  	s22 =	simm.s32 $0x15A00;
	v3 =	vadd.s32 v1, v3  }
0x390: {  	[tilespmem:s22], [sflag:$0x2] =	stream.indirect_vreg.gather [hbm4b:s6+s30], $0x80, v4, vm0, $0xb8;
	[tilespmem:$0x18200] =	vst v63  }
0x391: {  	s23 =	simm.s32 $0x16200  }
0x392: {  	[tilespmem:s23], [sflag:$0x2] =	stream.indirect_vreg.gather [hbm4b:s7+s30], $0x80, v4, vm0, $0xb8;
	[tilespmem:$0x18200] =	vst v63  }
0x393: {  	_ = 	snop  }
0x394: {  	[tilespmem:s24], [sflag:$0x2] =	stream.indirect_vreg.gather [hbm4b:s2+s30], $0x80, v3, vm0, $0xb8;
	[tilespmem:$0x18200] =	vst v63  }
0x395: {  	_ = 	snop  }
0x396: {  	[tilespmem:s25], [sflag:$0x2] =	stream.indirect_vreg.gather [hbm4b:s6+s30], $0x80, v3, vm0, $0xb8;
	[tilespmem:$0x18200] =	vst v63  }
0x397: {  	_ = 	snop  }
0x398: {  	[tilespmem:s26], [sflag:$0x2] =	stream.indirect_vreg.gather [hbm4b:s7+s30], $0x80, v3, vm0, $0xb8;
	[tilespmem:$0x18200] =	vst v63  }
0x399: {  	_ =	swait.ge [sflag:s9], $0x6000  }
0x39a: {  	[sflag:s9] =	ssyncset.done $0x0  }
0x39b: {  	s4 =	simm.s32 $0x0;
	[sflag:s9] =	ssyncadd.s32 $0xFFFFA000  }
.LBB2_42:
0x39c: {  	s5 =	sshrl.u32 s4, $0x3;
	s8 =	sshll.u32 s4, $0x7  }
0x39d: {  	s11 =	simm.s32 $0x0;
	s5 =	smul.u32 $0x1800, s5;
	s8 =	sand.u32 $0x380, s8  }
0x39e: {  	s22 =	sand.u32 $0x1C00, s30;
	s13 =	sand.u32 $0x40, s11;
	s10 =	sor.u32 $0x30, s8  }
0x39f: {  	s14 =	sadd.s32 s5, s22;
	s12 =	sor.u32 s10, s13  }
0x3a0: {  	s11 =	sor.u32 $0x10, s8;
	s16 =	sor.u32 s8, s13;
	s17 =	sor.u32 s14, s12  }
0x3a1: {  	s18 =	sor.u32 s11, s13;
	s19 =	sor.u32 s14, s16;
	v3 =	vld [tilespmem:s17+$0x200]  }
0x3a2: {  	s12 =	sor.u32 $0x20, s8;
	s20 =	sor.u32 s14, s18;
	v5 =	vld [tilespmem:s19+$0x200]  }
0x3a3: {  	s13 =	sor.u32 s12, s13;
	v6 =	vld [tilespmem:s20+$0x200]  }
0x3a4: {  	s13 =	sor.u32 s14, s13  }
0x3a5: {  	s16 =	simm.s32 $0x200;
	s14 =	simm.s32 $0x40;
	v4 =	vld [tilespmem:s13+$0x200]  }
0x3a6: {  	s23 =	sand.u32 $0x1C00, s16;
	s21 =	sand.u32 $0x40, s14;
	[tilespmem:s17+$0xC200] =	vst.add.f32.msk $0xffff, v3  }
0x3a7: {  	s22 =	sadd.s32 s5, s23;
	s18 =	sor.u32 s10, s21;
	[tilespmem:s19+$0xC200] =	vst.add.f32.msk $0xffff, v5  }
0x3a8: {  	s23 =	sor.u32 s8, s21;
	s18 =	sor.u32 s22, s18;
	[tilespmem:s20+$0xC200] =	vst.add.f32.msk $0xffff, v6  }
0x3a9: {  	s20 =	sor.u32 s11, s21;
	s19 =	sor.u32 s22, s23;
	v6 =	vld [tilespmem:s18+$0x200]  }
0x3aa: {  	s23 =	sor.u32 s12, s21;
	s17 =	sor.u32 s22, s20;
	v7 =	vld [tilespmem:s19+$0x200]  }
0x3ab: {  	s20 =	sor.u32 s22, s23;
	v5 =	vld [tilespmem:s17+$0x200]  }
0x3ac: {  	v3 =	vld [tilespmem:s20+$0x200]  }
.LBB2_43:
0x3ad: {  	s16 =	sadd.s32 $0x200, s16  }
0x3ae: {  	s14 =	sadd.s32 $0x40, s14;
	[tilespmem:s13+$0xC200] =	vst.add.f32.msk $0xffff, v4;
	s13 =	smov.u32 s20;
	s21 =	sand.u32 $0x1C00, s16  }
0x3af: {  	s20 =	sand.u32 $0x40, s14;
	p0 =	slt.u32 s14, $0x2C0;
	[tilespmem:s18+$0xC200] =	vst.add.f32.msk $0xffff, v6;
	s21 =	sadd.s32 s5, s21  }
0x3b0: {  	s22 =	sor.u32 s8, s20;
	s18 =	sor.u32 s10, s20;
	[tilespmem:s19+$0xC200] =	vst.add.f32.msk $0xffff, v7;
	s23 =	sor.u32 s11, s20  }
.Ltmp20:
0x3b1: {  	s20 =	sor.u32 s12, s20;
	s18 =	sor.u32 s21, s18;
	[tilespmem:s17+$0xC200] =	vst.add.f32.msk $0xffff, v5;
	(pc) =	sbr.rel @p0 .LBB2_43-.Ltmp20, $4  }
0x3b2: {  	s19 =	sor.u32 s21, s22;
	s17 =	sor.u32 s21, s23;
	s20 =	sor.u32 s21, s20;
	v6 =	vld [tilespmem:s18+$0x200];
	v4 =	vmov v3  }
0x3b3: {  	v7 =	vld [tilespmem:s19+$0x200]  }
0x3b4: {  	v5 =	vld [tilespmem:s17+$0x200]  }
0x3b5: {  	v3 =	vld [tilespmem:s20+$0x200]  }
0x3b6: {  	s4 =	sadd.s32 $0x1, s4  }
0x3b7: {  	p0 =	sne.s32 s4, $0x20  }
.Ltmp21:
0x3b8: {  	[tilespmem:s13+$0xC200] =	vst.add.f32.msk $0xffff, v4;
	(pc) =	sbr.rel @p0 .LBB2_42-.Ltmp21, $4  }
0x3b9: {  	[tilespmem:s18+$0xC200] =	vst.add.f32.msk $0xffff, v6  }
0x3ba: {  	[tilespmem:s19+$0xC200] =	vst.add.f32.msk $0xffff, v7  }
0x3bb: {  	[tilespmem:s17+$0xC200] =	vst.add.f32.msk $0xffff, v5  }
0x3bc: {  	[tilespmem:s20+$0xC200] =	vst.add.f32.msk $0xffff, v3  }
0x3bd: {  	s30 =	simm.s32 $0x0;
	s4 =	rddreg [dreg:$0x14]  }
0x3be: {  	[hbm4b:s4+s30] =	stream.linear.scatter [tilespmem:s31], [sflag:$0x3], $0x6000, $0x38;
	[tilespmem:$0x18200] =	vst v63  }
0x3bf: {  	_ =	swait.ge [sflag:s29], $0x6000  }
0x3c0: {  	[sflag:s29] =	ssyncset.done $0x0  }
0x3c1: {  	[sflag:s29] =	ssyncadd.s32 $0xFFFFA000  }
0x3c2: {  	v3 =	vld [tilespmem:$0x60];
	_ =	sdelay $0x4  }
0x3c3: {  	v4 =	vshrl.u32 v3, $0x3  }
0x3c4: {  	v4 =	vmul.u32 $0x30, v4  }
0x3c5: {  	v3 =	vand.u32 $0x7, v3  }
0x3c6: {  	v3 =	vor.u32 v3, v4  }
0x3c7: {  	v4 =	vperm.xlane v3, v0;
	_ =	sdelay $0x1  }
0x3c8: {  	v4 =	vadd.s32 v1, v4;
	_ =	sdelay $0x3  }
0x3c9: {  	v3 =	vperm.xlane v3, v2  }
0x3ca: {  	[tilespmem:s31], [sflag:$0x1] =	stream.indirect_vreg.gather [hbm4b:s2+s30], $0x80, v4, vm0, $0xb8;
	[tilespmem:$0x18200] =	vst v63  }
0x3cb: {  	s12 =	simm.s32 $0xCA00;
	v3 =	vadd.s32 v1, v3  }
0x3cc: {  	[tilespmem:s12], [sflag:$0x1] =	stream.indirect_vreg.gather [hbm4b:s6+s30], $0x80, v4, vm0, $0xb8;
	[tilespmem:$0x18200] =	vst v63  }
0x3cd: {  	s13 =	simm.s32 $0xD200  }
0x3ce: {  	[tilespmem:s13], [sflag:$0x1] =	stream.indirect_vreg.gather [hbm4b:s7+s30], $0x80, v4, vm0, $0xb8;
	[tilespmem:$0x18200] =	vst v63  }
0x3cf: {  	s14 =	simm.s32 $0xDA00  }
0x3d0: {  	[tilespmem:s14], [sflag:$0x1] =	stream.indirect_vreg.gather [hbm4b:s2+s30], $0x80, v3, vm0, $0xb8;
	[tilespmem:$0x18200] =	vst v63  }
0x3d1: {  	s16 =	simm.s32 $0xE200  }
0x3d2: {  	[tilespmem:s16], [sflag:$0x1] =	stream.indirect_vreg.gather [hbm4b:s6+s30], $0x80, v3, vm0, $0xb8;
	[tilespmem:$0x18200] =	vst v63  }
0x3d3: {  	s17 =	simm.s32 $0xEA00  }
0x3d4: {  	[tilespmem:s17], [sflag:$0x1] =	stream.indirect_vreg.gather [hbm4b:s7+s30], $0x80, v3, vm0, $0xb8;
	[tilespmem:$0x18200] =	vst v63  }
0x3d5: {  	v3 =	vld [tilespmem:$0x70];
	_ =	sdelay $0x4  }
0x3d6: {  	v63 =	vshrl.u32 v3, $0x3  }
0x3d7: {  	v4 =	vmul.u32 $0x30, v63  }
0x3d8: {  	v3 =	vand.u32 $0x7, v3  }
0x3d9: {  	v3 =	vor.u32 v3, v4  }
0x3da: {  	v4 =	vperm.xlane v3, v0;
	_ =	sdelay $0x1  }
0x3db: {  	v4 =	vadd.s32 v1, v4;
	_ =	sdelay $0x3  }
0x3dc: {  	s18 =	simm.s32 $0xF200;
	v3 =	vperm.xlane v3, v2  }
0x3dd: {  	[tilespmem:s18], [sflag:$0x1] =	stream.indirect_vreg.gather [hbm4b:s2+s30], $0x80, v4, vm0, $0xb8;
	[tilespmem:$0x18200] =	vst v63  }
0x3de: {  	s19 =	simm.s32 $0xFA00;
	v3 =	vadd.s32 v1, v3  }
0x3df: {  	[tilespmem:s19], [sflag:$0x1] =	stream.indirect_vreg.gather [hbm4b:s6+s30], $0x80, v4, vm0, $0xb8;
	[tilespmem:$0x18200] =	vst v63  }
0x3e0: {  	s20 =	simm.s32 $0x10200  }
0x3e1: {  	[tilespmem:s20], [sflag:$0x1] =	stream.indirect_vreg.gather [hbm4b:s7+s30], $0x80, v4, vm0, $0xb8;
	[tilespmem:$0x18200] =	vst v63  }
0x3e2: {  	s21 =	simm.s32 $0x10A00  }
0x3e3: {  	[tilespmem:s21], [sflag:$0x1] =	stream.indirect_vreg.gather [hbm4b:s2+s30], $0x80, v3, vm0, $0xb8;
	[tilespmem:$0x18200] =	vst v63  }
0x3e4: {  	s22 =	simm.s32 $0x11200  }
0x3e5: {  	[tilespmem:s22], [sflag:$0x1] =	stream.indirect_vreg.gather [hbm4b:s6+s30], $0x80, v3, vm0, $0xb8;
	[tilespmem:$0x18200] =	vst v63  }
0x3e6: {  	s23 =	simm.s32 $0x11A00  }
0x3e7: {  	[tilespmem:s23], [sflag:$0x1] =	stream.indirect_vreg.gather [hbm4b:s7+s30], $0x80, v3, vm0, $0xb8;
	[tilespmem:$0x18200] =	vst v63  }
0x3e8: {  	_ =	swait.ge [sflag:s28], $0x6000  }
0x3e9: {  	[sflag:s28] =	ssyncset.done $0x0  }
0x3ea: {  	s4 =	simm.s32 $0x0;
	[sflag:s28] =	ssyncadd.s32 $0xFFFFA000  }
.LBB2_46:
0x3eb: {  	s5 =	sshrl.u32 s4, $0x3  }
0x3ec: {  	s8 =	sshll.u32 s4, $0x7;
	s5 =	smul.u32 $0x1800, s5  }
0x3ed: {  	s8 =	sand.u32 $0x380, s8  }
0x3ee: {  	s10 =	simm.s32 $0x0;
	s8 =	sor.u32 s8, s5  }
0x3ef: {  	s19 =	sand.u32 $0x1C00, s30;
	s12 =	sand.u32 $0x40, s10;
	s5 =	sadd.s32 $0x200, s8  }
0x3f0: {  	s13 =	sor.u32 $0x10, s12;
	s11 =	sadd.s32 s19, s5  }
0x3f1: {  	s16 =	sor.u32 $0x20, s12;
	s14 =	sadd.s32 s13, s11  }
0x3f2: {  	s17 =	sor.u32 $0x30, s12;
	s20 =	sadd.s32 s16, s11;
	v4 =	vld [tilespmem:s14+$0x0]  }
0x3f3: {  	s21 =	sadd.s32 s17, s11;
	v5 =	vld [tilespmem:s20+$0x0]  }
0x3f4: {  	s8 =	sadd.s32 $0x12200, s8;
	v6 =	vld [tilespmem:s21+$0x0]  }
0x3f5: {  	s11 =	sadd.s32 s12, s11;
	s14 =	sadd.s32 s19, s8  }
0x3f6: {  	s10 =	simm.s32 $0x40;
	v3 =	vld [tilespmem:s11+$0x0];
	s11 =	simm.s32 $0x200;
	s13 =	sadd.s32 s13, s14  }
0x3f7: {  	s18 =	sand.u32 $0x40, s10;
	s16 =	sadd.s32 s16, s14;
	s19 =	sand.u32 $0x1C00, s11;
	[tilespmem:s13+$0x0] =	vst.add.f32.msk $0xffff, v4  }
0x3f8: {  	s20 =	sor.u32 $0x10, s18;
	s22 =	sadd.s32 s17, s14;
	s17 =	sadd.s32 s19, s5;
	[tilespmem:s16+$0x0] =	vst.add.f32.msk $0xffff, v5  }
0x3f9: {  	s21 =	sor.u32 $0x20, s18;
	s23 =	sadd.s32 s20, s17;
	[tilespmem:s22+$0x0] =	vst.add.f32.msk $0xffff, v6  }
0x3fa: {  	s22 =	sor.u32 $0x30, s18;
	v4 =	vld [tilespmem:s23+$0x0];
	s23 =	sadd.s32 s21, s17  }
0x3fb: {  	s19 =	sadd.s32 s19, s8;
	v5 =	vld [tilespmem:s23+$0x0];
	s13 =	sadd.s32 s22, s17  }
0x3fc: {  	s12 =	sadd.s32 s12, s14;
	s16 =	sadd.s32 s20, s19;
	s23 =	sadd.s32 s18, s17;
	v7 =	vld [tilespmem:s13+$0x0]  }
0x3fd: {  	s17 =	sadd.s32 s18, s19;
	s14 =	sadd.s32 s22, s19;
	s13 =	sadd.s32 s21, s19;
	v6 =	vld [tilespmem:s23+$0x0]  }
.LBB2_47:
0x3fe: {  	s10 =	sadd.s32 $0x40, s10;
	s11 =	sadd.s32 $0x200, s11;
	[tilespmem:s12+$0x0] =	vst.add.f32.msk $0xffff, v3;
	s12 =	smov.u32 s17  }
0x3ff: {  	s17 =	sand.u32 $0x40, s10;
	s18 =	sand.u32 $0x1C00, s11;
	p0 =	slt.u32 s10, $0x2C0;
	[tilespmem:s16+$0x0] =	vst.add.f32.msk $0xffff, v4  }
0x400: {  	s19 =	sadd.s32 s18, s5;
	s16 =	sor.u32 $0x10, s17;
	s20 =	sor.u32 $0x30, s17;
	[tilespmem:s13+$0x0] =	vst.add.f32.msk $0xffff, v5  }
.Ltmp22:
0x401: {  	s21 =	sor.u32 $0x20, s17;
	s13 =	sadd.s32 s16, s19;
	[tilespmem:s14+$0x0] =	vst.add.f32.msk $0xffff, v7;
	(pc) =	sbr.rel @p0 .LBB2_47-.Ltmp22, $4  }
0x402: {  	s22 =	sadd.s32 s17, s19;
	s14 =	sadd.s32 s18, s8;
	v4 =	vld [tilespmem:s13+$0x0];
	s13 =	sadd.s32 s21, s19;
	v3 =	vmov v6  }
0x403: {  	s18 =	sadd.s32 s20, s19;
	s16 =	sadd.s32 s16, s14;
	v5 =	vld [tilespmem:s13+$0x0];
	s13 =	sadd.s32 s21, s14  }
0x404: {  	s17 =	sadd.s32 s17, s14;
	s14 =	sadd.s32 s20, s14;
	v7 =	vld [tilespmem:s18+$0x0]  }
0x405: {  	v6 =	vld [tilespmem:s22+$0x0]  }
0x406: {  	s4 =	sadd.s32 $0x1, s4  }
0x407: {  	p0 =	sne.s32 s4, $0x20  }
.Ltmp23:
0x408: {  	[tilespmem:s12+$0x0] =	vst.add.f32.msk $0xffff, v3;
	(pc) =	sbr.rel @p0 .LBB2_46-.Ltmp23, $4  }
0x409: {  	[tilespmem:s16+$0x0] =	vst.add.f32.msk $0xffff, v4  }
0x40a: {  	[tilespmem:s13+$0x0] =	vst.add.f32.msk $0xffff, v5  }
0x40b: {  	[tilespmem:s14+$0x0] =	vst.add.f32.msk $0xffff, v7  }
0x40c: {  	[tilespmem:s17+$0x0] =	vst.add.f32.msk $0xffff, v6  }
0x40d: {  	s30 =	simm.s32 $0x0;
	s4 =	rddreg [dreg:$0x15];
	s14 =	simm.s32 $0x6  }
0x40e: {  	[hbm4b:s4+s30] =	stream.linear.scatter [tilespmem:s15], [sflag:$0x4], $0x6000, $0x38;
	[tilespmem:$0x18200] =	vst v63  }
0x40f: {  	_ =	swait.ge [sflag:s14], $0x6000  }
0x410: {  	[sflag:s14] =	ssyncset.done $0x0  }
0x411: {  	[sflag:s14] =	ssyncadd.s32 $0xFFFFA000  }
0x412: {  	_ =	swait.ge [sflag:s0], $0x6000  }
0x413: {  	[sflag:s0] =	ssyncset.done $0x0  }
0x414: {  	[sflag:s0] =	ssyncadd.s32 $0xFFFFA000  }
0x415: {  	v3 =	vld [tilespmem:$0xE0];
	_ =	sdelay $0x4  }
0x416: {  	v4 =	vshrl.u32 v3, $0x3  }
0x417: {  	v4 =	vmul.u32 $0x30, v4  }
0x418: {  	v3 =	vand.u32 $0x7, v3  }
0x419: {  	v3 =	vor.u32 v3, v4  }
0x41a: {  	v4 =	vperm.xlane v3, v0;
	_ =	sdelay $0x1  }
0x41b: {  	v4 =	vadd.s32 v1, v4;
	_ =	sdelay $0x3  }
0x41c: {  	v3 =	vperm.xlane v3, v2  }
0x41d: {  	[tilespmem:s15], [sflag:$0x2] =	stream.indirect_vreg.gather [hbm4b:s2+s30], $0x80, v4, vm0, $0xb8;
	[tilespmem:$0x18200] =	vst v63  }
0x41e: {  	s16 =	simm.s32 $0x12A00;
	v3 =	vadd.s32 v1, v3  }
0x41f: {  	[tilespmem:s16], [sflag:$0x2] =	stream.indirect_vreg.gather [hbm4b:s6+s30], $0x80, v4, vm0, $0xb8;
	[tilespmem:$0x18200] =	vst v63  }
0x420: {  	s17 =	simm.s32 $0x13200  }
0x421: {  	[tilespmem:s17], [sflag:$0x2] =	stream.indirect_vreg.gather [hbm4b:s7+s30], $0x80, v4, vm0, $0xb8;
	[tilespmem:$0x18200] =	vst v63  }
0x422: {  	s18 =	simm.s32 $0x13A00  }
0x423: {  	[tilespmem:s18], [sflag:$0x2] =	stream.indirect_vreg.gather [hbm4b:s2+s30], $0x80, v3, vm0, $0xb8;
	[tilespmem:$0x18200] =	vst v63  }
0x424: {  	s19 =	simm.s32 $0x14200  }
0x425: {  	[tilespmem:s19], [sflag:$0x2] =	stream.indirect_vreg.gather [hbm4b:s6+s30], $0x80, v3, vm0, $0xb8;
	[tilespmem:$0x18200] =	vst v63  }
0x426: {  	s20 =	simm.s32 $0x14A00  }
0x427: {  	[tilespmem:s20], [sflag:$0x2] =	stream.indirect_vreg.gather [hbm4b:s7+s30], $0x80, v3, vm0, $0xb8;
	[tilespmem:$0x18200] =	vst v63  }
0x428: {  	v3 =	vld [tilespmem:$0xF0];
	_ =	sdelay $0x4  }
0x429: {  	v63 =	vshrl.u32 v3, $0x3  }
0x42a: {  	v4 =	vmul.u32 $0x30, v63  }
0x42b: {  	v3 =	vand.u32 $0x7, v3  }
0x42c: {  	v3 =	vor.u32 v3, v4  }
0x42d: {  	v4 =	vperm.xlane v3, v0;
	_ =	sdelay $0x1  }
0x42e: {  	v4 =	vadd.s32 v1, v4;
	_ =	sdelay $0x3  }
0x42f: {  	s21 =	simm.s32 $0x15200;
	v3 =	vperm.xlane v3, v2  }
0x430: {  	[tilespmem:s21], [sflag:$0x2] =	stream.indirect_vreg.gather [hbm4b:s2+s30], $0x80, v4, vm0, $0xb8;
	[tilespmem:$0x18200] =	vst v63  }
0x431: {  	s22 =	simm.s32 $0x15A00;
	v3 =	vadd.s32 v1, v3  }
0x432: {  	[tilespmem:s22], [sflag:$0x2] =	stream.indirect_vreg.gather [hbm4b:s6+s30], $0x80, v4, vm0, $0xb8;
	[tilespmem:$0x18200] =	vst v63  }
0x433: {  	s23 =	simm.s32 $0x16200  }
0x434: {  	[tilespmem:s23], [sflag:$0x2] =	stream.indirect_vreg.gather [hbm4b:s7+s30], $0x80, v4, vm0, $0xb8;
	[tilespmem:$0x18200] =	vst v63  }
0x435: {  	_ = 	snop  }
0x436: {  	[tilespmem:s24], [sflag:$0x2] =	stream.indirect_vreg.gather [hbm4b:s2+s30], $0x80, v3, vm0, $0xb8;
	[tilespmem:$0x18200] =	vst v63  }
0x437: {  	_ = 	snop  }
0x438: {  	[tilespmem:s25], [sflag:$0x2] =	stream.indirect_vreg.gather [hbm4b:s6+s30], $0x80, v3, vm0, $0xb8;
	[tilespmem:$0x18200] =	vst v63  }
0x439: {  	_ = 	snop  }
0x43a: {  	[tilespmem:s26], [sflag:$0x2] =	stream.indirect_vreg.gather [hbm4b:s7+s30], $0x80, v3, vm0, $0xb8;
	[tilespmem:$0x18200] =	vst v63  }
0x43b: {  	_ =	swait.ge [sflag:s9], $0x6000  }
0x43c: {  	[sflag:s9] =	ssyncset.done $0x0  }
0x43d: {  	s4 =	simm.s32 $0x0;
	[sflag:s9] =	ssyncadd.s32 $0xFFFFA000  }
.LBB2_50:
0x43e: {  	s5 =	sshrl.u32 s4, $0x3  }
0x43f: {  	s8 =	sshll.u32 s4, $0x7;
	s5 =	smul.u32 $0x1800, s5  }
0x440: {  	s8 =	sand.u32 $0x380, s8  }
0x441: {  	s10 =	simm.s32 $0x0;
	s8 =	sor.u32 s8, s5  }
0x442: {  	s19 =	sand.u32 $0x1C00, s30;
	s12 =	sand.u32 $0x40, s10;
	s5 =	sadd.s32 $0x6200, s8  }
0x443: {  	s13 =	sor.u32 $0x10, s12;
	s11 =	sadd.s32 s19, s5  }
0x444: {  	s16 =	sor.u32 $0x20, s12;
	s14 =	sadd.s32 s13, s11  }
0x445: {  	s17 =	sor.u32 $0x30, s12;
	s20 =	sadd.s32 s16, s11;
	v4 =	vld [tilespmem:s14+$0x0]  }
0x446: {  	s21 =	sadd.s32 s17, s11;
	v5 =	vld [tilespmem:s20+$0x0]  }
0x447: {  	s8 =	sadd.s32 $0xC200, s8;
	v6 =	vld [tilespmem:s21+$0x0]  }
0x448: {  	s11 =	sadd.s32 s12, s11;
	s14 =	sadd.s32 s19, s8  }
0x449: {  	s10 =	simm.s32 $0x40;
	v3 =	vld [tilespmem:s11+$0x0];
	s11 =	simm.s32 $0x200;
	s13 =	sadd.s32 s13, s14  }
0x44a: {  	s18 =	sand.u32 $0x40, s10;
	s16 =	sadd.s32 s16, s14;
	s19 =	sand.u32 $0x1C00, s11;
	[tilespmem:s13+$0x0] =	vst.add.f32.msk $0xffff, v4  }
0x44b: {  	s20 =	sor.u32 $0x10, s18;
	s22 =	sadd.s32 s17, s14;
	s17 =	sadd.s32 s19, s5;
	[tilespmem:s16+$0x0] =	vst.add.f32.msk $0xffff, v5  }
0x44c: {  	s21 =	sor.u32 $0x20, s18;
	s23 =	sadd.s32 s20, s17;
	[tilespmem:s22+$0x0] =	vst.add.f32.msk $0xffff, v6  }
0x44d: {  	s22 =	sor.u32 $0x30, s18;
	v4 =	vld [tilespmem:s23+$0x0];
	s23 =	sadd.s32 s21, s17  }
0x44e: {  	s19 =	sadd.s32 s19, s8;
	v5 =	vld [tilespmem:s23+$0x0];
	s13 =	sadd.s32 s22, s17  }
0x44f: {  	s12 =	sadd.s32 s12, s14;
	s16 =	sadd.s32 s20, s19;
	s23 =	sadd.s32 s18, s17;
	v7 =	vld [tilespmem:s13+$0x0]  }
0x450: {  	s17 =	sadd.s32 s18, s19;
	s14 =	sadd.s32 s22, s19;
	s13 =	sadd.s32 s21, s19;
	v6 =	vld [tilespmem:s23+$0x0]  }
.LBB2_51:
0x451: {  	s10 =	sadd.s32 $0x40, s10;
	s11 =	sadd.s32 $0x200, s11;
	[tilespmem:s12+$0x0] =	vst.add.f32.msk $0xffff, v3;
	s12 =	smov.u32 s17  }
0x452: {  	s17 =	sand.u32 $0x40, s10;
	s18 =	sand.u32 $0x1C00, s11;
	p0 =	slt.u32 s10, $0x2C0;
	[tilespmem:s16+$0x0] =	vst.add.f32.msk $0xffff, v4  }
0x453: {  	s19 =	sadd.s32 s18, s5;
	s16 =	sor.u32 $0x10, s17;
	s20 =	sor.u32 $0x30, s17;
	[tilespmem:s13+$0x0] =	vst.add.f32.msk $0xffff, v5  }
.Ltmp24:
0x454: {  	s21 =	sor.u32 $0x20, s17;
	s13 =	sadd.s32 s16, s19;
	[tilespmem:s14+$0x0] =	vst.add.f32.msk $0xffff, v7;
	(pc) =	sbr.rel @p0 .LBB2_51-.Ltmp24, $4  }
0x455: {  	s22 =	sadd.s32 s17, s19;
	s14 =	sadd.s32 s18, s8;
	v4 =	vld [tilespmem:s13+$0x0];
	s13 =	sadd.s32 s21, s19;
	v3 =	vmov v6  }
0x456: {  	s18 =	sadd.s32 s20, s19;
	s16 =	sadd.s32 s16, s14;
	v5 =	vld [tilespmem:s13+$0x0];
	s13 =	sadd.s32 s21, s14  }
0x457: {  	s17 =	sadd.s32 s17, s14;
	s14 =	sadd.s32 s20, s14;
	v7 =	vld [tilespmem:s18+$0x0]  }
0x458: {  	v6 =	vld [tilespmem:s22+$0x0]  }
0x459: {  	s4 =	sadd.s32 $0x1, s4  }
0x45a: {  	p0 =	sne.s32 s4, $0x20  }
.Ltmp25:
0x45b: {  	[tilespmem:s12+$0x0] =	vst.add.f32.msk $0xffff, v3;
	(pc) =	sbr.rel @p0 .LBB2_50-.Ltmp25, $4  }
0x45c: {  	[tilespmem:s16+$0x0] =	vst.add.f32.msk $0xffff, v4  }
0x45d: {  	[tilespmem:s13+$0x0] =	vst.add.f32.msk $0xffff, v5  }
0x45e: {  	[tilespmem:s14+$0x0] =	vst.add.f32.msk $0xffff, v7  }
0x45f: {  	[tilespmem:s17+$0x0] =	vst.add.f32.msk $0xffff, v6  }
0x460: {  	s30 =	simm.s32 $0x0;
	s4 =	rddreg [dreg:$0x16]  }
0x461: {  	[hbm4b:s4+s30] =	stream.linear.scatter [tilespmem:s31], [sflag:$0x3], $0x6000, $0x38;
	[tilespmem:$0x18200] =	vst v63  }
0x462: {  	_ =	swait.ge [sflag:s29], $0x6000  }
0x463: {  	[sflag:s29] =	ssyncset.done $0x0  }
0x464: {  	[sflag:s29] =	ssyncadd.s32 $0xFFFFA000  }
0x465: {  	v3 =	vld [tilespmem:$0x160];
	_ =	sdelay $0x4  }
0x466: {  	v4 =	vshrl.u32 v3, $0x3  }
0x467: {  	v4 =	vmul.u32 $0x30, v4  }
0x468: {  	v3 =	vand.u32 $0x7, v3  }
0x469: {  	v3 =	vor.u32 v3, v4  }
0x46a: {  	v4 =	vperm.xlane v3, v0;
	_ =	sdelay $0x1  }
0x46b: {  	v4 =	vadd.s32 v1, v4;
	_ =	sdelay $0x3  }
0x46c: {  	v3 =	vperm.xlane v3, v2  }
0x46d: {  	[tilespmem:s31], [sflag:$0x1] =	stream.indirect_vreg.gather [hbm4b:s2+s30], $0x80, v4, vm0, $0xb8;
	[tilespmem:$0x18200] =	vst v63  }
0x46e: {  	s12 =	simm.s32 $0xCA00;
	v3 =	vadd.s32 v1, v3  }
0x46f: {  	[tilespmem:s12], [sflag:$0x1] =	stream.indirect_vreg.gather [hbm4b:s6+s30], $0x80, v4, vm0, $0xb8;
	[tilespmem:$0x18200] =	vst v63  }
0x470: {  	s13 =	simm.s32 $0xD200  }
0x471: {  	[tilespmem:s13], [sflag:$0x1] =	stream.indirect_vreg.gather [hbm4b:s7+s30], $0x80, v4, vm0, $0xb8;
	[tilespmem:$0x18200] =	vst v63  }
0x472: {  	s14 =	simm.s32 $0xDA00  }
0x473: {  	[tilespmem:s14], [sflag:$0x1] =	stream.indirect_vreg.gather [hbm4b:s2+s30], $0x80, v3, vm0, $0xb8;
	[tilespmem:$0x18200] =	vst v63  }
0x474: {  	s16 =	simm.s32 $0xE200  }
0x475: {  	[tilespmem:s16], [sflag:$0x1] =	stream.indirect_vreg.gather [hbm4b:s6+s30], $0x80, v3, vm0, $0xb8;
	[tilespmem:$0x18200] =	vst v63  }
0x476: {  	s17 =	simm.s32 $0xEA00  }
0x477: {  	[tilespmem:s17], [sflag:$0x1] =	stream.indirect_vreg.gather [hbm4b:s7+s30], $0x80, v3, vm0, $0xb8;
	[tilespmem:$0x18200] =	vst v63  }
0x478: {  	v3 =	vld [tilespmem:$0x170];
	_ =	sdelay $0x4  }
0x479: {  	v63 =	vshrl.u32 v3, $0x3  }
0x47a: {  	v4 =	vmul.u32 $0x30, v63  }
0x47b: {  	v3 =	vand.u32 $0x7, v3  }
0x47c: {  	v3 =	vor.u32 v3, v4  }
0x47d: {  	v4 =	vperm.xlane v3, v0;
	_ =	sdelay $0x1  }
0x47e: {  	v4 =	vadd.s32 v1, v4;
	_ =	sdelay $0x3  }
0x47f: {  	s18 =	simm.s32 $0xF200;
	v3 =	vperm.xlane v3, v2  }
0x480: {  	[tilespmem:s18], [sflag:$0x1] =	stream.indirect_vreg.gather [hbm4b:s2+s30], $0x80, v4, vm0, $0xb8;
	[tilespmem:$0x18200] =	vst v63  }
0x481: {  	s19 =	simm.s32 $0xFA00;
	v3 =	vadd.s32 v1, v3  }
0x482: {  	[tilespmem:s19], [sflag:$0x1] =	stream.indirect_vreg.gather [hbm4b:s6+s30], $0x80, v4, vm0, $0xb8;
	[tilespmem:$0x18200] =	vst v63  }
0x483: {  	s20 =	simm.s32 $0x10200  }
0x484: {  	[tilespmem:s20], [sflag:$0x1] =	stream.indirect_vreg.gather [hbm4b:s7+s30], $0x80, v4, vm0, $0xb8;
	[tilespmem:$0x18200] =	vst v63  }
0x485: {  	s21 =	simm.s32 $0x10A00  }
0x486: {  	[tilespmem:s21], [sflag:$0x1] =	stream.indirect_vreg.gather [hbm4b:s2+s30], $0x80, v3, vm0, $0xb8;
	[tilespmem:$0x18200] =	vst v63  }
0x487: {  	s22 =	simm.s32 $0x11200  }
0x488: {  	[tilespmem:s22], [sflag:$0x1] =	stream.indirect_vreg.gather [hbm4b:s6+s30], $0x80, v3, vm0, $0xb8;
	[tilespmem:$0x18200] =	vst v63  }
0x489: {  	s23 =	simm.s32 $0x11A00  }
0x48a: {  	[tilespmem:s23], [sflag:$0x1] =	stream.indirect_vreg.gather [hbm4b:s7+s30], $0x80, v3, vm0, $0xb8;
	[tilespmem:$0x18200] =	vst v63  }
0x48b: {  	_ =	swait.ge [sflag:s28], $0x6000  }
0x48c: {  	[sflag:s28] =	ssyncset.done $0x0  }
0x48d: {  	s4 =	simm.s32 $0x0;
	[sflag:s28] =	ssyncadd.s32 $0xFFFFA000  }
.LBB2_54:
0x48e: {  	s5 =	sshrl.u32 s4, $0x3  }
0x48f: {  	s8 =	sshll.u32 s4, $0x7;
	s5 =	smul.u32 $0x1800, s5  }
0x490: {  	s11 =	simm.s32 $0x0;
	s22 =	sand.u32 $0x1C00, s30;
	s8 =	sand.u32 $0x380, s8  }
0x491: {  	s13 =	sand.u32 $0x40, s11;
	s10 =	sor.u32 $0x30, s8;
	s5 =	sadd.s32 $0x6000, s5  }
0x492: {  	s12 =	sor.u32 s10, s13;
	s14 =	sadd.s32 s22, s5  }
0x493: {  	s11 =	sor.u32 $0x10, s8;
	s16 =	sor.u32 s8, s13;
	s17 =	sor.u32 s14, s12  }
0x494: {  	s18 =	sor.u32 s11, s13;
	s19 =	sor.u32 s14, s16;
	v3 =	vld [tilespmem:s17+$0x200]  }
0x495: {  	s12 =	sor.u32 $0x20, s8;
	s20 =	sor.u32 s14, s18;
	v5 =	vld [tilespmem:s19+$0x200]  }
0x496: {  	s13 =	sor.u32 s12, s13;
	v6 =	vld [tilespmem:s20+$0x200]  }
0x497: {  	s13 =	sor.u32 s14, s13  }
0x498: {  	s16 =	simm.s32 $0x200;
	s14 =	simm.s32 $0x40;
	v4 =	vld [tilespmem:s13+$0x200]  }
0x499: {  	s23 =	sand.u32 $0x1C00, s16;
	s21 =	sand.u32 $0x40, s14;
	[tilespmem:s17+$0xC200] =	vst.add.f32.msk $0xffff, v3  }
0x49a: {  	s22 =	sadd.s32 s23, s5;
	s18 =	sor.u32 s10, s21;
	[tilespmem:s19+$0xC200] =	vst.add.f32.msk $0xffff, v5  }
0x49b: {  	s23 =	sor.u32 s8, s21;
	s18 =	sor.u32 s22, s18;
	[tilespmem:s20+$0xC200] =	vst.add.f32.msk $0xffff, v6  }
0x49c: {  	s20 =	sor.u32 s11, s21;
	s19 =	sor.u32 s22, s23;
	v6 =	vld [tilespmem:s18+$0x200]  }
0x49d: {  	s23 =	sor.u32 s12, s21;
	s17 =	sor.u32 s22, s20;
	v7 =	vld [tilespmem:s19+$0x200]  }
0x49e: {  	s20 =	sor.u32 s22, s23;
	v5 =	vld [tilespmem:s17+$0x200]  }
0x49f: {  	v3 =	vld [tilespmem:s20+$0x200]  }
.LBB2_55:
0x4a0: {  	s16 =	sadd.s32 $0x200, s16  }
0x4a1: {  	s14 =	sadd.s32 $0x40, s14;
	[tilespmem:s13+$0xC200] =	vst.add.f32.msk $0xffff, v4;
	s13 =	smov.u32 s20;
	s21 =	sand.u32 $0x1C00, s16  }
0x4a2: {  	s20 =	sand.u32 $0x40, s14;
	p0 =	slt.u32 s14, $0x2C0;
	[tilespmem:s18+$0xC200] =	vst.add.f32.msk $0xffff, v6;
	s21 =	sadd.s32 s21, s5  }
0x4a3: {  	s22 =	sor.u32 s8, s20;
	s18 =	sor.u32 s10, s20;
	[tilespmem:s19+$0xC200] =	vst.add.f32.msk $0xffff, v7;
	s23 =	sor.u32 s11, s20  }
.Ltmp26:
0x4a4: {  	s20 =	sor.u32 s12, s20;
	s18 =	sor.u32 s21, s18;
	[tilespmem:s17+$0xC200] =	vst.add.f32.msk $0xffff, v5;
	(pc) =	sbr.rel @p0 .LBB2_55-.Ltmp26, $4  }
0x4a5: {  	s19 =	sor.u32 s21, s22;
	s17 =	sor.u32 s21, s23;
	s20 =	sor.u32 s21, s20;
	v6 =	vld [tilespmem:s18+$0x200];
	v4 =	vmov v3  }
0x4a6: {  	v7 =	vld [tilespmem:s19+$0x200]  }
0x4a7: {  	v5 =	vld [tilespmem:s17+$0x200]  }
0x4a8: {  	v3 =	vld [tilespmem:s20+$0x200]  }
0x4a9: {  	s4 =	sadd.s32 $0x1, s4  }
0x4aa: {  	p0 =	sne.s32 s4, $0x20  }
.Ltmp27:
0x4ab: {  	[tilespmem:s13+$0xC200] =	vst.add.f32.msk $0xffff, v4;
	(pc) =	sbr.rel @p0 .LBB2_54-.Ltmp27, $4  }
0x4ac: {  	[tilespmem:s18+$0xC200] =	vst.add.f32.msk $0xffff, v6  }
0x4ad: {  	[tilespmem:s19+$0xC200] =	vst.add.f32.msk $0xffff, v7  }
0x4ae: {  	[tilespmem:s17+$0xC200] =	vst.add.f32.msk $0xffff, v5  }
0x4af: {  	[tilespmem:s20+$0xC200] =	vst.add.f32.msk $0xffff, v3  }
0x4b0: {  	s30 =	simm.s32 $0x0;
	s4 =	rddreg [dreg:$0x17]  }
0x4b1: {  	[hbm4b:s4+s30] =	stream.linear.scatter [tilespmem:s15], [sflag:$0x4], $0x6000, $0x38;
	[tilespmem:$0x18200] =	vst v63  }
0x4b2: {  	_ =	swait.ge [sflag:s0], $0x6000  }
0x4b3: {  	[sflag:s0] =	ssyncset.done $0x0  }
0x4b4: {  	[sflag:s0] =	ssyncadd.s32 $0xFFFFA000  }
0x4b5: {  	v3 =	vld [tilespmem:$0x1E0];
	_ =	sdelay $0x4  }
0x4b6: {  	v4 =	vshrl.u32 v3, $0x3  }
0x4b7: {  	v4 =	vmul.u32 $0x30, v4  }
0x4b8: {  	v3 =	vand.u32 $0x7, v3  }
0x4b9: {  	v3 =	vor.u32 v3, v4  }
0x4ba: {  	v4 =	vperm.xlane v3, v0;
	_ =	sdelay $0x1  }
0x4bb: {  	v4 =	vadd.s32 v1, v4;
	_ =	sdelay $0x3  }
0x4bc: {  	v3 =	vperm.xlane v3, v2  }
0x4bd: {  	[tilespmem:s15], [sflag:$0x2] =	stream.indirect_vreg.gather [hbm4b:s2+s30], $0x80, v4, vm0, $0xb8;
	[tilespmem:$0x18200] =	vst v63  }
0x4be: {  	s16 =	simm.s32 $0x12A00;
	v3 =	vadd.s32 v1, v3  }
0x4bf: {  	[tilespmem:s16], [sflag:$0x2] =	stream.indirect_vreg.gather [hbm4b:s6+s30], $0x80, v4, vm0, $0xb8;
	[tilespmem:$0x18200] =	vst v63  }
0x4c0: {  	s17 =	simm.s32 $0x13200  }
0x4c1: {  	[tilespmem:s17], [sflag:$0x2] =	stream.indirect_vreg.gather [hbm4b:s7+s30], $0x80, v4, vm0, $0xb8;
	[tilespmem:$0x18200] =	vst v63  }
0x4c2: {  	s18 =	simm.s32 $0x13A00  }
0x4c3: {  	[tilespmem:s18], [sflag:$0x2] =	stream.indirect_vreg.gather [hbm4b:s2+s30], $0x80, v3, vm0, $0xb8;
	[tilespmem:$0x18200] =	vst v63  }
0x4c4: {  	s19 =	simm.s32 $0x14200  }
0x4c5: {  	[tilespmem:s19], [sflag:$0x2] =	stream.indirect_vreg.gather [hbm4b:s6+s30], $0x80, v3, vm0, $0xb8;
	[tilespmem:$0x18200] =	vst v63  }
0x4c6: {  	s20 =	simm.s32 $0x14A00  }
0x4c7: {  	[tilespmem:s20], [sflag:$0x2] =	stream.indirect_vreg.gather [hbm4b:s7+s30], $0x80, v3, vm0, $0xb8;
	[tilespmem:$0x18200] =	vst v63  }
0x4c8: {  	v3 =	vld [tilespmem:$0x1F0];
	_ =	sdelay $0x4  }
0x4c9: {  	v63 =	vshrl.u32 v3, $0x3  }
0x4ca: {  	v4 =	vmul.u32 $0x30, v63  }
0x4cb: {  	v3 =	vand.u32 $0x7, v3  }
0x4cc: {  	v3 =	vor.u32 v3, v4  }
0x4cd: {  	v4 =	vperm.xlane v3, v0;
	_ =	sdelay $0x1  }
0x4ce: {  	v4 =	vadd.s32 v1, v4;
	_ =	sdelay $0x3  }
0x4cf: {  	s21 =	simm.s32 $0x15200;
	v3 =	vperm.xlane v3, v2  }
0x4d0: {  	[tilespmem:s21], [sflag:$0x2] =	stream.indirect_vreg.gather [hbm4b:s2+s30], $0x80, v4, vm0, $0xb8;
	[tilespmem:$0x18200] =	vst v63  }
0x4d1: {  	s22 =	simm.s32 $0x15A00;
	v3 =	vadd.s32 v1, v3  }
0x4d2: {  	[tilespmem:s22], [sflag:$0x2] =	stream.indirect_vreg.gather [hbm4b:s6+s30], $0x80, v4, vm0, $0xb8;
	[tilespmem:$0x18200] =	vst v63  }
0x4d3: {  	s23 =	simm.s32 $0x16200  }
0x4d4: {  	[tilespmem:s23], [sflag:$0x2] =	stream.indirect_vreg.gather [hbm4b:s7+s30], $0x80, v4, vm0, $0xb8;
	[tilespmem:$0x18200] =	vst v63  }
0x4d5: {  	_ = 	snop  }
0x4d6: {  	[tilespmem:s24], [sflag:$0x2] =	stream.indirect_vreg.gather [hbm4b:s2+s30], $0x80, v3, vm0, $0xb8;
	[tilespmem:$0x18200] =	vst v63  }
0x4d7: {  	_ = 	snop  }
0x4d8: {  	[tilespmem:s25], [sflag:$0x2] =	stream.indirect_vreg.gather [hbm4b:s6+s30], $0x80, v3, vm0, $0xb8;
	[tilespmem:$0x18200] =	vst v63  }
0x4d9: {  	_ = 	snop  }
0x4da: {  	[tilespmem:s26], [sflag:$0x2] =	stream.indirect_vreg.gather [hbm4b:s7+s30], $0x80, v3, vm0, $0xb8;
	[tilespmem:$0x18200] =	vst v63  }
0x4db: {  	_ =	swait.ge [sflag:s9], $0x6000  }
0x4dc: {  	[sflag:s9] =	ssyncset.done $0x0  }
0x4dd: {  	s4 =	simm.s32 $0x0;
	[sflag:s9] =	ssyncadd.s32 $0xFFFFA000  }
.LBB2_58:
0x4de: {  	s5 =	sshrl.u32 s4, $0x3  }
0x4df: {  	s8 =	sshll.u32 s4, $0x7;
	s5 =	smul.u32 $0x1800, s5  }
0x4e0: {  	s8 =	sand.u32 $0x380, s8  }
0x4e1: {  	s10 =	simm.s32 $0x0;
	s8 =	sor.u32 s8, s5  }
0x4e2: {  	s19 =	sand.u32 $0x1C00, s30;
	s12 =	sand.u32 $0x40, s10;
	s5 =	sadd.s32 $0x6200, s8  }
0x4e3: {  	s13 =	sor.u32 $0x10, s12;
	s11 =	sadd.s32 s19, s5  }
0x4e4: {  	s16 =	sor.u32 $0x20, s12;
	s14 =	sadd.s32 s13, s11  }
0x4e5: {  	s17 =	sor.u32 $0x30, s12;
	s20 =	sadd.s32 s16, s11;
	v4 =	vld [tilespmem:s14+$0x0]  }
0x4e6: {  	s21 =	sadd.s32 s17, s11;
	v5 =	vld [tilespmem:s20+$0x0]  }
0x4e7: {  	s8 =	sadd.s32 $0xC200, s8;
	v6 =	vld [tilespmem:s21+$0x0]  }
0x4e8: {  	s11 =	sadd.s32 s12, s11;
	s14 =	sadd.s32 s19, s8  }
0x4e9: {  	s10 =	simm.s32 $0x40;
	v3 =	vld [tilespmem:s11+$0x0];
	s11 =	simm.s32 $0x200;
	s13 =	sadd.s32 s13, s14  }
0x4ea: {  	s18 =	sand.u32 $0x40, s10;
	s16 =	sadd.s32 s16, s14;
	s19 =	sand.u32 $0x1C00, s11;
	[tilespmem:s13+$0x0] =	vst.add.f32.msk $0xffff, v4  }
0x4eb: {  	s20 =	sor.u32 $0x10, s18;
	s22 =	sadd.s32 s17, s14;
	s17 =	sadd.s32 s19, s5;
	[tilespmem:s16+$0x0] =	vst.add.f32.msk $0xffff, v5  }
0x4ec: {  	s21 =	sor.u32 $0x20, s18;
	s23 =	sadd.s32 s20, s17;
	[tilespmem:s22+$0x0] =	vst.add.f32.msk $0xffff, v6  }
0x4ed: {  	s22 =	sor.u32 $0x30, s18;
	v4 =	vld [tilespmem:s23+$0x0];
	s23 =	sadd.s32 s21, s17  }
0x4ee: {  	s19 =	sadd.s32 s19, s8;
	v5 =	vld [tilespmem:s23+$0x0];
	s13 =	sadd.s32 s22, s17  }
0x4ef: {  	s12 =	sadd.s32 s12, s14;
	s16 =	sadd.s32 s20, s19;
	s23 =	sadd.s32 s18, s17;
	v7 =	vld [tilespmem:s13+$0x0]  }
0x4f0: {  	s17 =	sadd.s32 s18, s19;
	s14 =	sadd.s32 s22, s19;
	s13 =	sadd.s32 s21, s19;
	v6 =	vld [tilespmem:s23+$0x0]  }
.LBB2_59:
0x4f1: {  	s10 =	sadd.s32 $0x40, s10;
	s11 =	sadd.s32 $0x200, s11;
	[tilespmem:s12+$0x0] =	vst.add.f32.msk $0xffff, v3;
	s12 =	smov.u32 s17  }
0x4f2: {  	s17 =	sand.u32 $0x40, s10;
	s18 =	sand.u32 $0x1C00, s11;
	p0 =	slt.u32 s10, $0x2C0;
	[tilespmem:s16+$0x0] =	vst.add.f32.msk $0xffff, v4  }
0x4f3: {  	s19 =	sadd.s32 s18, s5;
	s16 =	sor.u32 $0x10, s17;
	s20 =	sor.u32 $0x30, s17;
	[tilespmem:s13+$0x0] =	vst.add.f32.msk $0xffff, v5  }
.Ltmp28:
0x4f4: {  	s21 =	sor.u32 $0x20, s17;
	s13 =	sadd.s32 s16, s19;
	[tilespmem:s14+$0x0] =	vst.add.f32.msk $0xffff, v7;
	(pc) =	sbr.rel @p0 .LBB2_59-.Ltmp28, $4  }
0x4f5: {  	s22 =	sadd.s32 s17, s19;
	s14 =	sadd.s32 s18, s8;
	v4 =	vld [tilespmem:s13+$0x0];
	s13 =	sadd.s32 s21, s19;
	v3 =	vmov v6  }
0x4f6: {  	s18 =	sadd.s32 s20, s19;
	s16 =	sadd.s32 s16, s14;
	v5 =	vld [tilespmem:s13+$0x0];
	s13 =	sadd.s32 s21, s14  }
0x4f7: {  	s17 =	sadd.s32 s17, s14;
	s14 =	sadd.s32 s20, s14;
	v7 =	vld [tilespmem:s18+$0x0]  }
0x4f8: {  	v6 =	vld [tilespmem:s22+$0x0]  }
0x4f9: {  	s4 =	sadd.s32 $0x1, s4  }
0x4fa: {  	p0 =	sne.s32 s4, $0x20  }
.Ltmp29:
0x4fb: {  	[tilespmem:s12+$0x0] =	vst.add.f32.msk $0xffff, v3;
	(pc) =	sbr.rel @p0 .LBB2_58-.Ltmp29, $4  }
0x4fc: {  	[tilespmem:s16+$0x0] =	vst.add.f32.msk $0xffff, v4  }
0x4fd: {  	[tilespmem:s13+$0x0] =	vst.add.f32.msk $0xffff, v5  }
0x4fe: {  	[tilespmem:s14+$0x0] =	vst.add.f32.msk $0xffff, v7  }
0x4ff: {  	[tilespmem:s17+$0x0] =	vst.add.f32.msk $0xffff, v6  }
0x500: {  	s4 =	simm.s32 $0x0;
	s5 =	rddreg [dreg:$0x19]  }
0x501: {  	[hbm4b:s5+s4] =	stream.linear.scatter [tilespmem:s31], [sflag:$0x3], $0x6000, $0x38;
	[tilespmem:$0x18200] =	vst v63  }
0x502: {  	_ =	swait.ge [sflag:s28], $0x6000  }
0x503: {  	[sflag:s28] =	ssyncset.done $0x0  }
0x504: {  	s30 =	simm.s32 $0x0;
	[sflag:s28] =	ssyncadd.s32 $0xFFFFA000  }
.LBB2_62:
0x505: {  	s5 =	sshrl.u32 s30, $0x3  }
0x506: {  	s8 =	sshll.u32 s30, $0x7;
	s5 =	smul.u32 $0x1800, s5  }
0x507: {  	s11 =	simm.s32 $0x0;
	s22 =	sand.u32 $0x1C00, s4;
	s8 =	sand.u32 $0x380, s8  }
0x508: {  	s13 =	sand.u32 $0x40, s11;
	s10 =	sor.u32 $0x30, s8;
	s5 =	sadd.s32 $0x6000, s5  }
0x509: {  	s12 =	sor.u32 s10, s13;
	s14 =	sadd.s32 s22, s5  }
0x50a: {  	s11 =	sor.u32 $0x10, s8;
	s16 =	sor.u32 s8, s13;
	s17 =	sor.u32 s14, s12  }
0x50b: {  	s18 =	sor.u32 s11, s13;
	s19 =	sor.u32 s14, s16;
	v3 =	vld [tilespmem:s17+$0x200]  }
0x50c: {  	s12 =	sor.u32 $0x20, s8;
	s20 =	sor.u32 s14, s18;
	v5 =	vld [tilespmem:s19+$0x200]  }
0x50d: {  	s13 =	sor.u32 s12, s13;
	v6 =	vld [tilespmem:s20+$0x200]  }
0x50e: {  	s13 =	sor.u32 s14, s13  }
0x50f: {  	s16 =	simm.s32 $0x200;
	s14 =	simm.s32 $0x40;
	v4 =	vld [tilespmem:s13+$0x200]  }
0x510: {  	s23 =	sand.u32 $0x1C00, s16;
	s21 =	sand.u32 $0x40, s14;
	[tilespmem:s17+$0xC200] =	vst.add.f32.msk $0xffff, v3  }
0x511: {  	s22 =	sadd.s32 s23, s5;
	s18 =	sor.u32 s10, s21;
	[tilespmem:s19+$0xC200] =	vst.add.f32.msk $0xffff, v5  }
0x512: {  	s23 =	sor.u32 s8, s21;
	s18 =	sor.u32 s22, s18;
	[tilespmem:s20+$0xC200] =	vst.add.f32.msk $0xffff, v6  }
0x513: {  	s20 =	sor.u32 s11, s21;
	s19 =	sor.u32 s22, s23;
	v6 =	vld [tilespmem:s18+$0x200]  }
0x514: {  	s23 =	sor.u32 s12, s21;
	s17 =	sor.u32 s22, s20;
	v7 =	vld [tilespmem:s19+$0x200]  }
0x515: {  	s20 =	sor.u32 s22, s23;
	v5 =	vld [tilespmem:s17+$0x200]  }
0x516: {  	v3 =	vld [tilespmem:s20+$0x200]  }
.LBB2_63:
0x517: {  	s16 =	sadd.s32 $0x200, s16  }
0x518: {  	s14 =	sadd.s32 $0x40, s14;
	[tilespmem:s13+$0xC200] =	vst.add.f32.msk $0xffff, v4;
	s13 =	smov.u32 s20;
	s21 =	sand.u32 $0x1C00, s16  }
0x519: {  	s20 =	sand.u32 $0x40, s14;
	p0 =	slt.u32 s14, $0x2C0;
	[tilespmem:s18+$0xC200] =	vst.add.f32.msk $0xffff, v6;
	s21 =	sadd.s32 s21, s5  }
0x51a: {  	s22 =	sor.u32 s8, s20;
	s18 =	sor.u32 s10, s20;
	[tilespmem:s19+$0xC200] =	vst.add.f32.msk $0xffff, v7;
	s23 =	sor.u32 s11, s20  }
.Ltmp30:
0x51b: {  	s20 =	sor.u32 s12, s20;
	s18 =	sor.u32 s21, s18;
	[tilespmem:s17+$0xC200] =	vst.add.f32.msk $0xffff, v5;
	(pc) =	sbr.rel @p0 .LBB2_63-.Ltmp30, $4  }
0x51c: {  	s19 =	sor.u32 s21, s22;
	s17 =	sor.u32 s21, s23;
	s20 =	sor.u32 s21, s20;
	v6 =	vld [tilespmem:s18+$0x200];
	v4 =	vmov v3  }
0x51d: {  	v7 =	vld [tilespmem:s19+$0x200]  }
0x51e: {  	v5 =	vld [tilespmem:s17+$0x200]  }
0x51f: {  	v3 =	vld [tilespmem:s20+$0x200]  }
0x520: {  	s30 =	sadd.s32 $0x1, s30  }
0x521: {  	p0 =	sne.s32 s30, $0x20  }
.Ltmp31:
0x522: {  	[tilespmem:s13+$0xC200] =	vst.add.f32.msk $0xffff, v4;
	(pc) =	sbr.rel @p0 .LBB2_62-.Ltmp31, $4  }
0x523: {  	[tilespmem:s18+$0xC200] =	vst.add.f32.msk $0xffff, v6  }
0x524: {  	[tilespmem:s19+$0xC200] =	vst.add.f32.msk $0xffff, v7  }
0x525: {  	[tilespmem:s17+$0xC200] =	vst.add.f32.msk $0xffff, v5  }
0x526: {  	[tilespmem:s20+$0xC200] =	vst.add.f32.msk $0xffff, v3  }
0x527: {  	s4 =	rddreg [dreg:$0x1a]  }
0x528: {  	[hbm4b:s4+s3] =	stream.linear.scatter [tilespmem:s15], [sflag:$0x4], $0x6000, $0x38;
	[tilespmem:$0x18200] =	vst v63  }
0x529: {  	_ =	swait.ge [sflag:s29], $0x6000  }
0x52a: {  	[sflag:s29] =	ssyncset.done $0x0  }
0x52b: {  	[sflag:s29] =	ssyncadd.s32 $0xFFFFA000  }
0x52c: {  	_ =	swait.ge [sflag:s0], $0x6000  }
0x52d: {  	s1 =	sadd.s32 $0x1, s1;
	s30 =	rddreg [dreg:$0x18]  }
0x52e: {  	p0 =	sne.s32 s1, s30  }
.Ltmp32:
0x52f: {  	_ = 	snop;
	(pc) =	sbr.rel @p0 .LBB2_1-.Ltmp32, $3  }
0x530: {  	_ =	sdelay $0x1  }
0x531: {  	[sflag:s0] =	ssyncset.done $0x0  }
0x532: {  	[sflag:s0] =	ssyncadd.s32 $0xFFFFA000  }
0x533: {  	_ =	sfence.sel $0x180000  }
0x534: {  	[bflag:$0x0] =	sbarrier.arrive $0xFFFF  }
0x535: {  	_ =	strace $0x90000047  }
0x536: {  	s0 =	stileid.u32;
	[bflag:$0x2] =	sbarrier.arrive $0xFFFF  }
0x537: {  	p0 =	sne.s32 s0, $0x0;
	s0 =	rddreg [dreg:$0x4]  }
0x538: {  	s0 =	sadd.s32 @!p0 $0x100000, s0  }
0x539: {  	[sflag:s0] =	ssyncadd.tile.s32 @!p0 $0x1;
	_ =	shalt  }
.Lfunc_end2:
_tile_overlayer_lowered:
.L_overlay_start_2:
0x53a: {  	(tag) =	ssettag $0x2  }
0x53b: {  	s0 =	rddreg [dreg:$0x0];
	s2 =	stileid.u32  }
0x53c: {  	s1 =	rddreg [dreg:$0x1];
	p0 =	sne.s32 s2, $0x0  }
0x53d: {  	s3 =	rddreg [dreg:$0x2];
	[bflag:$0x3] =	sbarrier.arrive $0xFFFF;
	s2 =	simm.s32 @!p0 $0x1C07  }
0x53e: {  	[timem:s3], [sflag:s2] =	dma.local @!p0 [hbm:s0], s1  }
0x53f: {  	s0 =	simm.s32 @!p0 $0x7  }
0x540: {  	_ =	swait.ge @!p0 [sflag:s0], s1  }
0x541: {  	s1 =	ssub.s32 @!p0 $0x0, s1;
	[sflag:s0] =	ssyncset.done @!p0 $0x0  }
0x542: {  	[sflag:s0] =	ssyncadd.s32 @!p0 s1  }
0x543: {  	[bflag:$0x3] =	sbarrier.arrive $0xFFFF  }
0x544: {  	_ =	shalt  }

</sc_bundles>
